<compile_context>
chip_gen: v7x
topology: tpu7x:2x2x1
jax: 0.10.2.dev20260603
libtpu: 0.0.44.dev20260713+nightly
codegen_flags: <defaults>
</compile_context>

<pallas_src>
import functools

import jax
import jax.numpy as jnp
from jax import lax
from jax.experimental import pallas as pl
from jax.experimental.pallas import tpu as pltpu
from jax.experimental.pallas import tpu_sc as plsc

VOCAB = 1000000
EMB = 64
HID = 128
B = 16384
L = 200
SPLIT = 128
REST = L - SPLIT
LANES = 16

NC = 2
NS = 16
NW = NC * NS
RPW = B // NW
ICH = 256
NCH = RPW // ICH
NBUF = 4


def _pool_body(x_hbm, emb_hbm, out_hbm, idx_c, rows, outc, *sems):
    c = lax.axis_index("c")
    s = lax.axis_index("s")
    wid = s * NC + c
    base = wid * RPW

    def descs(j, b):
        d0 = pltpu.make_async_copy(
            emb_hbm.at[idx_c.at[pl.ds(j * L, SPLIT)]],
            rows.at[b, pl.ds(0, SPLIT)], sems[b])
        d1 = pltpu.make_async_copy(
            emb_hbm.at[idx_c.at[pl.ds(j * L + SPLIT, REST)]],
            rows.at[b, pl.ds(SPLIT, REST)], sems[b])
        return d0, d1

    def start(j, b):
        d0, d1 = descs(j, b)
        d0.start()
        d1.start()

    def wait(j, b):
        d0, d1 = descs(j, b)
        d0.wait()
        d1.wait()

    def row_add(b, l, acc):
        new = list(acc)
        for q in range(4):
            new[q] = new[q] + rows[b, l, pl.ds(q * LANES, LANES)]
        return tuple(new)

    def process(j, b):
        def lstep(k, acc):
            for t in range(8):
                acc = row_add(b, k * 8 + t, acc)
            return acc

        zero = jnp.zeros((LANES,), jnp.float32)
        acc = lax.fori_loop(0, L // 8, lstep, (zero,) * 4)

        cnt = jnp.zeros((LANES,), jnp.int32)
        for k in range(L // LANES):
            v = idx_c[pl.ds(j * L + k * LANES, LANES)]
            cnt = cnt + plsc.all_reduce_population_count(v != 0)
        vt = idx_c[pl.ds(j * L + L - LANES, LANES)]
        tail_mask = lax.iota(jnp.int32, LANES) >= 8
        cnt = cnt + plsc.all_reduce_population_count((vt != 0) & tail_mask)
        lenf = jnp.maximum(cnt.astype(jnp.float32), 1.0)

        for q in range(4):
            outc[j, pl.ds(q * LANES, LANES)] = acc[q] / lenf

    def chunk(g, carry):
        pltpu.sync_copy(x_hbm.at[pl.ds((base + g * ICH) * L, ICH * L)], idx_c)
        for b in range(NBUF - 1):
            start(b, b)

        def grp(q, inner):
            j0 = q * NBUF
            for b in range(NBUF):
                j = j0 + b

                @pl.when(j + NBUF - 1 < ICH)
                def _():
                    start(j + NBUF - 1, (b + NBUF - 1) % NBUF)

                wait(j, b)
                process(j, b)
            return inner

        lax.fori_loop(0, ICH // NBUF, grp, carry)
        pltpu.sync_copy(outc, out_hbm.at[pl.ds(base + g * ICH, ICH)])
        return carry

    lax.fori_loop(0, NCH, chunk, 0)


@functools.partial(
    pl.kernel,
    out_type=jax.ShapeDtypeStruct((B, EMB), jnp.float32),
    mesh=plsc.VectorSubcoreMesh(core_axis_name="c", subcore_axis_name="s"),
    scratch_types=[
        pltpu.VMEM((ICH * L,), jnp.int32),
        pltpu.VMEM((NBUF, L, EMB), jnp.float32),
        pltpu.VMEM((ICH, EMB), jnp.float32),
    ] + [pltpu.SemaphoreType.DMA] * NBUF,
    compiler_params=pltpu.CompilerParams(
        use_tc_tiling_on_sc=False, needs_layout_passes=False),
)
def _pool(x_hbm, emb_hbm, out_hbm, idx_c, rows, outc, *sems):
    _pool_body(x_hbm, emb_hbm, out_hbm, idx_c, rows, outc, *sems)


def _mlp_kernel(avg_ref, w1_ref, b1_ref, w2t_ref, b2_ref, out_ref):
    h = jnp.dot(avg_ref[...], w1_ref[...],
                preferred_element_type=jnp.float32) + b1_ref[...]
    h = jnp.maximum(h, 0.0)
    out_ref[...] = jnp.sum(h * w2t_ref[...], axis=1) + b2_ref[0]


_MLP_BLK = 2048


def _mlp(avg, W1, b1, w2t, b2):
    grid = (B // _MLP_BLK,)
    return pl.pallas_call(
        _mlp_kernel,
        grid=grid,
        in_specs=[
            pl.BlockSpec((_MLP_BLK, EMB), lambda i: (i, 0)),
            pl.BlockSpec((EMB, HID), lambda i: (0, 0)),
            pl.BlockSpec((1, HID), lambda i: (0, 0)),
            pl.BlockSpec((1, HID), lambda i: (0, 0)),
            pl.BlockSpec(memory_space=pltpu.SMEM),
        ],
        out_specs=pl.BlockSpec((_MLP_BLK,), lambda i: (i,)),
        out_shape=jax.ShapeDtypeStruct((B,), jnp.float32),
    )(avg, W1, b1, w2t, b2)


def kernel(x, emb, W1, b1, W2, b2):
    avg = _pool(x.reshape(B * L), emb)
    return _mlp(avg, W1, b1.reshape(1, HID), W2.reshape(1, HID), b2)

# --- scband reference (transcript-rebuilt; emitter-appended) ---
"""Pipeline reference for scband-dnnbinary-369367188137 (READ-ONLY COPY).

The authoritative reference and input builder live on the scoring server;
editing this copy changes nothing except your own understanding.
"""

import jax, jax.numpy as jnp
import numpy as np

VOCAB = 1000000
EMB = 64
HID = 128
B = 16384
L = 200


def setup_inputs(seed: int = 0) -> dict:
    key = jax.random.key(seed)
    k_x, k_emb, k_w1, k_b1, k_w2, k_b2 = jax.random.split(key, 6)
    x = jax.random.randint(k_x, (B, L), 0, VOCAB, dtype=jnp.int32)
    emb = jax.random.normal(k_emb, (VOCAB, EMB), dtype=jnp.float32) * 0.02
    emb = emb.at[0].set(0.0)  # padding_idx=0 row zeroed like nn.Embedding
    W1 = jax.random.normal(k_w1, (EMB, HID), dtype=jnp.float32) * (1.0 / np.sqrt(EMB))
    b1 = jnp.zeros((HID,), dtype=jnp.float32)
    W2 = jax.random.normal(k_w2, (HID, 1), dtype=jnp.float32) * (1.0 / np.sqrt(HID))
    b2 = jnp.zeros((1,), dtype=jnp.float32)
    return {"x": x, "emb": emb, "W1": W1, "b1": b1, "W2": W2, "b2": b2}


def reference(x, emb, W1, b1, W2, b2):
    # e = self.emb(x)  -> gather rows from embedding table
    e = jnp.take(emb, x, axis=0)  # [B, L, EMB]
    # mask = (x != 0).unsqueeze(-1)
    mask = (x != 0)[..., None].astype(jnp.float32)  # [B, L, 1]
    e = e * mask
    sum_e = e.sum(axis=1)  # [B, EMB]
    lengths = jnp.clip(mask.sum(axis=1), 1.0, None)  # [B, 1], clamp_min(1)
    avg = sum_e / lengths
    h = jax.nn.relu(avg @ W1 + b1)
    # dropout is identity in eval mode
    logit = (h @ W2 + b2)[:, 0]
    return logit

if __name__ == "__main__":
    import jax
    _d = setup_inputs()
    print(jax.jit(kernel)(*tuple(_d.values())))

</pallas_src>

<mosaic_0001>
#map = affine_map<(d0, d1) -> (0)>
#map1 = affine_map<(d0, d1) -> (0, 0)>
module attributes {stable_mosaic.version = 14 : i64} {
  func.func @_pool(%arg0: i32, %arg1: i32, %arg2: memref<3276800xi32, #tpu.memory_space<hbm>>, %arg3: memref<1000000x64xf32, #tpu.memory_space<hbm>>, %arg4: memref<16384x64xf32, #tpu.memory_space<hbm>>, %arg5: memref<51200xi32, #tpu.memory_space<vmem>>, %arg6: memref<4x200x64xf32, #tpu.memory_space<vmem>>, %arg7: memref<256x64xf32, #tpu.memory_space<vmem>>, %arg8: memref<!tpu.dma_semaphore, #tpu.memory_space<semaphore_mem>>, %arg9: memref<!tpu.dma_semaphore, #tpu.memory_space<semaphore_mem>>, %arg10: memref<!tpu.dma_semaphore, #tpu.memory_space<semaphore_mem>>, %arg11: memref<!tpu.dma_semaphore, #tpu.memory_space<semaphore_mem>>) attributes {dimension_semantics = [#tpu.dimension_semantics<core_parallel>, #tpu.dimension_semantics<subcore_parallel>], iteration_bounds = array<i64: 2, 16>, scalar_prefetch = 0 : i64, scratch_operands = 7 : i64, tpu.core_type = #tpu.core_type<sc_vector_subcore>, window_params = [{transform_indices = #map}, {transform_indices = #map1}, {transform_indices = #map1}]} {
    %mul3A = arith.constant 2 : i32
    %mul3A_0 = arith.muli %arg1, %mul3A : i32
    %add3A = arith.addi %mul3A_0, %arg0 : i32
    %mul3A_1 = arith.constant 512 : i32
    %mul3A_2 = arith.muli %add3A, %mul3A_1 : i32
    %scan3A = arith.constant 0 : i32
    %scan3A_3 = arith.constant 0 : i32
    %scan3A_4 = arith.constant 2 : i32
    %scan3A_5 = arith.addi %scan3A_3, %scan3A_4 : i32
    %scan3A_6 = arith.constant 1 : i32
    scf.for %scan3A_8 = %scan3A_3 to %scan3A_5 step %scan3A_6  : i32 {
      %mul3A_9 = arith.constant 256 : i32
      %mul3A_10 = arith.muli %scan3A_8, %mul3A_9 : i32
      %add3A_11 = arith.addi %mul3A_2, %mul3A_10 : i32
      %mul3A_12 = arith.constant 200 : i32
      %mul3A_13 = arith.muli %add3A_11, %mul3A_12 : i32
      "tpu.region"() ({
        %run_scoped3A = tpu.sem_alloc : memref<!tpu.dma_semaphore, #tpu.memory_space<semaphore_mem>>
        %dma_start3A_81 = tpu.memref_slice %arg2[%mul3A_13] : memref<3276800xi32, #tpu.memory_space<hbm>> -> memref<51200xi32, #tpu.memory_space<hbm>>
        %dma_start3A_82 = tpu.memref_slice %arg2[%mul3A_13] : memref<3276800xi32, #tpu.memory_space<hbm>> -> memref<51200xi32, #tpu.memory_space<hbm>>
        tpu.enqueue_dma source(%dma_start3A_82 : memref<51200xi32, #tpu.memory_space<hbm>>) target(%arg5 : memref<51200xi32, #tpu.memory_space<vmem>>) target_semaphore(%run_scoped3A : memref<!tpu.dma_semaphore, #tpu.memory_space<semaphore_mem>>)
        %dma_wait3A = tpu.memref_slice %arg2[%mul3A_13] : memref<3276800xi32, #tpu.memory_space<hbm>> -> memref<51200xi32, #tpu.memory_space<hbm>>
        %dma_wait3A_83 = tpu.memref_slice %arg2[%mul3A_13] : memref<3276800xi32, #tpu.memory_space<hbm>> -> memref<51200xi32, #tpu.memory_space<hbm>>
        tpu.wait_dma2 semaphore(%run_scoped3A : memref<!tpu.dma_semaphore, #tpu.memory_space<semaphore_mem>>) src(%dma_wait3A_83 : memref<51200xi32, #tpu.memory_space<hbm>>) dst(%arg5 : memref<51200xi32, #tpu.memory_space<vmem>>)
        tpu.yield
      }) : () -> ()
      %dma_start3A = arith.constant 0 : i32
      %dma_start3A_14 = arith.constant 0 : i32
      %dma_start3A_15 = arith.constant 0 : i32
      %dma_start3A_16 = tpu.memref_slice %arg6[%dma_start3A, %dma_start3A_14, %dma_start3A_15] : memref<4x200x64xf32, #tpu.memory_space<vmem>> -> memref<1x128x64xf32, #tpu.memory_space<vmem>>
      %dma_start3A_17 = tpu.memref_squeeze %dma_start3A_16 : memref<1x128x64xf32, #tpu.memory_space<vmem>> -> memref<128x64xf32, #tpu.memory_space<vmem>>
      %dma_start3A_18 = arith.constant 0 : i32
      %dma_start3A_19 = tpu.memref_slice %arg5[%dma_start3A_18] : memref<51200xi32, #tpu.memory_space<vmem>> -> memref<128xi32, #tpu.memory_space<vmem>>
      %dma_start3A_20 = arith.constant 0 : i32
      %dma_start3A_21 = arith.constant 0 : i32
      %dma_start3A_22 = tpu.memref_slice %arg3[%dma_start3A_20, %dma_start3A_21] : memref<1000000x64xf32, #tpu.memory_space<hbm>> -> memref<1000000x64xf32, #tpu.memory_space<hbm>>
      tpu.enqueue_indirect_dma source(%dma_start3A_22 : memref<1000000x64xf32, #tpu.memory_space<hbm>>) target(%dma_start3A_17 : memref<128x64xf32, #tpu.memory_space<vmem>>) offsets(%dma_start3A_19 : memref<128xi32, #tpu.memory_space<vmem>>) semaphore(%arg8 : memref<!tpu.dma_semaphore, #tpu.memory_space<semaphore_mem>>)
      %dma_start3A_23 = arith.constant 0 : i32
      %dma_start3A_24 = arith.constant 128 : i32
      %dma_start3A_25 = arith.constant 0 : i32
      %dma_start3A_26 = tpu.memref_slice %arg6[%dma_start3A_23, %dma_start3A_24, %dma_start3A_25] : memref<4x200x64xf32, #tpu.memory_space<vmem>> -> memref<1x72x64xf32, #tpu.memory_space<vmem>>
      %dma_start3A_27 = tpu.memref_squeeze %dma_start3A_26 : memref<1x72x64xf32, #tpu.memory_space<vmem>> -> memref<72x64xf32, #tpu.memory_space<vmem>>
      %dma_start3A_28 = arith.constant 128 : i32
      %dma_start3A_29 = tpu.memref_slice %arg5[%dma_start3A_28] : memref<51200xi32, #tpu.memory_space<vmem>> -> memref<72xi32, #tpu.memory_space<vmem>>
      %dma_start3A_30 = arith.constant 0 : i32
      %dma_start3A_31 = arith.constant 0 : i32
      %dma_start3A_32 = tpu.memref_slice %arg3[%dma_start3A_30, %dma_start3A_31] : memref<1000000x64xf32, #tpu.memory_space<hbm>> -> memref<1000000x64xf32, #tpu.memory_space<hbm>>
      tpu.enqueue_indirect_dma source(%dma_start3A_32 : memref<1000000x64xf32, #tpu.memory_space<hbm>>) target(%dma_start3A_27 : memref<72x64xf32, #tpu.memory_space<vmem>>) offsets(%dma_start3A_29 : memref<72xi32, #tpu.memory_space<vmem>>) semaphore(%arg8 : memref<!tpu.dma_semaphore, #tpu.memory_space<semaphore_mem>>)
      %dma_start3A_33 = arith.constant 1 : i32
      %dma_start3A_34 = arith.constant 0 : i32
      %dma_start3A_35 = arith.constant 0 : i32
      %dma_start3A_36 = tpu.memref_slice %arg6[%dma_start3A_33, %dma_start3A_34, %dma_start3A_35] : memref<4x200x64xf32, #tpu.memory_space<vmem>> -> memref<1x128x64xf32, #tpu.memory_space<vmem>>
      %dma_start3A_37 = tpu.memref_squeeze %dma_start3A_36 : memref<1x128x64xf32, #tpu.memory_space<vmem>> -> memref<128x64xf32, #tpu.memory_space<vmem>>
      %dma_start3A_38 = arith.constant 200 : i32
      %dma_start3A_39 = tpu.memref_slice %arg5[%dma_start3A_38] : memref<51200xi32, #tpu.memory_space<vmem>> -> memref<128xi32, #tpu.memory_space<vmem>>
      %dma_start3A_40 = arith.constant 0 : i32
      %dma_start3A_41 = arith.constant 0 : i32
      %dma_start3A_42 = tpu.memref_slice %arg3[%dma_start3A_40, %dma_start3A_41] : memref<1000000x64xf32, #tpu.memory_space<hbm>> -> memref<1000000x64xf32, #tpu.memory_space<hbm>>
      tpu.enqueue_indirect_dma source(%dma_start3A_42 : memref<1000000x64xf32, #tpu.memory_space<hbm>>) target(%dma_start3A_37 : memref<128x64xf32, #tpu.memory_space<vmem>>) offsets(%dma_start3A_39 : memref<128xi32, #tpu.memory_space<vmem>>) semaphore(%arg9 : memref<!tpu.dma_semaphore, #tpu.memory_space<semaphore_mem>>)
      %dma_start3A_43 = arith.constant 1 : i32
      %dma_start3A_44 = arith.constant 128 : i32
      %dma_start3A_45 = arith.constant 0 : i32
      %dma_start3A_46 = tpu.memref_slice %arg6[%dma_start3A_43, %dma_start3A_44, %dma_start3A_45] : memref<4x200x64xf32, #tpu.memory_space<vmem>> -> memref<1x72x64xf32, #tpu.memory_space<vmem>>
      %dma_start3A_47 = tpu.memref_squeeze %dma_start3A_46 : memref<1x72x64xf32, #tpu.memory_space<vmem>> -> memref<72x64xf32, #tpu.memory_space<vmem>>
      %dma_start3A_48 = arith.constant 328 : i32
      %dma_start3A_49 = tpu.memref_slice %arg5[%dma_start3A_48] : memref<51200xi32, #tpu.memory_space<vmem>> -> memref<72xi32, #tpu.memory_space<vmem>>
      %dma_start3A_50 = arith.constant 0 : i32
      %dma_start3A_51 = arith.constant 0 : i32
      %dma_start3A_52 = tpu.memref_slice %arg3[%dma_start3A_50, %dma_start3A_51] : memref<1000000x64xf32, #tpu.memory_space<hbm>> -> memref<1000000x64xf32, #tpu.memory_space<hbm>>
      tpu.enqueue_indirect_dma source(%dma_start3A_52 : memref<1000000x64xf32, #tpu.memory_space<hbm>>) target(%dma_start3A_47 : memref<72x64xf32, #tpu.memory_space<vmem>>) offsets(%dma_start3A_49 : memref<72xi32, #tpu.memory_space<vmem>>) semaphore(%arg9 : memref<!tpu.dma_semaphore, #tpu.memory_space<semaphore_mem>>)
      %dma_start3A_53 = arith.constant 2 : i32
      %dma_start3A_54 = arith.constant 0 : i32
      %dma_start3A_55 = arith.constant 0 : i32
      %dma_start3A_56 = tpu.memref_slice %arg6[%dma_start3A_53, %dma_start3A_54, %dma_start3A_55] : memref<4x200x64xf32, #tpu.memory_space<vmem>> -> memref<1x128x64xf32, #tpu.memory_space<vmem>>
      %dma_start3A_57 = tpu.memref_squeeze %dma_start3A_56 : memref<1x128x64xf32, #tpu.memory_space<vmem>> -> memref<128x64xf32, #tpu.memory_space<vmem>>
      %dma_start3A_58 = arith.constant 400 : i32
      %dma_start3A_59 = tpu.memref_slice %arg5[%dma_start3A_58] : memref<51200xi32, #tpu.memory_space<vmem>> -> memref<128xi32, #tpu.memory_space<vmem>>
      %dma_start3A_60 = arith.constant 0 : i32
      %dma_start3A_61 = arith.constant 0 : i32
      %dma_start3A_62 = tpu.memref_slice %arg3[%dma_start3A_60, %dma_start3A_61] : memref<1000000x64xf32, #tpu.memory_space<hbm>> -> memref<1000000x64xf32, #tpu.memory_space<hbm>>
      tpu.enqueue_indirect_dma source(%dma_start3A_62 : memref<1000000x64xf32, #tpu.memory_space<hbm>>) target(%dma_start3A_57 : memref<128x64xf32, #tpu.memory_space<vmem>>) offsets(%dma_start3A_59 : memref<128xi32, #tpu.memory_space<vmem>>) semaphore(%arg10 : memref<!tpu.dma_semaphore, #tpu.memory_space<semaphore_mem>>)
      %dma_start3A_63 = arith.constant 2 : i32
      %dma_start3A_64 = arith.constant 128 : i32
      %dma_start3A_65 = arith.constant 0 : i32
      %dma_start3A_66 = tpu.memref_slice %arg6[%dma_start3A_63, %dma_start3A_64, %dma_start3A_65] : memref<4x200x64xf32, #tpu.memory_space<vmem>> -> memref<1x72x64xf32, #tpu.memory_space<vmem>>
      %dma_start3A_67 = tpu.memref_squeeze %dma_start3A_66 : memref<1x72x64xf32, #tpu.memory_space<vmem>> -> memref<72x64xf32, #tpu.memory_space<vmem>>
      %dma_start3A_68 = arith.constant 528 : i32
      %dma_start3A_69 = tpu.memref_slice %arg5[%dma_start3A_68] : memref<51200xi32, #tpu.memory_space<vmem>> -> memref<72xi32, #tpu.memory_space<vmem>>
      %dma_start3A_70 = arith.constant 0 : i32
      %dma_start3A_71 = arith.constant 0 : i32
      %dma_start3A_72 = tpu.memref_slice %arg3[%dma_start3A_70, %dma_start3A_71] : memref<1000000x64xf32, #tpu.memory_space<hbm>> -> memref<1000000x64xf32, #tpu.memory_space<hbm>>
      tpu.enqueue_indirect_dma source(%dma_start3A_72 : memref<1000000x64xf32, #tpu.memory_space<hbm>>) target(%dma_start3A_67 : memref<72x64xf32, #tpu.memory_space<vmem>>) offsets(%dma_start3A_69 : memref<72xi32, #tpu.memory_space<vmem>>) semaphore(%arg10 : memref<!tpu.dma_semaphore, #tpu.memory_space<semaphore_mem>>)
      %scan3A_73 = arith.constant 0 : i32
      %scan3A_74 = arith.constant 64 : i32
      %scan3A_75 = arith.addi %scan3A_73, %scan3A_74 : i32
      %scan3A_76 = arith.constant 1 : i32
      scf.for %scan3A_81 = %scan3A_73 to %scan3A_75 step %scan3A_76  : i32 {
        %mul3A_82 = arith.constant 4 : i32
        %mul3A_83 = arith.muli %scan3A_81, %mul3A_82 : i32
        %add3A_84 = arith.constant 0 : i32
        %add3A_85 = arith.addi %mul3A_83, %add3A_84 : i32
        %add3A_86 = arith.constant 4 : i32
        %add3A_87 = arith.addi %add3A_85, %add3A_86 : i32
        %sub3A = arith.constant 1 : i32
        %sub3A_88 = arith.subi %add3A_87, %sub3A : i32
        %lt3A = arith.constant 256 : i32
        %lt3A_89 = arith.cmpi slt, %sub3A_88, %lt3A : i32
        %convert_element_type3A = arith.extui %lt3A_89 : i1 to i32
        %cond3A = arith.constant 0 : i32
        %cond3A_90 = arith.cmpi ne, %convert_element_type3A, %cond3A : i32
        scf.if %cond3A_90 {
          %add3A_929 = arith.constant 4 : i32
          %add3A_930 = arith.addi %add3A_85, %add3A_929 : i32
          %sub3A_931 = arith.constant 1 : i32
          %sub3A_932 = arith.subi %add3A_930, %sub3A_931 : i32
          %mul3A_933 = arith.constant 200 : i32
          %mul3A_934 = arith.muli %sub3A_932, %mul3A_933 : i32
          %mul3A_935 = arith.constant 200 : i32
          %mul3A_936 = arith.muli %sub3A_932, %mul3A_935 : i32
          %add3A_937 = arith.constant 128 : i32
          %add3A_938 = arith.addi %mul3A_936, %add3A_937 : i32
          %dma_start3A_939 = arith.constant 3 : i32
          %dma_start3A_940 = arith.constant 0 : i32
          %dma_start3A_941 = arith.constant 0 : i32
          %dma_start3A_942 = tpu.memref_slice %arg6[%dma_start3A_939, %dma_start3A_940, %dma_start3A_941] : memref<4x200x64xf32, #tpu.memory_space<vmem>> -> memref<1x128x64xf32, #tpu.memory_space<vmem>>
          %dma_start3A_943 = tpu.memref_squeeze %dma_start3A_942 : memref<1x128x64xf32, #tpu.memory_space<vmem>> -> memref<128x64xf32, #tpu.memory_space<vmem>>
          %dma_start3A_944 = tpu.memref_slice %arg5[%mul3A_934] : memref<51200xi32, #tpu.memory_space<vmem>> -> memref<128xi32, #tpu.memory_space<vmem>>
          %dma_start3A_945 = arith.constant 0 : i32
          %dma_start3A_946 = arith.constant 0 : i32
          %dma_start3A_947 = tpu.memref_slice %arg3[%dma_start3A_945, %dma_start3A_946] : memref<1000000x64xf32, #tpu.memory_space<hbm>> -> memref<1000000x64xf32, #tpu.memory_space<hbm>>
          tpu.enqueue_indirect_dma source(%dma_start3A_947 : memref<1000000x64xf32, #tpu.memory_space<hbm>>) target(%dma_start3A_943 : memref<128x64xf32, #tpu.memory_space<vmem>>) offsets(%dma_start3A_944 : memref<128xi32, #tpu.memory_space<vmem>>) semaphore(%arg11 : memref<!tpu.dma_semaphore, #tpu.memory_space<semaphore_mem>>)
          %dma_start3A_948 = arith.constant 3 : i32
          %dma_start3A_949 = arith.constant 128 : i32
          %dma_start3A_950 = arith.constant 0 : i32
          %dma_start3A_951 = tpu.memref_slice %arg6[%dma_start3A_948, %dma_start3A_949, %dma_start3A_950] : memref<4x200x64xf32, #tpu.memory_space<vmem>> -> memref<1x72x64xf32, #tpu.memory_space<vmem>>
          %dma_start3A_952 = tpu.memref_squeeze %dma_start3A_951 : memref<1x72x64xf32, #tpu.memory_space<vmem>> -> memref<72x64xf32, #tpu.memory_space<vmem>>
          %dma_start3A_953 = tpu.memref_slice %arg5[%add3A_938] : memref<51200xi32, #tpu.memory_space<vmem>> -> memref<72xi32, #tpu.memory_space<vmem>>
          %dma_start3A_954 = arith.constant 0 : i32
          %dma_start3A_955 = arith.constant 0 : i32
          %dma_start3A_956 = tpu.memref_slice %arg3[%dma_start3A_954, %dma_start3A_955] : memref<1000000x64xf32, #tpu.memory_space<hbm>> -> memref<1000000x64xf32, #tpu.memory_space<hbm>>
          tpu.enqueue_indirect_dma source(%dma_start3A_956 : memref<1000000x64xf32, #tpu.memory_space<hbm>>) target(%dma_start3A_952 : memref<72x64xf32, #tpu.memory_space<vmem>>) offsets(%dma_start3A_953 : memref<72xi32, #tpu.memory_space<vmem>>) semaphore(%arg11 : memref<!tpu.dma_semaphore, #tpu.memory_space<semaphore_mem>>)
        } else {
        }
        %mul3A_91 = arith.constant 200 : i32
        %mul3A_92 = arith.muli %add3A_85, %mul3A_91 : i32
        %mul3A_93 = arith.constant 200 : i32
        %mul3A_94 = arith.muli %add3A_85, %mul3A_93 : i32
        %add3A_95 = arith.constant 128 : i32
        %add3A_96 = arith.addi %mul3A_94, %add3A_95 : i32
        %dma_wait3A = arith.constant 0 : i32
        %dma_wait3A_97 = arith.constant 0 : i32
        %dma_wait3A_98 = arith.constant 0 : i32
        %dma_wait3A_99 = tpu.memref_slice %arg6[%dma_wait3A, %dma_wait3A_97, %dma_wait3A_98] : memref<4x200x64xf32, #tpu.memory_space<vmem>> -> memref<1x128x64xf32, #tpu.memory_space<vmem>>
        %dma_wait3A_100 = tpu.memref_squeeze %dma_wait3A_99 : memref<1x128x64xf32, #tpu.memory_space<vmem>> -> memref<128x64xf32, #tpu.memory_space<vmem>>
        %dma_wait3A_101 = tpu.memref_slice %arg5[%mul3A_92] : memref<51200xi32, #tpu.memory_space<vmem>> -> memref<128xi32, #tpu.memory_space<vmem>>
        %dma_wait3A_102 = arith.constant 0 : i32
        %dma_wait3A_103 = arith.constant 0 : i32
        %dma_wait3A_104 = tpu.memref_slice %arg3[%dma_wait3A_102, %dma_wait3A_103] : memref<1000000x64xf32, #tpu.memory_space<hbm>> -> memref<1000000x64xf32, #tpu.memory_space<hbm>>
        tpu.wait_indirect_dma semaphore(%arg8 : memref<!tpu.dma_semaphore, #tpu.memory_space<semaphore_mem>>) src(%dma_wait3A_104 : memref<1000000x64xf32, #tpu.memory_space<hbm>>) dst(%dma_wait3A_100 : memref<128x64xf32, #tpu.memory_space<vmem>>)
        %dma_wait3A_105 = arith.constant 0 : i32
        %dma_wait3A_106 = arith.constant 128 : i32
        %dma_wait3A_107 = arith.constant 0 : i32
        %dma_wait3A_108 = tpu.memref_slice %arg6[%dma_wait3A_105, %dma_wait3A_106, %dma_wait3A_107] : memref<4x200x64xf32, #tpu.memory_space<vmem>> -> memref<1x72x64xf32, #tpu.memory_space<vmem>>
        %dma_wait3A_109 = tpu.memref_squeeze %dma_wait3A_108 : memref<1x72x64xf32, #tpu.memory_space<vmem>> -> memref<72x64xf32, #tpu.memory_space<vmem>>
        %dma_wait3A_110 = tpu.memref_slice %arg5[%add3A_96] : memref<51200xi32, #tpu.memory_space<vmem>> -> memref<72xi32, #tpu.memory_space<vmem>>
        %dma_wait3A_111 = arith.constant 0 : i32
        %dma_wait3A_112 = arith.constant 0 : i32
        %dma_wait3A_113 = tpu.memref_slice %arg3[%dma_wait3A_111, %dma_wait3A_112] : memref<1000000x64xf32, #tpu.memory_space<hbm>> -> memref<1000000x64xf32, #tpu.memory_space<hbm>>
        tpu.wait_indirect_dma semaphore(%arg8 : memref<!tpu.dma_semaphore, #tpu.memory_space<semaphore_mem>>) src(%dma_wait3A_113 : memref<1000000x64xf32, #tpu.memory_space<hbm>>) dst(%dma_wait3A_109 : memref<72x64xf32, #tpu.memory_space<vmem>>)
        %broadcast_in_dim3A = arith.constant 0.000000e+00 : f32
        %broadcast_in_dim3A_114 = vector.broadcast %broadcast_in_dim3A : f32 to vector<16xf32>
        %scan3A_115 = arith.constant 0 : i32
        %scan3A_116 = arith.constant 25 : i32
        %scan3A_117 = arith.addi %scan3A_115, %scan3A_116 : i32
        %scan3A_118 = arith.constant 1 : i32
        %scan3A_119:4 = scf.for %scan3A_929 = %scan3A_115 to %scan3A_117 step %scan3A_118 iter_args(%scan3A_930 = %broadcast_in_dim3A_114, %scan3A_931 = %broadcast_in_dim3A_114, %scan3A_932 = %broadcast_in_dim3A_114, %scan3A_933 = %broadcast_in_dim3A_114) -> (vector<16xf32>, vector<16xf32>, vector<16xf32>, vector<16xf32>)  : i32 {
          %mul3A_934 = arith.constant 8 : i32
          %mul3A_935 = arith.muli %scan3A_929, %mul3A_934 : i32
          %add3A_936 = arith.constant 0 : i32
          %add3A_937 = arith.addi %mul3A_935, %add3A_936 : i32
          %get3A_938 = arith.constant 0 : i32
          %get3A_939 = arith.index_cast %get3A_938 : i32 to index
          %get3A_940 = arith.index_cast %add3A_937 : i32 to index
          %get3A_941 = arith.constant 0 : index
          %get3A_942 = tpu.vector_load %arg6[%get3A_939, %get3A_940, %get3A_941] {strides = array<i32>} : memref<4x200x64xf32, #tpu.memory_space<vmem>>, vector<16xf32>,
          %add3A_943 = arith.addf %scan3A_930, %get3A_942 : vector<16xf32>
          %get3A_944 = arith.constant 0 : i32
          %get3A_945 = arith.index_cast %get3A_944 : i32 to index
          %get3A_946 = arith.index_cast %add3A_937 : i32 to index
          %get3A_947 = arith.constant 16 : index
          %get3A_948 = tpu.vector_load %arg6[%get3A_945, %get3A_946, %get3A_947] {strides = array<i32>} : memref<4x200x64xf32, #tpu.memory_space<vmem>>, vector<16xf32>,
          %add3A_949 = arith.addf %scan3A_931, %get3A_948 : vector<16xf32>
          %get3A_950 = arith.constant 0 : i32
          %get3A_951 = arith.index_cast %get3A_950 : i32 to index
          %get3A_952 = arith.index_cast %add3A_937 : i32 to index
          %get3A_953 = arith.constant 32 : index
          %get3A_954 = tpu.vector_load %arg6[%get3A_951, %get3A_952, %get3A_953] {strides = array<i32>} : memref<4x200x64xf32, #tpu.memory_space<vmem>>, vector<16xf32>,
          %add3A_955 = arith.addf %scan3A_932, %get3A_954 : vector<16xf32>
          %get3A_956 = arith.constant 0 : i32
          %get3A_957 = arith.index_cast %get3A_956 : i32 to index
          %get3A_958 = arith.index_cast %add3A_937 : i32 to index
          %get3A_959 = arith.constant 48 : index
          %get3A_960 = tpu.vector_load %arg6[%get3A_957, %get3A_958, %get3A_959] {strides = array<i32>} : memref<4x200x64xf32, #tpu.memory_space<vmem>>, vector<16xf32>,
          %add3A_961 = arith.addf %scan3A_933, %get3A_960 : vector<16xf32>
          %mul3A_962 = arith.constant 8 : i32
          %mul3A_963 = arith.muli %scan3A_929, %mul3A_962 : i32
          %add3A_964 = arith.constant 1 : i32
          %add3A_965 = arith.addi %mul3A_963, %add3A_964 : i32
          %get3A_966 = arith.constant 0 : i32
          %get3A_967 = arith.index_cast %get3A_966 : i32 to index
          %get3A_968 = arith.index_cast %add3A_965 : i32 to index
          %get3A_969 = arith.constant 0 : index
          %get3A_970 = tpu.vector_load %arg6[%get3A_967, %get3A_968, %get3A_969] {strides = array<i32>} : memref<4x200x64xf32, #tpu.memory_space<vmem>>, vector<16xf32>,
          %add3A_971 = arith.addf %add3A_943, %get3A_970 : vector<16xf32>
          %get3A_972 = arith.constant 0 : i32
          %get3A_973 = arith.index_cast %get3A_972 : i32 to index
          %get3A_974 = arith.index_cast %add3A_965 : i32 to index
          %get3A_975 = arith.constant 16 : index
          %get3A_976 = tpu.vector_load %arg6[%get3A_973, %get3A_974, %get3A_975] {strides = array<i32>} : memref<4x200x64xf32, #tpu.memory_space<vmem>>, vector<16xf32>,
          %add3A_977 = arith.addf %add3A_949, %get3A_976 : vector<16xf32>
          %get3A_978 = arith.constant 0 : i32
          %get3A_979 = arith.index_cast %get3A_978 : i32 to index
          %get3A_980 = arith.index_cast %add3A_965 : i32 to index
          %get3A_981 = arith.constant 32 : index
          %get3A_982 = tpu.vector_load %arg6[%get3A_979, %get3A_980, %get3A_981] {strides = array<i32>} : memref<4x200x64xf32, #tpu.memory_space<vmem>>, vector<16xf32>,
          %add3A_983 = arith.addf %add3A_955, %get3A_982 : vector<16xf32>
          %get3A_984 = arith.constant 0 : i32
          %get3A_985 = arith.index_cast %get3A_984 : i32 to index
          %get3A_986 = arith.index_cast %add3A_965 : i32 to index
          %get3A_987 = arith.constant 48 : index
          %get3A_988 = tpu.vector_load %arg6[%get3A_985, %get3A_986, %get3A_987] {strides = array<i32>} : memref<4x200x64xf32, #tpu.memory_space<vmem>>, vector<16xf32>,
          %add3A_989 = arith.addf %add3A_961, %get3A_988 : vector<16xf32>
          %mul3A_990 = arith.constant 8 : i32
          %mul3A_991 = arith.muli %scan3A_929, %mul3A_990 : i32
          %add3A_992 = arith.constant 2 : i32
          %add3A_993 = arith.addi %mul3A_991, %add3A_992 : i32
          %get3A_994 = arith.constant 0 : i32
          %get3A_995 = arith.index_cast %get3A_994 : i32 to index
          %get3A_996 = arith.index_cast %add3A_993 : i32 to index
          %get3A_997 = arith.constant 0 : index
          %get3A_998 = tpu.vector_load %arg6[%get3A_995, %get3A_996, %get3A_997] {strides = array<i32>} : memref<4x200x64xf32, #tpu.memory_space<vmem>>, vector<16xf32>,
          %add3A_999 = arith.addf %add3A_971, %get3A_998 : vector<16xf32>
          %get3A_1000 = arith.constant 0 : i32
          %get3A_1001 = arith.index_cast %get3A_1000 : i32 to index
          %get3A_1002 = arith.index_cast %add3A_993 : i32 to index
          %get3A_1003 = arith.constant 16 : index
          %get3A_1004 = tpu.vector_load %arg6[%get3A_1001, %get3A_1002, %get3A_1003] {strides = array<i32>} : memref<4x200x64xf32, #tpu.memory_space<vmem>>, vector<16xf32>,
          %add3A_1005 = arith.addf %add3A_977, %get3A_1004 : vector<16xf32>
          %get3A_1006 = arith.constant 0 : i32
          %get3A_1007 = arith.index_cast %get3A_1006 : i32 to index
          %get3A_1008 = arith.index_cast %add3A_993 : i32 to index
          %get3A_1009 = arith.constant 32 : index
          %get3A_1010 = tpu.vector_load %arg6[%get3A_1007, %get3A_1008, %get3A_1009] {strides = array<i32>} : memref<4x200x64xf32, #tpu.memory_space<vmem>>, vector<16xf32>,
          %add3A_1011 = arith.addf %add3A_983, %get3A_1010 : vector<16xf32>
          %get3A_1012 = arith.constant 0 : i32
          %get3A_1013 = arith.index_cast %get3A_1012 : i32 to index
          %get3A_1014 = arith.index_cast %add3A_993 : i32 to index
          %get3A_1015 = arith.constant 48 : index
          %get3A_1016 = tpu.vector_load %arg6[%get3A_1013, %get3A_1014, %get3A_1015] {strides = array<i32>} : memref<4x200x64xf32, #tpu.memory_space<vmem>>, vector<16xf32>,
          %add3A_1017 = arith.addf %add3A_989, %get3A_1016 : vector<16xf32>
          %mul3A_1018 = arith.constant 8 : i32
          %mul3A_1019 = arith.muli %scan3A_929, %mul3A_1018 : i32
          %add3A_1020 = arith.constant 3 : i32
          %add3A_1021 = arith.addi %mul3A_1019, %add3A_1020 : i32
          %get3A_1022 = arith.constant 0 : i32
          %get3A_1023 = arith.index_cast %get3A_1022 : i32 to index
          %get3A_1024 = arith.index_cast %add3A_1021 : i32 to index
          %get3A_1025 = arith.constant 0 : index
          %get3A_1026 = tpu.vector_load %arg6[%get3A_1023, %get3A_1024, %get3A_1025] {strides = array<i32>} : memref<4x200x64xf32, #tpu.memory_space<vmem>>, vector<16xf32>,
          %add3A_1027 = arith.addf %add3A_999, %get3A_1026 : vector<16xf32>
          %get3A_1028 = arith.constant 0 : i32
          %get3A_1029 = arith.index_cast %get3A_1028 : i32 to index
          %get3A_1030 = arith.index_cast %add3A_1021 : i32 to index
          %get3A_1031 = arith.constant 16 : index
          %get3A_1032 = tpu.vector_load %arg6[%get3A_1029, %get3A_1030, %get3A_1031] {strides = array<i32>} : memref<4x200x64xf32, #tpu.memory_space<vmem>>, vector<16xf32>,
          %add3A_1033 = arith.addf %add3A_1005, %get3A_1032 : vector<16xf32>
          %get3A_1034 = arith.constant 0 : i32
          %get3A_1035 = arith.index_cast %get3A_1034 : i32 to index
          %get3A_1036 = arith.index_cast %add3A_1021 : i32 to index
          %get3A_1037 = arith.constant 32 : index
          %get3A_1038 = tpu.vector_load %arg6[%get3A_1035, %get3A_1036, %get3A_1037] {strides = array<i32>} : memref<4x200x64xf32, #tpu.memory_space<vmem>>, vector<16xf32>,
          %add3A_1039 = arith.addf %add3A_1011, %get3A_1038 : vector<16xf32>
          %get3A_1040 = arith.constant 0 : i32
          %get3A_1041 = arith.index_cast %get3A_1040 : i32 to index
          %get3A_1042 = arith.index_cast %add3A_1021 : i32 to index
          %get3A_1043 = arith.constant 48 : index
          %get3A_1044 = tpu.vector_load %arg6[%get3A_1041, %get3A_1042, %get3A_1043] {strides = array<i32>} : memref<4x200x64xf32, #tpu.memory_space<vmem>>, vector<16xf32>,
          %add3A_1045 = arith.addf %add3A_1017, %get3A_1044 : vector<16xf32>
          %mul3A_1046 = arith.constant 8 : i32
          %mul3A_1047 = arith.muli %scan3A_929, %mul3A_1046 : i32
          %add3A_1048 = arith.constant 4 : i32
          %add3A_1049 = arith.addi %mul3A_1047, %add3A_1048 : i32
          %get3A_1050 = arith.constant 0 : i32
          %get3A_1051 = arith.index_cast %get3A_1050 : i32 to index
          %get3A_1052 = arith.index_cast %add3A_1049 : i32 to index
          %get3A_1053 = arith.constant 0 : index
          %get3A_1054 = tpu.vector_load %arg6[%get3A_1051, %get3A_1052, %get3A_1053] {strides = array<i32>} : memref<4x200x64xf32, #tpu.memory_space<vmem>>, vector<16xf32>,
          %add3A_1055 = arith.addf %add3A_1027, %get3A_1054 : vector<16xf32>
          %get3A_1056 = arith.constant 0 : i32
          %get3A_1057 = arith.index_cast %get3A_1056 : i32 to index
          %get3A_1058 = arith.index_cast %add3A_1049 : i32 to index
          %get3A_1059 = arith.constant 16 : index
          %get3A_1060 = tpu.vector_load %arg6[%get3A_1057, %get3A_1058, %get3A_1059] {strides = array<i32>} : memref<4x200x64xf32, #tpu.memory_space<vmem>>, vector<16xf32>,
          %add3A_1061 = arith.addf %add3A_1033, %get3A_1060 : vector<16xf32>
          %get3A_1062 = arith.constant 0 : i32
          %get3A_1063 = arith.index_cast %get3A_1062 : i32 to index
          %get3A_1064 = arith.index_cast %add3A_1049 : i32 to index
          %get3A_1065 = arith.constant 32 : index
          %get3A_1066 = tpu.vector_load %arg6[%get3A_1063, %get3A_1064, %get3A_1065] {strides = array<i32>} : memref<4x200x64xf32, #tpu.memory_space<vmem>>, vector<16xf32>,
          %add3A_1067 = arith.addf %add3A_1039, %get3A_1066 : vector<16xf32>
          %get3A_1068 = arith.constant 0 : i32
          %get3A_1069 = arith.index_cast %get3A_1068 : i32 to index
          %get3A_1070 = arith.index_cast %add3A_1049 : i32 to index
          %get3A_1071 = arith.constant 48 : index
          %get3A_1072 = tpu.vector_load %arg6[%get3A_1069, %get3A_1070, %get3A_1071] {strides = array<i32>} : memref<4x200x64xf32, #tpu.memory_space<vmem>>, vector<16xf32>,
          %add3A_1073 = arith.addf %add3A_1045, %get3A_1072 : vector<16xf32>
          %mul3A_1074 = arith.constant 8 : i32
          %mul3A_1075 = arith.muli %scan3A_929, %mul3A_1074 : i32
          %add3A_1076 = arith.constant 5 : i32
          %add3A_1077 = arith.addi %mul3A_1075, %add3A_1076 : i32
          %get3A_1078 = arith.constant 0 : i32
          %get3A_1079 = arith.index_cast %get3A_1078 : i32 to index
          %get3A_1080 = arith.index_cast %add3A_1077 : i32 to index
          %get3A_1081 = arith.constant 0 : index
          %get3A_1082 = tpu.vector_load %arg6[%get3A_1079, %get3A_1080, %get3A_1081] {strides = array<i32>} : memref<4x200x64xf32, #tpu.memory_space<vmem>>, vector<16xf32>,
          %add3A_1083 = arith.addf %add3A_1055, %get3A_1082 : vector<16xf32>
          %get3A_1084 = arith.constant 0 : i32
          %get3A_1085 = arith.index_cast %get3A_1084 : i32 to index
          %get3A_1086 = arith.index_cast %add3A_1077 : i32 to index
          %get3A_1087 = arith.constant 16 : index
          %get3A_1088 = tpu.vector_load %arg6[%get3A_1085, %get3A_1086, %get3A_1087] {strides = array<i32>} : memref<4x200x64xf32, #tpu.memory_space<vmem>>, vector<16xf32>,
          %add3A_1089 = arith.addf %add3A_1061, %get3A_1088 : vector<16xf32>
          %get3A_1090 = arith.constant 0 : i32
          %get3A_1091 = arith.index_cast %get3A_1090 : i32 to index
          %get3A_1092 = arith.index_cast %add3A_1077 : i32 to index
          %get3A_1093 = arith.constant 32 : index
          %get3A_1094 = tpu.vector_load %arg6[%get3A_1091, %get3A_1092, %get3A_1093] {strides = array<i32>} : memref<4x200x64xf32, #tpu.memory_space<vmem>>, vector<16xf32>,
          %add3A_1095 = arith.addf %add3A_1067, %get3A_1094 : vector<16xf32>
          %get3A_1096 = arith.constant 0 : i32
          %get3A_1097 = arith.index_cast %get3A_1096 : i32 to index
          %get3A_1098 = arith.index_cast %add3A_1077 : i32 to index
          %get3A_1099 = arith.constant 48 : index
          %get3A_1100 = tpu.vector_load %arg6[%get3A_1097, %get3A_1098, %get3A_1099] {strides = array<i32>} : memref<4x200x64xf32, #tpu.memory_space<vmem>>, vector<16xf32>,
          %add3A_1101 = arith.addf %add3A_1073, %get3A_1100 : vector<16xf32>
          %mul3A_1102 = arith.constant 8 : i32
          %mul3A_1103 = arith.muli %scan3A_929, %mul3A_1102 : i32
          %add3A_1104 = arith.constant 6 : i32
          %add3A_1105 = arith.addi %mul3A_1103, %add3A_1104 : i32
          %get3A_1106 = arith.constant 0 : i32
          %get3A_1107 = arith.index_cast %get3A_1106 : i32 to index
          %get3A_1108 = arith.index_cast %add3A_1105 : i32 to index
          %get3A_1109 = arith.constant 0 : index
          %get3A_1110 = tpu.vector_load %arg6[%get3A_1107, %get3A_1108, %get3A_1109] {strides = array<i32>} : memref<4x200x64xf32, #tpu.memory_space<vmem>>, vector<16xf32>,
          %add3A_1111 = arith.addf %add3A_1083, %get3A_1110 : vector<16xf32>
          %get3A_1112 = arith.constant 0 : i32
          %get3A_1113 = arith.index_cast %get3A_1112 : i32 to index
          %get3A_1114 = arith.index_cast %add3A_1105 : i32 to index
          %get3A_1115 = arith.constant 16 : index
          %get3A_1116 = tpu.vector_load %arg6[%get3A_1113, %get3A_1114, %get3A_1115] {strides = array<i32>} : memref<4x200x64xf32, #tpu.memory_space<vmem>>, vector<16xf32>,
          %add3A_1117 = arith.addf %add3A_1089, %get3A_1116 : vector<16xf32>
          %get3A_1118 = arith.constant 0 : i32
          %get3A_1119 = arith.index_cast %get3A_1118 : i32 to index
          %get3A_1120 = arith.index_cast %add3A_1105 : i32 to index
          %get3A_1121 = arith.constant 32 : index
          %get3A_1122 = tpu.vector_load %arg6[%get3A_1119, %get3A_1120, %get3A_1121] {strides = array<i32>} : memref<4x200x64xf32, #tpu.memory_space<vmem>>, vector<16xf32>,
          %add3A_1123 = arith.addf %add3A_1095, %get3A_1122 : vector<16xf32>
          %get3A_1124 = arith.constant 0 : i32
          %get3A_1125 = arith.index_cast %get3A_1124 : i32 to index
          %get3A_1126 = arith.index_cast %add3A_1105 : i32 to index
          %get3A_1127 = arith.constant 48 : index
          %get3A_1128 = tpu.vector_load %arg6[%get3A_1125, %get3A_1126, %get3A_1127] {strides = array<i32>} : memref<4x200x64xf32, #tpu.memory_space<vmem>>, vector<16xf32>,
          %add3A_1129 = arith.addf %add3A_1101, %get3A_1128 : vector<16xf32>
          %mul3A_1130 = arith.constant 8 : i32
          %mul3A_1131 = arith.muli %scan3A_929, %mul3A_1130 : i32
          %add3A_1132 = arith.constant 7 : i32
          %add3A_1133 = arith.addi %mul3A_1131, %add3A_1132 : i32
          %get3A_1134 = arith.constant 0 : i32
          %get3A_1135 = arith.index_cast %get3A_1134 : i32 to index
          %get3A_1136 = arith.index_cast %add3A_1133 : i32 to index
          %get3A_1137 = arith.constant 0 : index
          %get3A_1138 = tpu.vector_load %arg6[%get3A_1135, %get3A_1136, %get3A_1137] {strides = array<i32>} : memref<4x200x64xf32, #tpu.memory_space<vmem>>, vector<16xf32>,
          %add3A_1139 = arith.addf %add3A_1111, %get3A_1138 : vector<16xf32>
          %get3A_1140 = arith.constant 0 : i32
          %get3A_1141 = arith.index_cast %get3A_1140 : i32 to index
          %get3A_1142 = arith.index_cast %add3A_1133 : i32 to index
          %get3A_1143 = arith.constant 16 : index
          %get3A_1144 = tpu.vector_load %arg6[%get3A_1141, %get3A_1142, %get3A_1143] {strides = array<i32>} : memref<4x200x64xf32, #tpu.memory_space<vmem>>, vector<16xf32>,
          %add3A_1145 = arith.addf %add3A_1117, %get3A_1144 : vector<16xf32>
          %get3A_1146 = arith.constant 0 : i32
          %get3A_1147 = arith.index_cast %get3A_1146 : i32 to index
          %get3A_1148 = arith.index_cast %add3A_1133 : i32 to index
          %get3A_1149 = arith.constant 32 : index
          %get3A_1150 = tpu.vector_load %arg6[%get3A_1147, %get3A_1148, %get3A_1149] {strides = array<i32>} : memref<4x200x64xf32, #tpu.memory_space<vmem>>, vector<16xf32>,
          %add3A_1151 = arith.addf %add3A_1123, %get3A_1150 : vector<16xf32>
          %get3A_1152 = arith.constant 0 : i32
          %get3A_1153 = arith.index_cast %get3A_1152 : i32 to index
          %get3A_1154 = arith.index_cast %add3A_1133 : i32 to index
          %get3A_1155 = arith.constant 48 : index
          %get3A_1156 = tpu.vector_load %arg6[%get3A_1153, %get3A_1154, %get3A_1155] {strides = array<i32>} : memref<4x200x64xf32, #tpu.memory_space<vmem>>, vector<16xf32>,
          %add3A_1157 = arith.addf %add3A_1129, %get3A_1156 : vector<16xf32>
          scf.yield %add3A_1139, %add3A_1145, %add3A_1151, %add3A_1157 : vector<16xf32>, vector<16xf32>, vector<16xf32>, vector<16xf32>
        }
        %scan3A_120 = arith.constant 25 : i32
        %broadcast_in_dim3A_121 = arith.constant 0 : i32
        %broadcast_in_dim3A_122 = vector.broadcast %broadcast_in_dim3A_121 : i32 to vector<16xi32>
        %mul3A_123 = arith.constant 200 : i32
        %mul3A_124 = arith.muli %add3A_85, %mul3A_123 : i32
        %add3A_125 = arith.constant 0 : i32
        %add3A_126 = arith.addi %mul3A_124, %add3A_125 : i32
        %get3A = arith.index_cast %add3A_126 : i32 to index
        %get3A_127 = tpu.vector_load %arg5[%get3A] {strides = array<i32>} : memref<51200xi32, #tpu.memory_space<vmem>>, vector<16xi32>,
        %ne3A = arith.constant 0 : i32
        %ne3A_128 = vector.broadcast %ne3A : i32 to vector<16xi32>
        %ne3A_129 = arith.cmpi ne, %get3A_127, %ne3A_128 : vector<16xi32>
        %all_reduce_population_count3A = tpu.all_reduce %ne3A_129 {dim = 0 : i64, kind = #tpu.reduction_kind<sum>} : vector<16xi1> -> vector<16xi32>
        %add3A_130 = arith.addi %broadcast_in_dim3A_122, %all_reduce_population_count3A : vector<16xi32>
        %mul3A_131 = arith.constant 200 : i32
        %mul3A_132 = arith.muli %add3A_85, %mul3A_131 : i32
        %add3A_133 = arith.constant 16 : i32
        %add3A_134 = arith.addi %mul3A_132, %add3A_133 : i32
        %get3A_135 = arith.index_cast %add3A_134 : i32 to index
        %get3A_136 = tpu.vector_load %arg5[%get3A_135] {strides = array<i32>} : memref<51200xi32, #tpu.memory_space<vmem>>, vector<16xi32>,
        %ne3A_137 = arith.constant 0 : i32
        %ne3A_138 = vector.broadcast %ne3A_137 : i32 to vector<16xi32>
        %ne3A_139 = arith.cmpi ne, %get3A_136, %ne3A_138 : vector<16xi32>
        %all_reduce_population_count3A_140 = tpu.all_reduce %ne3A_139 {dim = 0 : i64, kind = #tpu.reduction_kind<sum>} : vector<16xi1> -> vector<16xi32>
        %add3A_141 = arith.addi %add3A_130, %all_reduce_population_count3A_140 : vector<16xi32>
        %mul3A_142 = arith.constant 200 : i32
        %mul3A_143 = arith.muli %add3A_85, %mul3A_142 : i32
        %add3A_144 = arith.constant 32 : i32
        %add3A_145 = arith.addi %mul3A_143, %add3A_144 : i32
        %get3A_146 = arith.index_cast %add3A_145 : i32 to index
        %get3A_147 = tpu.vector_load %arg5[%get3A_146] {strides = array<i32>} : memref<51200xi32, #tpu.memory_space<vmem>>, vector<16xi32>,
        %ne3A_148 = arith.constant 0 : i32
        %ne3A_149 = vector.broadcast %ne3A_148 : i32 to vector<16xi32>
        %ne3A_150 = arith.cmpi ne, %get3A_147, %ne3A_149 : vector<16xi32>
        %all_reduce_population_count3A_151 = tpu.all_reduce %ne3A_150 {dim = 0 : i64, kind = #tpu.reduction_kind<sum>} : vector<16xi1> -> vector<16xi32>
        %add3A_152 = arith.addi %add3A_141, %all_reduce_population_count3A_151 : vector<16xi32>
        %mul3A_153 = arith.constant 200 : i32
        %mul3A_154 = arith.muli %add3A_85, %mul3A_153 : i32
        %add3A_155 = arith.constant 48 : i32
        %add3A_156 = arith.addi %mul3A_154, %add3A_155 : i32
        %get3A_157 = arith.index_cast %add3A_156 : i32 to index
        %get3A_158 = tpu.vector_load %arg5[%get3A_157] {strides = array<i32>} : memref<51200xi32, #tpu.memory_space<vmem>>, vector<16xi32>,
        %ne3A_159 = arith.constant 0 : i32
        %ne3A_160 = vector.broadcast %ne3A_159 : i32 to vector<16xi32>
        %ne3A_161 = arith.cmpi ne, %get3A_158, %ne3A_160 : vector<16xi32>
        %all_reduce_population_count3A_162 = tpu.all_reduce %ne3A_161 {dim = 0 : i64, kind = #tpu.reduction_kind<sum>} : vector<16xi1> -> vector<16xi32>
        %add3A_163 = arith.addi %add3A_152, %all_reduce_population_count3A_162 : vector<16xi32>
        %mul3A_164 = arith.constant 200 : i32
        %mul3A_165 = arith.muli %add3A_85, %mul3A_164 : i32
        %add3A_166 = arith.constant 64 : i32
        %add3A_167 = arith.addi %mul3A_165, %add3A_166 : i32
        %get3A_168 = arith.index_cast %add3A_167 : i32 to index
        %get3A_169 = tpu.vector_load %arg5[%get3A_168] {strides = array<i32>} : memref<51200xi32, #tpu.memory_space<vmem>>, vector<16xi32>,
        %ne3A_170 = arith.constant 0 : i32
        %ne3A_171 = vector.broadcast %ne3A_170 : i32 to vector<16xi32>
        %ne3A_172 = arith.cmpi ne, %get3A_169, %ne3A_171 : vector<16xi32>
        %all_reduce_population_count3A_173 = tpu.all_reduce %ne3A_172 {dim = 0 : i64, kind = #tpu.reduction_kind<sum>} : vector<16xi1> -> vector<16xi32>
        %add3A_174 = arith.addi %add3A_163, %all_reduce_population_count3A_173 : vector<16xi32>
        %mul3A_175 = arith.constant 200 : i32
        %mul3A_176 = arith.muli %add3A_85, %mul3A_175 : i32
        %add3A_177 = arith.constant 80 : i32
        %add3A_178 = arith.addi %mul3A_176, %add3A_177 : i32
        %get3A_179 = arith.index_cast %add3A_178 : i32 to index
        %get3A_180 = tpu.vector_load %arg5[%get3A_179] {strides = array<i32>} : memref<51200xi32, #tpu.memory_space<vmem>>, vector<16xi32>,
        %ne3A_181 = arith.constant 0 : i32
        %ne3A_182 = vector.broadcast %ne3A_181 : i32 to vector<16xi32>
        %ne3A_183 = arith.cmpi ne, %get3A_180, %ne3A_182 : vector<16xi32>
        %all_reduce_population_count3A_184 = tpu.all_reduce %ne3A_183 {dim = 0 : i64, kind = #tpu.reduction_kind<sum>} : vector<16xi1> -> vector<16xi32>
        %add3A_185 = arith.addi %add3A_174, %all_reduce_population_count3A_184 : vector<16xi32>
        %mul3A_186 = arith.constant 200 : i32
        %mul3A_187 = arith.muli %add3A_85, %mul3A_186 : i32
        %add3A_188 = arith.constant 96 : i32
        %add3A_189 = arith.addi %mul3A_187, %add3A_188 : i32
        %get3A_190 = arith.index_cast %add3A_189 : i32 to index
        %get3A_191 = tpu.vector_load %arg5[%get3A_190] {strides = array<i32>} : memref<51200xi32, #tpu.memory_space<vmem>>, vector<16xi32>,
        %ne3A_192 = arith.constant 0 : i32
        %ne3A_193 = vector.broadcast %ne3A_192 : i32 to vector<16xi32>
        %ne3A_194 = arith.cmpi ne, %get3A_191, %ne3A_193 : vector<16xi32>
        %all_reduce_population_count3A_195 = tpu.all_reduce %ne3A_194 {dim = 0 : i64, kind = #tpu.reduction_kind<sum>} : vector<16xi1> -> vector<16xi32>
        %add3A_196 = arith.addi %add3A_185, %all_reduce_population_count3A_195 : vector<16xi32>
        %mul3A_197 = arith.constant 200 : i32
        %mul3A_198 = arith.muli %add3A_85, %mul3A_197 : i32
        %add3A_199 = arith.constant 112 : i32
        %add3A_200 = arith.addi %mul3A_198, %add3A_199 : i32
        %get3A_201 = arith.index_cast %add3A_200 : i32 to index
        %get3A_202 = tpu.vector_load %arg5[%get3A_201] {strides = array<i32>} : memref<51200xi32, #tpu.memory_space<vmem>>, vector<16xi32>,
        %ne3A_203 = arith.constant 0 : i32
        %ne3A_204 = vector.broadcast %ne3A_203 : i32 to vector<16xi32>
        %ne3A_205 = arith.cmpi ne, %get3A_202, %ne3A_204 : vector<16xi32>
        %all_reduce_population_count3A_206 = tpu.all_reduce %ne3A_205 {dim = 0 : i64, kind = #tpu.reduction_kind<sum>} : vector<16xi1> -> vector<16xi32>
        %add3A_207 = arith.addi %add3A_196, %all_reduce_population_count3A_206 : vector<16xi32>
        %mul3A_208 = arith.constant 200 : i32
        %mul3A_209 = arith.muli %add3A_85, %mul3A_208 : i32
        %add3A_210 = arith.constant 128 : i32
        %add3A_211 = arith.addi %mul3A_209, %add3A_210 : i32
        %get3A_212 = arith.index_cast %add3A_211 : i32 to index
        %get3A_213 = tpu.vector_load %arg5[%get3A_212] {strides = array<i32>} : memref<51200xi32, #tpu.memory_space<vmem>>, vector<16xi32>,
        %ne3A_214 = arith.constant 0 : i32
        %ne3A_215 = vector.broadcast %ne3A_214 : i32 to vector<16xi32>
        %ne3A_216 = arith.cmpi ne, %get3A_213, %ne3A_215 : vector<16xi32>
        %all_reduce_population_count3A_217 = tpu.all_reduce %ne3A_216 {dim = 0 : i64, kind = #tpu.reduction_kind<sum>} : vector<16xi1> -> vector<16xi32>
        %add3A_218 = arith.addi %add3A_207, %all_reduce_population_count3A_217 : vector<16xi32>
        %mul3A_219 = arith.constant 200 : i32
        %mul3A_220 = arith.muli %add3A_85, %mul3A_219 : i32
        %add3A_221 = arith.constant 144 : i32
        %add3A_222 = arith.addi %mul3A_220, %add3A_221 : i32
        %get3A_223 = arith.index_cast %add3A_222 : i32 to index
        %get3A_224 = tpu.vector_load %arg5[%get3A_223] {strides = array<i32>} : memref<51200xi32, #tpu.memory_space<vmem>>, vector<16xi32>,
        %ne3A_225 = arith.constant 0 : i32
        %ne3A_226 = vector.broadcast %ne3A_225 : i32 to vector<16xi32>
        %ne3A_227 = arith.cmpi ne, %get3A_224, %ne3A_226 : vector<16xi32>
        %all_reduce_population_count3A_228 = tpu.all_reduce %ne3A_227 {dim = 0 : i64, kind = #tpu.reduction_kind<sum>} : vector<16xi1> -> vector<16xi32>
        %add3A_229 = arith.addi %add3A_218, %all_reduce_population_count3A_228 : vector<16xi32>
        %mul3A_230 = arith.constant 200 : i32
        %mul3A_231 = arith.muli %add3A_85, %mul3A_230 : i32
        %add3A_232 = arith.constant 160 : i32
        %add3A_233 = arith.addi %mul3A_231, %add3A_232 : i32
        %get3A_234 = arith.index_cast %add3A_233 : i32 to index
        %get3A_235 = tpu.vector_load %arg5[%get3A_234] {strides = array<i32>} : memref<51200xi32, #tpu.memory_space<vmem>>, vector<16xi32>,
        %ne3A_236 = arith.constant 0 : i32
        %ne3A_237 = vector.broadcast %ne3A_236 : i32 to vector<16xi32>
        %ne3A_238 = arith.cmpi ne, %get3A_235, %ne3A_237 : vector<16xi32>
        %all_reduce_population_count3A_239 = tpu.all_reduce %ne3A_238 {dim = 0 : i64, kind = #tpu.reduction_kind<sum>} : vector<16xi1> -> vector<16xi32>
        %add3A_240 = arith.addi %add3A_229, %all_reduce_population_count3A_239 : vector<16xi32>
        %mul3A_241 = arith.constant 200 : i32
        %mul3A_242 = arith.muli %add3A_85, %mul3A_241 : i32
        %add3A_243 = arith.constant 176 : i32
        %add3A_244 = arith.addi %mul3A_242, %add3A_243 : i32
        %get3A_245 = arith.index_cast %add3A_244 : i32 to index
        %get3A_246 = tpu.vector_load %arg5[%get3A_245] {strides = array<i32>} : memref<51200xi32, #tpu.memory_space<vmem>>, vector<16xi32>,
        %ne3A_247 = arith.constant 0 : i32
        %ne3A_248 = vector.broadcast %ne3A_247 : i32 to vector<16xi32>
        %ne3A_249 = arith.cmpi ne, %get3A_246, %ne3A_248 : vector<16xi32>
        %all_reduce_population_count3A_250 = tpu.all_reduce %ne3A_249 {dim = 0 : i64, kind = #tpu.reduction_kind<sum>} : vector<16xi1> -> vector<16xi32>
        %add3A_251 = arith.addi %add3A_240, %all_reduce_population_count3A_250 : vector<16xi32>
        %mul3A_252 = arith.constant 200 : i32
        %mul3A_253 = arith.muli %add3A_85, %mul3A_252 : i32
        %add3A_254 = arith.constant 200 : i32
        %add3A_255 = arith.addi %mul3A_253, %add3A_254 : i32
        %sub3A_256 = arith.constant 16 : i32
        %sub3A_257 = arith.subi %add3A_255, %sub3A_256 : i32
        %get3A_258 = arith.index_cast %sub3A_257 : i32 to index
        %get3A_259 = tpu.vector_load %arg5[%get3A_258] {strides = array<i32>} : memref<51200xi32, #tpu.memory_space<vmem>>, vector<16xi32>,
        %iota3A = tpu.iota {dimensions = array<i32: 0>} : vector<16xi32>
        %ge3A = arith.constant 8 : i32
        %ge3A_260 = vector.broadcast %ge3A : i32 to vector<16xi32>
        %ge3A_261 = arith.cmpi sge, %iota3A, %ge3A_260 : vector<16xi32>
        %ne3A_262 = arith.constant 0 : i32
        %ne3A_263 = vector.broadcast %ne3A_262 : i32 to vector<16xi32>
        %ne3A_264 = arith.cmpi ne, %get3A_259, %ne3A_263 : vector<16xi32>
        %and3A = arith.andi %ne3A_264, %ge3A_261 : vector<16xi1>
        %all_reduce_population_count3A_265 = tpu.all_reduce %and3A {dim = 0 : i64, kind = #tpu.reduction_kind<sum>} : vector<16xi1> -> vector<16xi32>
        %add3A_266 = arith.addi %add3A_251, %all_reduce_population_count3A_265 : vector<16xi32>
        %convert_element_type3A_267 = arith.sitofp %add3A_266 : vector<16xi32> to vector<16xf32>
        %max3A = arith.constant 1.000000e+00 : f32
        %max3A_268 = vector.broadcast %max3A : f32 to vector<16xf32>
        %max3A_269 = arith.maximumf %convert_element_type3A_267, %max3A_268 : vector<16xf32>
        %div3A = arith.divf %scan3A_119#0, %max3A_269 : vector<16xf32>
        %swap3A = arith.index_cast %add3A_85 : i32 to index
        %swap3A_270 = arith.constant 0 : index
        %swap3A_271 = tpu.vector_load %arg7[%swap3A, %swap3A_270] {strides = array<i32>} : memref<256x64xf32, #tpu.memory_space<vmem>>, vector<16xf32>,
        tpu.vector_store %arg7[%swap3A, %swap3A_270], %div3A {strides = array<i32>} : memref<256x64xf32, #tpu.memory_space<vmem>>, vector<16xf32>,
        %div3A_272 = arith.divf %scan3A_119#1, %max3A_269 : vector<16xf32>
        %swap3A_273 = arith.index_cast %add3A_85 : i32 to index
        %swap3A_274 = arith.constant 16 : index
        %swap3A_275 = tpu.vector_load %arg7[%swap3A_273, %swap3A_274] {strides = array<i32>} : memref<256x64xf32, #tpu.memory_space<vmem>>, vector<16xf32>,
        tpu.vector_store %arg7[%swap3A_273, %swap3A_274], %div3A_272 {strides = array<i32>} : memref<256x64xf32, #tpu.memory_space<vmem>>, vector<16xf32>,
        %div3A_276 = arith.divf %scan3A_119#2, %max3A_269 : vector<16xf32>
        %swap3A_277 = arith.index_cast %add3A_85 : i32 to index
        %swap3A_278 = arith.constant 32 : index
        %swap3A_279 = tpu.vector_load %arg7[%swap3A_277, %swap3A_278] {strides = array<i32>} : memref<256x64xf32, #tpu.memory_space<vmem>>, vector<16xf32>,
        tpu.vector_store %arg7[%swap3A_277, %swap3A_278], %div3A_276 {strides = array<i32>} : memref<256x64xf32, #tpu.memory_space<vmem>>, vector<16xf32>,
        %div3A_280 = arith.divf %scan3A_119#3, %max3A_269 : vector<16xf32>
        %swap3A_281 = arith.index_cast %add3A_85 : i32 to index
        %swap3A_282 = arith.constant 48 : index
        %swap3A_283 = tpu.vector_load %arg7[%swap3A_281, %swap3A_282] {strides = array<i32>} : memref<256x64xf32, #tpu.memory_space<vmem>>, vector<16xf32>,
        tpu.vector_store %arg7[%swap3A_281, %swap3A_282], %div3A_280 {strides = array<i32>} : memref<256x64xf32, #tpu.memory_space<vmem>>, vector<16xf32>,
        %add3A_284 = arith.constant 1 : i32
        %add3A_285 = arith.addi %mul3A_83, %add3A_284 : i32
        %add3A_286 = arith.constant 4 : i32
        %add3A_287 = arith.addi %add3A_285, %add3A_286 : i32
        %sub3A_288 = arith.constant 1 : i32
        %sub3A_289 = arith.subi %add3A_287, %sub3A_288 : i32
        %lt3A_290 = arith.constant 256 : i32
        %lt3A_291 = arith.cmpi slt, %sub3A_289, %lt3A_290 : i32
        %convert_element_type3A_292 = arith.extui %lt3A_291 : i1 to i32
        %cond3A_293 = arith.constant 0 : i32
        %cond3A_294 = arith.cmpi ne, %convert_element_type3A_292, %cond3A_293 : i32
        scf.if %cond3A_294 {
          %add3A_929 = arith.constant 4 : i32
          %add3A_930 = arith.addi %add3A_285, %add3A_929 : i32
          %sub3A_931 = arith.constant 1 : i32
          %sub3A_932 = arith.subi %add3A_930, %sub3A_931 : i32
          %mul3A_933 = arith.constant 200 : i32
          %mul3A_934 = arith.muli %sub3A_932, %mul3A_933 : i32
          %mul3A_935 = arith.constant 200 : i32
          %mul3A_936 = arith.muli %sub3A_932, %mul3A_935 : i32
          %add3A_937 = arith.constant 128 : i32
          %add3A_938 = arith.addi %mul3A_936, %add3A_937 : i32
          %dma_start3A_939 = arith.constant 0 : i32
          %dma_start3A_940 = arith.constant 0 : i32
          %dma_start3A_941 = arith.constant 0 : i32
          %dma_start3A_942 = tpu.memref_slice %arg6[%dma_start3A_939, %dma_start3A_940, %dma_start3A_941] : memref<4x200x64xf32, #tpu.memory_space<vmem>> -> memref<1x128x64xf32, #tpu.memory_space<vmem>>
          %dma_start3A_943 = tpu.memref_squeeze %dma_start3A_942 : memref<1x128x64xf32, #tpu.memory_space<vmem>> -> memref<128x64xf32, #tpu.memory_space<vmem>>
          %dma_start3A_944 = tpu.memref_slice %arg5[%mul3A_934] : memref<51200xi32, #tpu.memory_space<vmem>> -> memref<128xi32, #tpu.memory_space<vmem>>
          %dma_start3A_945 = arith.constant 0 : i32
          %dma_start3A_946 = arith.constant 0 : i32
          %dma_start3A_947 = tpu.memref_slice %arg3[%dma_start3A_945, %dma_start3A_946] : memref<1000000x64xf32, #tpu.memory_space<hbm>> -> memref<1000000x64xf32, #tpu.memory_space<hbm>>
          tpu.enqueue_indirect_dma source(%dma_start3A_947 : memref<1000000x64xf32, #tpu.memory_space<hbm>>) target(%dma_start3A_943 : memref<128x64xf32, #tpu.memory_space<vmem>>) offsets(%dma_start3A_944 : memref<128xi32, #tpu.memory_space<vmem>>) semaphore(%arg8 : memref<!tpu.dma_semaphore, #tpu.memory_space<semaphore_mem>>)
          %dma_start3A_948 = arith.constant 0 : i32
          %dma_start3A_949 = arith.constant 128 : i32
          %dma_start3A_950 = arith.constant 0 : i32
          %dma_start3A_951 = tpu.memref_slice %arg6[%dma_start3A_948, %dma_start3A_949, %dma_start3A_950] : memref<4x200x64xf32, #tpu.memory_space<vmem>> -> memref<1x72x64xf32, #tpu.memory_space<vmem>>
          %dma_start3A_952 = tpu.memref_squeeze %dma_start3A_951 : memref<1x72x64xf32, #tpu.memory_space<vmem>> -> memref<72x64xf32, #tpu.memory_space<vmem>>
          %dma_start3A_953 = tpu.memref_slice %arg5[%add3A_938] : memref<51200xi32, #tpu.memory_space<vmem>> -> memref<72xi32, #tpu.memory_space<vmem>>
          %dma_start3A_954 = arith.constant 0 : i32
          %dma_start3A_955 = arith.constant 0 : i32
          %dma_start3A_956 = tpu.memref_slice %arg3[%dma_start3A_954, %dma_start3A_955] : memref<1000000x64xf32, #tpu.memory_space<hbm>> -> memref<1000000x64xf32, #tpu.memory_space<hbm>>
          tpu.enqueue_indirect_dma source(%dma_start3A_956 : memref<1000000x64xf32, #tpu.memory_space<hbm>>) target(%dma_start3A_952 : memref<72x64xf32, #tpu.memory_space<vmem>>) offsets(%dma_start3A_953 : memref<72xi32, #tpu.memory_space<vmem>>) semaphore(%arg8 : memref<!tpu.dma_semaphore, #tpu.memory_space<semaphore_mem>>)
        } else {
        }
        %mul3A_295 = arith.constant 200 : i32
        %mul3A_296 = arith.muli %add3A_285, %mul3A_295 : i32
        %mul3A_297 = arith.constant 200 : i32
        %mul3A_298 = arith.muli %add3A_285, %mul3A_297 : i32
        %add3A_299 = arith.constant 128 : i32
        %add3A_300 = arith.addi %mul3A_298, %add3A_299 : i32
        %dma_wait3A_301 = arith.constant 1 : i32
        %dma_wait3A_302 = arith.constant 0 : i32
        %dma_wait3A_303 = arith.constant 0 : i32
        %dma_wait3A_304 = tpu.memref_slice %arg6[%dma_wait3A_301, %dma_wait3A_302, %dma_wait3A_303] : memref<4x200x64xf32, #tpu.memory_space<vmem>> -> memref<1x128x64xf32, #tpu.memory_space<vmem>>
        %dma_wait3A_305 = tpu.memref_squeeze %dma_wait3A_304 : memref<1x128x64xf32, #tpu.memory_space<vmem>> -> memref<128x64xf32, #tpu.memory_space<vmem>>
        %dma_wait3A_306 = tpu.memref_slice %arg5[%mul3A_296] : memref<51200xi32, #tpu.memory_space<vmem>> -> memref<128xi32, #tpu.memory_space<vmem>>
        %dma_wait3A_307 = arith.constant 0 : i32
        %dma_wait3A_308 = arith.constant 0 : i32
        %dma_wait3A_309 = tpu.memref_slice %arg3[%dma_wait3A_307, %dma_wait3A_308] : memref<1000000x64xf32, #tpu.memory_space<hbm>> -> memref<1000000x64xf32, #tpu.memory_space<hbm>>
        tpu.wait_indirect_dma semaphore(%arg9 : memref<!tpu.dma_semaphore, #tpu.memory_space<semaphore_mem>>) src(%dma_wait3A_309 : memref<1000000x64xf32, #tpu.memory_space<hbm>>) dst(%dma_wait3A_305 : memref<128x64xf32, #tpu.memory_space<vmem>>)
        %dma_wait3A_310 = arith.constant 1 : i32
        %dma_wait3A_311 = arith.constant 128 : i32
        %dma_wait3A_312 = arith.constant 0 : i32
        %dma_wait3A_313 = tpu.memref_slice %arg6[%dma_wait3A_310, %dma_wait3A_311, %dma_wait3A_312] : memref<4x200x64xf32, #tpu.memory_space<vmem>> -> memref<1x72x64xf32, #tpu.memory_space<vmem>>
        %dma_wait3A_314 = tpu.memref_squeeze %dma_wait3A_313 : memref<1x72x64xf32, #tpu.memory_space<vmem>> -> memref<72x64xf32, #tpu.memory_space<vmem>>
        %dma_wait3A_315 = tpu.memref_slice %arg5[%add3A_300] : memref<51200xi32, #tpu.memory_space<vmem>> -> memref<72xi32, #tpu.memory_space<vmem>>
        %dma_wait3A_316 = arith.constant 0 : i32
        %dma_wait3A_317 = arith.constant 0 : i32
        %dma_wait3A_318 = tpu.memref_slice %arg3[%dma_wait3A_316, %dma_wait3A_317] : memref<1000000x64xf32, #tpu.memory_space<hbm>> -> memref<1000000x64xf32, #tpu.memory_space<hbm>>
        tpu.wait_indirect_dma semaphore(%arg9 : memref<!tpu.dma_semaphore, #tpu.memory_space<semaphore_mem>>) src(%dma_wait3A_318 : memref<1000000x64xf32, #tpu.memory_space<hbm>>) dst(%dma_wait3A_314 : memref<72x64xf32, #tpu.memory_space<vmem>>)
        %broadcast_in_dim3A_319 = arith.constant 0.000000e+00 : f32
        %broadcast_in_dim3A_320 = vector.broadcast %broadcast_in_dim3A_319 : f32 to vector<16xf32>
        %scan3A_321 = arith.constant 0 : i32
        %scan3A_322 = arith.constant 25 : i32
        %scan3A_323 = arith.addi %scan3A_321, %scan3A_322 : i32
        %scan3A_324 = arith.constant 1 : i32
        %scan3A_325:4 = scf.for %scan3A_929 = %scan3A_321 to %scan3A_323 step %scan3A_324 iter_args(%scan3A_930 = %broadcast_in_dim3A_320, %scan3A_931 = %broadcast_in_dim3A_320, %scan3A_932 = %broadcast_in_dim3A_320, %scan3A_933 = %broadcast_in_dim3A_320) -> (vector<16xf32>, vector<16xf32>, vector<16xf32>, vector<16xf32>)  : i32 {
          %mul3A_934 = arith.constant 8 : i32
          %mul3A_935 = arith.muli %scan3A_929, %mul3A_934 : i32
          %add3A_936 = arith.constant 0 : i32
          %add3A_937 = arith.addi %mul3A_935, %add3A_936 : i32
          %get3A_938 = arith.constant 1 : i32
          %get3A_939 = arith.index_cast %get3A_938 : i32 to index
          %get3A_940 = arith.index_cast %add3A_937 : i32 to index
          %get3A_941 = arith.constant 0 : index
          %get3A_942 = tpu.vector_load %arg6[%get3A_939, %get3A_940, %get3A_941] {strides = array<i32>} : memref<4x200x64xf32, #tpu.memory_space<vmem>>, vector<16xf32>,
          %add3A_943 = arith.addf %scan3A_930, %get3A_942 : vector<16xf32>
          %get3A_944 = arith.constant 1 : i32
          %get3A_945 = arith.index_cast %get3A_944 : i32 to index
          %get3A_946 = arith.index_cast %add3A_937 : i32 to index
          %get3A_947 = arith.constant 16 : index
          %get3A_948 = tpu.vector_load %arg6[%get3A_945, %get3A_946, %get3A_947] {strides = array<i32>} : memref<4x200x64xf32, #tpu.memory_space<vmem>>, vector<16xf32>,
          %add3A_949 = arith.addf %scan3A_931, %get3A_948 : vector<16xf32>
          %get3A_950 = arith.constant 1 : i32
          %get3A_951 = arith.index_cast %get3A_950 : i32 to index
          %get3A_952 = arith.index_cast %add3A_937 : i32 to index
          %get3A_953 = arith.constant 32 : index
          %get3A_954 = tpu.vector_load %arg6[%get3A_951, %get3A_952, %get3A_953] {strides = array<i32>} : memref<4x200x64xf32, #tpu.memory_space<vmem>>, vector<16xf32>,
          %add3A_955 = arith.addf %scan3A_932, %get3A_954 : vector<16xf32>
          %get3A_956 = arith.constant 1 : i32
          %get3A_957 = arith.index_cast %get3A_956 : i32 to index
          %get3A_958 = arith.index_cast %add3A_937 : i32 to index
          %get3A_959 = arith.constant 48 : index
          %get3A_960 = tpu.vector_load %arg6[%get3A_957, %get3A_958, %get3A_959] {strides = array<i32>} : memref<4x200x64xf32, #tpu.memory_space<vmem>>, vector<16xf32>,
          %add3A_961 = arith.addf %scan3A_933, %get3A_960 : vector<16xf32>
          %mul3A_962 = arith.constant 8 : i32
          %mul3A_963 = arith.muli %scan3A_929, %mul3A_962 : i32
          %add3A_964 = arith.constant 1 : i32
          %add3A_965 = arith.addi %mul3A_963, %add3A_964 : i32
          %get3A_966 = arith.constant 1 : i32
          %get3A_967 = arith.index_cast %get3A_966 : i32 to index
          %get3A_968 = arith.index_cast %add3A_965 : i32 to index
          %get3A_969 = arith.constant 0 : index
          %get3A_970 = tpu.vector_load %arg6[%get3A_967, %get3A_968, %get3A_969] {strides = array<i32>} : memref<4x200x64xf32, #tpu.memory_space<vmem>>, vector<16xf32>,
          %add3A_971 = arith.addf %add3A_943, %get3A_970 : vector<16xf32>
          %get3A_972 = arith.constant 1 : i32
          %get3A_973 = arith.index_cast %get3A_972 : i32 to index
          %get3A_974 = arith.index_cast %add3A_965 : i32 to index
          %get3A_975 = arith.constant 16 : index
          %get3A_976 = tpu.vector_load %arg6[%get3A_973, %get3A_974, %get3A_975] {strides = array<i32>} : memref<4x200x64xf32, #tpu.memory_space<vmem>>, vector<16xf32>,
          %add3A_977 = arith.addf %add3A_949, %get3A_976 : vector<16xf32>
          %get3A_978 = arith.constant 1 : i32
          %get3A_979 = arith.index_cast %get3A_978 : i32 to index
          %get3A_980 = arith.index_cast %add3A_965 : i32 to index
          %get3A_981 = arith.constant 32 : index
          %get3A_982 = tpu.vector_load %arg6[%get3A_979, %get3A_980, %get3A_981] {strides = array<i32>} : memref<4x200x64xf32, #tpu.memory_space<vmem>>, vector<16xf32>,
          %add3A_983 = arith.addf %add3A_955, %get3A_982 : vector<16xf32>
          %get3A_984 = arith.constant 1 : i32
          %get3A_985 = arith.index_cast %get3A_984 : i32 to index
          %get3A_986 = arith.index_cast %add3A_965 : i32 to index
          %get3A_987 = arith.constant 48 : index
          %get3A_988 = tpu.vector_load %arg6[%get3A_985, %get3A_986, %get3A_987] {strides = array<i32>} : memref<4x200x64xf32, #tpu.memory_space<vmem>>, vector<16xf32>,
          %add3A_989 = arith.addf %add3A_961, %get3A_988 : vector<16xf32>
          %mul3A_990 = arith.constant 8 : i32
          %mul3A_991 = arith.muli %scan3A_929, %mul3A_990 : i32
          %add3A_992 = arith.constant 2 : i32
          %add3A_993 = arith.addi %mul3A_991, %add3A_992 : i32
          %get3A_994 = arith.constant 1 : i32
          %get3A_995 = arith.index_cast %get3A_994 : i32 to index
          %get3A_996 = arith.index_cast %add3A_993 : i32 to index
          %get3A_997 = arith.constant 0 : index
          %get3A_998 = tpu.vector_load %arg6[%get3A_995, %get3A_996, %get3A_997] {strides = array<i32>} : memref<4x200x64xf32, #tpu.memory_space<vmem>>, vector<16xf32>,
          %add3A_999 = arith.addf %add3A_971, %get3A_998 : vector<16xf32>
          %get3A_1000 = arith.constant 1 : i32
          %get3A_1001 = arith.index_cast %get3A_1000 : i32 to index
          %get3A_1002 = arith.index_cast %add3A_993 : i32 to index
          %get3A_1003 = arith.constant 16 : index
          %get3A_1004 = tpu.vector_load %arg6[%get3A_1001, %get3A_1002, %get3A_1003] {strides = array<i32>} : memref<4x200x64xf32, #tpu.memory_space<vmem>>, vector<16xf32>,
          %add3A_1005 = arith.addf %add3A_977, %get3A_1004 : vector<16xf32>
          %get3A_1006 = arith.constant 1 : i32
          %get3A_1007 = arith.index_cast %get3A_1006 : i32 to index
          %get3A_1008 = arith.index_cast %add3A_993 : i32 to index
          %get3A_1009 = arith.constant 32 : index
          %get3A_1010 = tpu.vector_load %arg6[%get3A_1007, %get3A_1008, %get3A_1009] {strides = array<i32>} : memref<4x200x64xf32, #tpu.memory_space<vmem>>, vector<16xf32>,
          %add3A_1011 = arith.addf %add3A_983, %get3A_1010 : vector<16xf32>
          %get3A_1012 = arith.constant 1 : i32
          %get3A_1013 = arith.index_cast %get3A_1012 : i32 to index
          %get3A_1014 = arith.index_cast %add3A_993 : i32 to index
          %get3A_1015 = arith.constant 48 : index
          %get3A_1016 = tpu.vector_load %arg6[%get3A_1013, %get3A_1014, %get3A_1015] {strides = array<i32>} : memref<4x200x64xf32, #tpu.memory_space<vmem>>, vector<16xf32>,
          %add3A_1017 = arith.addf %add3A_989, %get3A_1016 : vector<16xf32>
          %mul3A_1018 = arith.constant 8 : i32
          %mul3A_1019 = arith.muli %scan3A_929, %mul3A_1018 : i32
          %add3A_1020 = arith.constant 3 : i32
          %add3A_1021 = arith.addi %mul3A_1019, %add3A_1020 : i32
          %get3A_1022 = arith.constant 1 : i32
          %get3A_1023 = arith.index_cast %get3A_1022 : i32 to index
          %get3A_1024 = arith.index_cast %add3A_1021 : i32 to index
          %get3A_1025 = arith.constant 0 : index
          %get3A_1026 = tpu.vector_load %arg6[%get3A_1023, %get3A_1024, %get3A_1025] {strides = array<i32>} : memref<4x200x64xf32, #tpu.memory_space<vmem>>, vector<16xf32>,
          %add3A_1027 = arith.addf %add3A_999, %get3A_1026 : vector<16xf32>
          %get3A_1028 = arith.constant 1 : i32
          %get3A_1029 = arith.index_cast %get3A_1028 : i32 to index
          %get3A_1030 = arith.index_cast %add3A_1021 : i32 to index
          %get3A_1031 = arith.constant 16 : index
          %get3A_1032 = tpu.vector_load %arg6[%get3A_1029, %get3A_1030, %get3A_1031] {strides = array<i32>} : memref<4x200x64xf32, #tpu.memory_space<vmem>>, vector<16xf32>,
          %add3A_1033 = arith.addf %add3A_1005, %get3A_1032 : vector<16xf32>
          %get3A_1034 = arith.constant 1 : i32
          %get3A_1035 = arith.index_cast %get3A_1034 : i32 to index
          %get3A_1036 = arith.index_cast %add3A_1021 : i32 to index
          %get3A_1037 = arith.constant 32 : index
          %get3A_1038 = tpu.vector_load %arg6[%get3A_1035, %get3A_1036, %get3A_1037] {strides = array<i32>} : memref<4x200x64xf32, #tpu.memory_space<vmem>>, vector<16xf32>,
          %add3A_1039 = arith.addf %add3A_1011, %get3A_1038 : vector<16xf32>
          %get3A_1040 = arith.constant 1 : i32
          %get3A_1041 = arith.index_cast %get3A_1040 : i32 to index
          %get3A_1042 = arith.index_cast %add3A_1021 : i32 to index
          %get3A_1043 = arith.constant 48 : index
          %get3A_1044 = tpu.vector_load %arg6[%get3A_1041, %get3A_1042, %get3A_1043] {strides = array<i32>} : memref<4x200x64xf32, #tpu.memory_space<vmem>>, vector<16xf32>,
          %add3A_1045 = arith.addf %add3A_1017, %get3A_1044 : vector<16xf32>
          %mul3A_1046 = arith.constant 8 : i32
          %mul3A_1047 = arith.muli %scan3A_929, %mul3A_1046 : i32
          %add3A_1048 = arith.constant 4 : i32
          %add3A_1049 = arith.addi %mul3A_1047, %add3A_1048 : i32
          %get3A_1050 = arith.constant 1 : i32
          %get3A_1051 = arith.index_cast %get3A_1050 : i32 to index
          %get3A_1052 = arith.index_cast %add3A_1049 : i32 to index
          %get3A_1053 = arith.constant 0 : index
          %get3A_1054 = tpu.vector_load %arg6[%get3A_1051, %get3A_1052, %get3A_1053] {strides = array<i32>} : memref<4x200x64xf32, #tpu.memory_space<vmem>>, vector<16xf32>,
          %add3A_1055 = arith.addf %add3A_1027, %get3A_1054 : vector<16xf32>
          %get3A_1056 = arith.constant 1 : i32
          %get3A_1057 = arith.index_cast %get3A_1056 : i32 to index
          %get3A_1058 = arith.index_cast %add3A_1049 : i32 to index
          %get3A_1059 = arith.constant 16 : index
          %get3A_1060 = tpu.vector_load %arg6[%get3A_1057, %get3A_1058, %get3A_1059] {strides = array<i32>} : memref<4x200x64xf32, #tpu.memory_space<vmem>>, vector<16xf32>,
          %add3A_1061 = arith.addf %add3A_1033, %get3A_1060 : vector<16xf32>
          %get3A_1062 = arith.constant 1 : i32
          %get3A_1063 = arith.index_cast %get3A_1062 : i32 to index
          %get3A_1064 = arith.index_cast %add3A_1049 : i32 to index
          %get3A_1065 = arith.constant 32 : index
          %get3A_1066 = tpu.vector_load %arg6[%get3A_1063, %get3A_1064, %get3A_1065] {strides = array<i32>} : memref<4x200x64xf32, #tpu.memory_space<vmem>>, vector<16xf32>,
          %add3A_1067 = arith.addf %add3A_1039, %get3A_1066 : vector<16xf32>
          %get3A_1068 = arith.constant 1 : i32
          %get3A_1069 = arith.index_cast %get3A_1068 : i32 to index
          %get3A_1070 = arith.index_cast %add3A_1049 : i32 to index
          %get3A_1071 = arith.constant 48 : index
          %get3A_1072 = tpu.vector_load %arg6[%get3A_1069, %get3A_1070, %get3A_1071] {strides = array<i32>} : memref<4x200x64xf32, #tpu.memory_space<vmem>>, vector<16xf32>,
          %add3A_1073 = arith.addf %add3A_1045, %get3A_1072 : vector<16xf32>
          %mul3A_1074 = arith.constant 8 : i32
          %mul3A_1075 = arith.muli %scan3A_929, %mul3A_1074 : i32
          %add3A_1076 = arith.constant 5 : i32
          %add3A_1077 = arith.addi %mul3A_1075, %add3A_1076 : i32
          %get3A_1078 = arith.constant 1 : i32
          %get3A_1079 = arith.index_cast %get3A_1078 : i32 to index
          %get3A_1080 = arith.index_cast %add3A_1077 : i32 to index
          %get3A_1081 = arith.constant 0 : index
          %get3A_1082 = tpu.vector_load %arg6[%get3A_1079, %get3A_1080, %get3A_1081] {strides = array<i32>} : memref<4x200x64xf32, #tpu.memory_space<vmem>>, vector<16xf32>,
          %add3A_1083 = arith.addf %add3A_1055, %get3A_1082 : vector<16xf32>
          %get3A_1084 = arith.constant 1 : i32
          %get3A_1085 = arith.index_cast %get3A_1084 : i32 to index
          %get3A_1086 = arith.index_cast %add3A_1077 : i32 to index
          %get3A_1087 = arith.constant 16 : index
          %get3A_1088 = tpu.vector_load %arg6[%get3A_1085, %get3A_1086, %get3A_1087] {strides = array<i32>} : memref<4x200x64xf32, #tpu.memory_space<vmem>>, vector<16xf32>,
          %add3A_1089 = arith.addf %add3A_1061, %get3A_1088 : vector<16xf32>
          %get3A_1090 = arith.constant 1 : i32
          %get3A_1091 = arith.index_cast %get3A_1090 : i32 to index
          %get3A_1092 = arith.index_cast %add3A_1077 : i32 to index
          %get3A_1093 = arith.constant 32 : index
          %get3A_1094 = tpu.vector_load %arg6[%get3A_1091, %get3A_1092, %get3A_1093] {strides = array<i32>} : memref<4x200x64xf32, #tpu.memory_space<vmem>>, vector<16xf32>,
          %add3A_1095 = arith.addf %add3A_1067, %get3A_1094 : vector<16xf32>
          %get3A_1096 = arith.constant 1 : i32
          %get3A_1097 = arith.index_cast %get3A_1096 : i32 to index
          %get3A_1098 = arith.index_cast %add3A_1077 : i32 to index
          %get3A_1099 = arith.constant 48 : index
          %get3A_1100 = tpu.vector_load %arg6[%get3A_1097, %get3A_1098, %get3A_1099] {strides = array<i32>} : memref<4x200x64xf32, #tpu.memory_space<vmem>>, vector<16xf32>,
          %add3A_1101 = arith.addf %add3A_1073, %get3A_1100 : vector<16xf32>
          %mul3A_1102 = arith.constant 8 : i32
          %mul3A_1103 = arith.muli %scan3A_929, %mul3A_1102 : i32
          %add3A_1104 = arith.constant 6 : i32
          %add3A_1105 = arith.addi %mul3A_1103, %add3A_1104 : i32
          %get3A_1106 = arith.constant 1 : i32
          %get3A_1107 = arith.index_cast %get3A_1106 : i32 to index
          %get3A_1108 = arith.index_cast %add3A_1105 : i32 to index
          %get3A_1109 = arith.constant 0 : index
          %get3A_1110 = tpu.vector_load %arg6[%get3A_1107, %get3A_1108, %get3A_1109] {strides = array<i32>} : memref<4x200x64xf32, #tpu.memory_space<vmem>>, vector<16xf32>,
          %add3A_1111 = arith.addf %add3A_1083, %get3A_1110 : vector<16xf32>
          %get3A_1112 = arith.constant 1 : i32
          %get3A_1113 = arith.index_cast %get3A_1112 : i32 to index
          %get3A_1114 = arith.index_cast %add3A_1105 : i32 to index
          %get3A_1115 = arith.constant 16 : index
          %get3A_1116 = tpu.vector_load %arg6[%get3A_1113, %get3A_1114, %get3A_1115] {strides = array<i32>} : memref<4x200x64xf32, #tpu.memory_space<vmem>>, vector<16xf32>,
          %add3A_1117 = arith.addf %add3A_1089, %get3A_1116 : vector<16xf32>
          %get3A_1118 = arith.constant 1 : i32
          %get3A_1119 = arith.index_cast %get3A_1118 : i32 to index
          %get3A_1120 = arith.index_cast %add3A_1105 : i32 to index
          %get3A_1121 = arith.constant 32 : index
          %get3A_1122 = tpu.vector_load %arg6[%get3A_1119, %get3A_1120, %get3A_1121] {strides = array<i32>} : memref<4x200x64xf32, #tpu.memory_space<vmem>>, vector<16xf32>,
          %add3A_1123 = arith.addf %add3A_1095, %get3A_1122 : vector<16xf32>
          %get3A_1124 = arith.constant 1 : i32
          %get3A_1125 = arith.index_cast %get3A_1124 : i32 to index
          %get3A_1126 = arith.index_cast %add3A_1105 : i32 to index
          %get3A_1127 = arith.constant 48 : index
          %get3A_1128 = tpu.vector_load %arg6[%get3A_1125, %get3A_1126, %get3A_1127] {strides = array<i32>} : memref<4x200x64xf32, #tpu.memory_space<vmem>>, vector<16xf32>,
          %add3A_1129 = arith.addf %add3A_1101, %get3A_1128 : vector<16xf32>
          %mul3A_1130 = arith.constant 8 : i32
          %mul3A_1131 = arith.muli %scan3A_929, %mul3A_1130 : i32
          %add3A_1132 = arith.constant 7 : i32
          %add3A_1133 = arith.addi %mul3A_1131, %add3A_1132 : i32
          %get3A_1134 = arith.constant 1 : i32
          %get3A_1135 = arith.index_cast %get3A_1134 : i32 to index
          %get3A_1136 = arith.index_cast %add3A_1133 : i32 to index
          %get3A_1137 = arith.constant 0 : index
          %get3A_1138 = tpu.vector_load %arg6[%get3A_1135, %get3A_1136, %get3A_1137] {strides = array<i32>} : memref<4x200x64xf32, #tpu.memory_space<vmem>>, vector<16xf32>,
          %add3A_1139 = arith.addf %add3A_1111, %get3A_1138 : vector<16xf32>
          %get3A_1140 = arith.constant 1 : i32
          %get3A_1141 = arith.index_cast %get3A_1140 : i32 to index
          %get3A_1142 = arith.index_cast %add3A_1133 : i32 to index
          %get3A_1143 = arith.constant 16 : index
          %get3A_1144 = tpu.vector_load %arg6[%get3A_1141, %get3A_1142, %get3A_1143] {strides = array<i32>} : memref<4x200x64xf32, #tpu.memory_space<vmem>>, vector<16xf32>,
          %add3A_1145 = arith.addf %add3A_1117, %get3A_1144 : vector<16xf32>
          %get3A_1146 = arith.constant 1 : i32
          %get3A_1147 = arith.index_cast %get3A_1146 : i32 to index
          %get3A_1148 = arith.index_cast %add3A_1133 : i32 to index
          %get3A_1149 = arith.constant 32 : index
          %get3A_1150 = tpu.vector_load %arg6[%get3A_1147, %get3A_1148, %get3A_1149] {strides = array<i32>} : memref<4x200x64xf32, #tpu.memory_space<vmem>>, vector<16xf32>,
          %add3A_1151 = arith.addf %add3A_1123, %get3A_1150 : vector<16xf32>
          %get3A_1152 = arith.constant 1 : i32
          %get3A_1153 = arith.index_cast %get3A_1152 : i32 to index
          %get3A_1154 = arith.index_cast %add3A_1133 : i32 to index
          %get3A_1155 = arith.constant 48 : index
          %get3A_1156 = tpu.vector_load %arg6[%get3A_1153, %get3A_1154, %get3A_1155] {strides = array<i32>} : memref<4x200x64xf32, #tpu.memory_space<vmem>>, vector<16xf32>,
          %add3A_1157 = arith.addf %add3A_1129, %get3A_1156 : vector<16xf32>
          scf.yield %add3A_1139, %add3A_1145, %add3A_1151, %add3A_1157 : vector<16xf32>, vector<16xf32>, vector<16xf32>, vector<16xf32>
        }
        %scan3A_326 = arith.constant 25 : i32
        %broadcast_in_dim3A_327 = arith.constant 0 : i32
        %broadcast_in_dim3A_328 = vector.broadcast %broadcast_in_dim3A_327 : i32 to vector<16xi32>
        %mul3A_329 = arith.constant 200 : i32
        %mul3A_330 = arith.muli %add3A_285, %mul3A_329 : i32
        %add3A_331 = arith.constant 0 : i32
        %add3A_332 = arith.addi %mul3A_330, %add3A_331 : i32
        %get3A_333 = arith.index_cast %add3A_332 : i32 to index
        %get3A_334 = tpu.vector_load %arg5[%get3A_333] {strides = array<i32>} : memref<51200xi32, #tpu.memory_space<vmem>>, vector<16xi32>,
        %ne3A_335 = arith.constant 0 : i32
        %ne3A_336 = vector.broadcast %ne3A_335 : i32 to vector<16xi32>
        %ne3A_337 = arith.cmpi ne, %get3A_334, %ne3A_336 : vector<16xi32>
        %all_reduce_population_count3A_338 = tpu.all_reduce %ne3A_337 {dim = 0 : i64, kind = #tpu.reduction_kind<sum>} : vector<16xi1> -> vector<16xi32>
        %add3A_339 = arith.addi %broadcast_in_dim3A_328, %all_reduce_population_count3A_338 : vector<16xi32>
        %mul3A_340 = arith.constant 200 : i32
        %mul3A_341 = arith.muli %add3A_285, %mul3A_340 : i32
        %add3A_342 = arith.constant 16 : i32
        %add3A_343 = arith.addi %mul3A_341, %add3A_342 : i32
        %get3A_344 = arith.index_cast %add3A_343 : i32 to index
        %get3A_345 = tpu.vector_load %arg5[%get3A_344] {strides = array<i32>} : memref<51200xi32, #tpu.memory_space<vmem>>, vector<16xi32>,
        %ne3A_346 = arith.constant 0 : i32
        %ne3A_347 = vector.broadcast %ne3A_346 : i32 to vector<16xi32>
        %ne3A_348 = arith.cmpi ne, %get3A_345, %ne3A_347 : vector<16xi32>
        %all_reduce_population_count3A_349 = tpu.all_reduce %ne3A_348 {dim = 0 : i64, kind = #tpu.reduction_kind<sum>} : vector<16xi1> -> vector<16xi32>
        %add3A_350 = arith.addi %add3A_339, %all_reduce_population_count3A_349 : vector<16xi32>
        %mul3A_351 = arith.constant 200 : i32
        %mul3A_352 = arith.muli %add3A_285, %mul3A_351 : i32
        %add3A_353 = arith.constant 32 : i32
        %add3A_354 = arith.addi %mul3A_352, %add3A_353 : i32
        %get3A_355 = arith.index_cast %add3A_354 : i32 to index
        %get3A_356 = tpu.vector_load %arg5[%get3A_355] {strides = array<i32>} : memref<51200xi32, #tpu.memory_space<vmem>>, vector<16xi32>,
        %ne3A_357 = arith.constant 0 : i32
        %ne3A_358 = vector.broadcast %ne3A_357 : i32 to vector<16xi32>
        %ne3A_359 = arith.cmpi ne, %get3A_356, %ne3A_358 : vector<16xi32>
        %all_reduce_population_count3A_360 = tpu.all_reduce %ne3A_359 {dim = 0 : i64, kind = #tpu.reduction_kind<sum>} : vector<16xi1> -> vector<16xi32>
        %add3A_361 = arith.addi %add3A_350, %all_reduce_population_count3A_360 : vector<16xi32>
        %mul3A_362 = arith.constant 200 : i32
        %mul3A_363 = arith.muli %add3A_285, %mul3A_362 : i32
        %add3A_364 = arith.constant 48 : i32
        %add3A_365 = arith.addi %mul3A_363, %add3A_364 : i32
        %get3A_366 = arith.index_cast %add3A_365 : i32 to index
        %get3A_367 = tpu.vector_load %arg5[%get3A_366] {strides = array<i32>} : memref<51200xi32, #tpu.memory_space<vmem>>, vector<16xi32>,
        %ne3A_368 = arith.constant 0 : i32
        %ne3A_369 = vector.broadcast %ne3A_368 : i32 to vector<16xi32>
        %ne3A_370 = arith.cmpi ne, %get3A_367, %ne3A_369 : vector<16xi32>
        %all_reduce_population_count3A_371 = tpu.all_reduce %ne3A_370 {dim = 0 : i64, kind = #tpu.reduction_kind<sum>} : vector<16xi1> -> vector<16xi32>
        %add3A_372 = arith.addi %add3A_361, %all_reduce_population_count3A_371 : vector<16xi32>
        %mul3A_373 = arith.constant 200 : i32
        %mul3A_374 = arith.muli %add3A_285, %mul3A_373 : i32
        %add3A_375 = arith.constant 64 : i32
        %add3A_376 = arith.addi %mul3A_374, %add3A_375 : i32
        %get3A_377 = arith.index_cast %add3A_376 : i32 to index
        %get3A_378 = tpu.vector_load %arg5[%get3A_377] {strides = array<i32>} : memref<51200xi32, #tpu.memory_space<vmem>>, vector<16xi32>,
        %ne3A_379 = arith.constant 0 : i32
        %ne3A_380 = vector.broadcast %ne3A_379 : i32 to vector<16xi32>
        %ne3A_381 = arith.cmpi ne, %get3A_378, %ne3A_380 : vector<16xi32>
        %all_reduce_population_count3A_382 = tpu.all_reduce %ne3A_381 {dim = 0 : i64, kind = #tpu.reduction_kind<sum>} : vector<16xi1> -> vector<16xi32>
        %add3A_383 = arith.addi %add3A_372, %all_reduce_population_count3A_382 : vector<16xi32>
        %mul3A_384 = arith.constant 200 : i32
        %mul3A_385 = arith.muli %add3A_285, %mul3A_384 : i32
        %add3A_386 = arith.constant 80 : i32
        %add3A_387 = arith.addi %mul3A_385, %add3A_386 : i32
        %get3A_388 = arith.index_cast %add3A_387 : i32 to index
        %get3A_389 = tpu.vector_load %arg5[%get3A_388] {strides = array<i32>} : memref<51200xi32, #tpu.memory_space<vmem>>, vector<16xi32>,
        %ne3A_390 = arith.constant 0 : i32
        %ne3A_391 = vector.broadcast %ne3A_390 : i32 to vector<16xi32>
        %ne3A_392 = arith.cmpi ne, %get3A_389, %ne3A_391 : vector<16xi32>
        %all_reduce_population_count3A_393 = tpu.all_reduce %ne3A_392 {dim = 0 : i64, kind = #tpu.reduction_kind<sum>} : vector<16xi1> -> vector<16xi32>
        %add3A_394 = arith.addi %add3A_383, %all_reduce_population_count3A_393 : vector<16xi32>
        %mul3A_395 = arith.constant 200 : i32
        %mul3A_396 = arith.muli %add3A_285, %mul3A_395 : i32
        %add3A_397 = arith.constant 96 : i32
        %add3A_398 = arith.addi %mul3A_396, %add3A_397 : i32
        %get3A_399 = arith.index_cast %add3A_398 : i32 to index
        %get3A_400 = tpu.vector_load %arg5[%get3A_399] {strides = array<i32>} : memref<51200xi32, #tpu.memory_space<vmem>>, vector<16xi32>,
        %ne3A_401 = arith.constant 0 : i32
        %ne3A_402 = vector.broadcast %ne3A_401 : i32 to vector<16xi32>
        %ne3A_403 = arith.cmpi ne, %get3A_400, %ne3A_402 : vector<16xi32>
        %all_reduce_population_count3A_404 = tpu.all_reduce %ne3A_403 {dim = 0 : i64, kind = #tpu.reduction_kind<sum>} : vector<16xi1> -> vector<16xi32>
        %add3A_405 = arith.addi %add3A_394, %all_reduce_population_count3A_404 : vector<16xi32>
        %mul3A_406 = arith.constant 200 : i32
        %mul3A_407 = arith.muli %add3A_285, %mul3A_406 : i32
        %add3A_408 = arith.constant 112 : i32
        %add3A_409 = arith.addi %mul3A_407, %add3A_408 : i32
        %get3A_410 = arith.index_cast %add3A_409 : i32 to index
        %get3A_411 = tpu.vector_load %arg5[%get3A_410] {strides = array<i32>} : memref<51200xi32, #tpu.memory_space<vmem>>, vector<16xi32>,
        %ne3A_412 = arith.constant 0 : i32
        %ne3A_413 = vector.broadcast %ne3A_412 : i32 to vector<16xi32>
        %ne3A_414 = arith.cmpi ne, %get3A_411, %ne3A_413 : vector<16xi32>
        %all_reduce_population_count3A_415 = tpu.all_reduce %ne3A_414 {dim = 0 : i64, kind = #tpu.reduction_kind<sum>} : vector<16xi1> -> vector<16xi32>
        %add3A_416 = arith.addi %add3A_405, %all_reduce_population_count3A_415 : vector<16xi32>
        %mul3A_417 = arith.constant 200 : i32
        %mul3A_418 = arith.muli %add3A_285, %mul3A_417 : i32
        %add3A_419 = arith.constant 128 : i32
        %add3A_420 = arith.addi %mul3A_418, %add3A_419 : i32
        %get3A_421 = arith.index_cast %add3A_420 : i32 to index
        %get3A_422 = tpu.vector_load %arg5[%get3A_421] {strides = array<i32>} : memref<51200xi32, #tpu.memory_space<vmem>>, vector<16xi32>,
        %ne3A_423 = arith.constant 0 : i32
        %ne3A_424 = vector.broadcast %ne3A_423 : i32 to vector<16xi32>
        %ne3A_425 = arith.cmpi ne, %get3A_422, %ne3A_424 : vector<16xi32>
        %all_reduce_population_count3A_426 = tpu.all_reduce %ne3A_425 {dim = 0 : i64, kind = #tpu.reduction_kind<sum>} : vector<16xi1> -> vector<16xi32>
        %add3A_427 = arith.addi %add3A_416, %all_reduce_population_count3A_426 : vector<16xi32>
        %mul3A_428 = arith.constant 200 : i32
        %mul3A_429 = arith.muli %add3A_285, %mul3A_428 : i32
        %add3A_430 = arith.constant 144 : i32
        %add3A_431 = arith.addi %mul3A_429, %add3A_430 : i32
        %get3A_432 = arith.index_cast %add3A_431 : i32 to index
        %get3A_433 = tpu.vector_load %arg5[%get3A_432] {strides = array<i32>} : memref<51200xi32, #tpu.memory_space<vmem>>, vector<16xi32>,
        %ne3A_434 = arith.constant 0 : i32
        %ne3A_435 = vector.broadcast %ne3A_434 : i32 to vector<16xi32>
        %ne3A_436 = arith.cmpi ne, %get3A_433, %ne3A_435 : vector<16xi32>
        %all_reduce_population_count3A_437 = tpu.all_reduce %ne3A_436 {dim = 0 : i64, kind = #tpu.reduction_kind<sum>} : vector<16xi1> -> vector<16xi32>
        %add3A_438 = arith.addi %add3A_427, %all_reduce_population_count3A_437 : vector<16xi32>
        %mul3A_439 = arith.constant 200 : i32
        %mul3A_440 = arith.muli %add3A_285, %mul3A_439 : i32
        %add3A_441 = arith.constant 160 : i32
        %add3A_442 = arith.addi %mul3A_440, %add3A_441 : i32
        %get3A_443 = arith.index_cast %add3A_442 : i32 to index
        %get3A_444 = tpu.vector_load %arg5[%get3A_443] {strides = array<i32>} : memref<51200xi32, #tpu.memory_space<vmem>>, vector<16xi32>,
        %ne3A_445 = arith.constant 0 : i32
        %ne3A_446 = vector.broadcast %ne3A_445 : i32 to vector<16xi32>
        %ne3A_447 = arith.cmpi ne, %get3A_444, %ne3A_446 : vector<16xi32>
        %all_reduce_population_count3A_448 = tpu.all_reduce %ne3A_447 {dim = 0 : i64, kind = #tpu.reduction_kind<sum>} : vector<16xi1> -> vector<16xi32>
        %add3A_449 = arith.addi %add3A_438, %all_reduce_population_count3A_448 : vector<16xi32>
        %mul3A_450 = arith.constant 200 : i32
        %mul3A_451 = arith.muli %add3A_285, %mul3A_450 : i32
        %add3A_452 = arith.constant 176 : i32
        %add3A_453 = arith.addi %mul3A_451, %add3A_452 : i32
        %get3A_454 = arith.index_cast %add3A_453 : i32 to index
        %get3A_455 = tpu.vector_load %arg5[%get3A_454] {strides = array<i32>} : memref<51200xi32, #tpu.memory_space<vmem>>, vector<16xi32>,
        %ne3A_456 = arith.constant 0 : i32
        %ne3A_457 = vector.broadcast %ne3A_456 : i32 to vector<16xi32>
        %ne3A_458 = arith.cmpi ne, %get3A_455, %ne3A_457 : vector<16xi32>
        %all_reduce_population_count3A_459 = tpu.all_reduce %ne3A_458 {dim = 0 : i64, kind = #tpu.reduction_kind<sum>} : vector<16xi1> -> vector<16xi32>
        %add3A_460 = arith.addi %add3A_449, %all_reduce_population_count3A_459 : vector<16xi32>
        %mul3A_461 = arith.constant 200 : i32
        %mul3A_462 = arith.muli %add3A_285, %mul3A_461 : i32
        %add3A_463 = arith.constant 200 : i32
        %add3A_464 = arith.addi %mul3A_462, %add3A_463 : i32
        %sub3A_465 = arith.constant 16 : i32
        %sub3A_466 = arith.subi %add3A_464, %sub3A_465 : i32
        %get3A_467 = arith.index_cast %sub3A_466 : i32 to index
        %get3A_468 = tpu.vector_load %arg5[%get3A_467] {strides = array<i32>} : memref<51200xi32, #tpu.memory_space<vmem>>, vector<16xi32>,
        %iota3A_469 = tpu.iota {dimensions = array<i32: 0>} : vector<16xi32>
        %ge3A_470 = arith.constant 8 : i32
        %ge3A_471 = vector.broadcast %ge3A_470 : i32 to vector<16xi32>
        %ge3A_472 = arith.cmpi sge, %iota3A_469, %ge3A_471 : vector<16xi32>
        %ne3A_473 = arith.constant 0 : i32
        %ne3A_474 = vector.broadcast %ne3A_473 : i32 to vector<16xi32>
        %ne3A_475 = arith.cmpi ne, %get3A_468, %ne3A_474 : vector<16xi32>
        %and3A_476 = arith.andi %ne3A_475, %ge3A_472 : vector<16xi1>
        %all_reduce_population_count3A_477 = tpu.all_reduce %and3A_476 {dim = 0 : i64, kind = #tpu.reduction_kind<sum>} : vector<16xi1> -> vector<16xi32>
        %add3A_478 = arith.addi %add3A_460, %all_reduce_population_count3A_477 : vector<16xi32>
        %convert_element_type3A_479 = arith.sitofp %add3A_478 : vector<16xi32> to vector<16xf32>
        %max3A_480 = arith.constant 1.000000e+00 : f32
        %max3A_481 = vector.broadcast %max3A_480 : f32 to vector<16xf32>
        %max3A_482 = arith.maximumf %convert_element_type3A_479, %max3A_481 : vector<16xf32>
        %div3A_483 = arith.divf %scan3A_325#0, %max3A_482 : vector<16xf32>
        %swap3A_484 = arith.index_cast %add3A_285 : i32 to index
        %swap3A_485 = arith.constant 0 : index
        %swap3A_486 = tpu.vector_load %arg7[%swap3A_484, %swap3A_485] {strides = array<i32>} : memref<256x64xf32, #tpu.memory_space<vmem>>, vector<16xf32>,
        tpu.vector_store %arg7[%swap3A_484, %swap3A_485], %div3A_483 {strides = array<i32>} : memref<256x64xf32, #tpu.memory_space<vmem>>, vector<16xf32>,
        %div3A_487 = arith.divf %scan3A_325#1, %max3A_482 : vector<16xf32>
        %swap3A_488 = arith.index_cast %add3A_285 : i32 to index
        %swap3A_489 = arith.constant 16 : index
        %swap3A_490 = tpu.vector_load %arg7[%swap3A_488, %swap3A_489] {strides = array<i32>} : memref<256x64xf32, #tpu.memory_space<vmem>>, vector<16xf32>,
        tpu.vector_store %arg7[%swap3A_488, %swap3A_489], %div3A_487 {strides = array<i32>} : memref<256x64xf32, #tpu.memory_space<vmem>>, vector<16xf32>,
        %div3A_491 = arith.divf %scan3A_325#2, %max3A_482 : vector<16xf32>
        %swap3A_492 = arith.index_cast %add3A_285 : i32 to index
        %swap3A_493 = arith.constant 32 : index
        %swap3A_494 = tpu.vector_load %arg7[%swap3A_492, %swap3A_493] {strides = array<i32>} : memref<256x64xf32, #tpu.memory_space<vmem>>, vector<16xf32>,
        tpu.vector_store %arg7[%swap3A_492, %swap3A_493], %div3A_491 {strides = array<i32>} : memref<256x64xf32, #tpu.memory_space<vmem>>, vector<16xf32>,
        %div3A_495 = arith.divf %scan3A_325#3, %max3A_482 : vector<16xf32>
        %swap3A_496 = arith.index_cast %add3A_285 : i32 to index
        %swap3A_497 = arith.constant 48 : index
        %swap3A_498 = tpu.vector_load %arg7[%swap3A_496, %swap3A_497] {strides = array<i32>} : memref<256x64xf32, #tpu.memory_space<vmem>>, vector<16xf32>,
        tpu.vector_store %arg7[%swap3A_496, %swap3A_497], %div3A_495 {strides = array<i32>} : memref<256x64xf32, #tpu.memory_space<vmem>>, vector<16xf32>,
        %add3A_499 = arith.constant 2 : i32
        %add3A_500 = arith.addi %mul3A_83, %add3A_499 : i32
        %add3A_501 = arith.constant 4 : i32
        %add3A_502 = arith.addi %add3A_500, %add3A_501 : i32
        %sub3A_503 = arith.constant 1 : i32
        %sub3A_504 = arith.subi %add3A_502, %sub3A_503 : i32
        %lt3A_505 = arith.constant 256 : i32
        %lt3A_506 = arith.cmpi slt, %sub3A_504, %lt3A_505 : i32
        %convert_element_type3A_507 = arith.extui %lt3A_506 : i1 to i32
        %cond3A_508 = arith.constant 0 : i32
        %cond3A_509 = arith.cmpi ne, %convert_element_type3A_507, %cond3A_508 : i32
        scf.if %cond3A_509 {
          %add3A_929 = arith.constant 4 : i32
          %add3A_930 = arith.addi %add3A_500, %add3A_929 : i32
          %sub3A_931 = arith.constant 1 : i32
          %sub3A_932 = arith.subi %add3A_930, %sub3A_931 : i32
          %mul3A_933 = arith.constant 200 : i32
          %mul3A_934 = arith.muli %sub3A_932, %mul3A_933 : i32
          %mul3A_935 = arith.constant 200 : i32
          %mul3A_936 = arith.muli %sub3A_932, %mul3A_935 : i32
          %add3A_937 = arith.constant 128 : i32
          %add3A_938 = arith.addi %mul3A_936, %add3A_937 : i32
          %dma_start3A_939 = arith.constant 1 : i32
          %dma_start3A_940 = arith.constant 0 : i32
          %dma_start3A_941 = arith.constant 0 : i32
          %dma_start3A_942 = tpu.memref_slice %arg6[%dma_start3A_939, %dma_start3A_940, %dma_start3A_941] : memref<4x200x64xf32, #tpu.memory_space<vmem>> -> memref<1x128x64xf32, #tpu.memory_space<vmem>>
          %dma_start3A_943 = tpu.memref_squeeze %dma_start3A_942 : memref<1x128x64xf32, #tpu.memory_space<vmem>> -> memref<128x64xf32, #tpu.memory_space<vmem>>
          %dma_start3A_944 = tpu.memref_slice %arg5[%mul3A_934] : memref<51200xi32, #tpu.memory_space<vmem>> -> memref<128xi32, #tpu.memory_space<vmem>>
          %dma_start3A_945 = arith.constant 0 : i32
          %dma_start3A_946 = arith.constant 0 : i32
          %dma_start3A_947 = tpu.memref_slice %arg3[%dma_start3A_945, %dma_start3A_946] : memref<1000000x64xf32, #tpu.memory_space<hbm>> -> memref<1000000x64xf32, #tpu.memory_space<hbm>>
          tpu.enqueue_indirect_dma source(%dma_start3A_947 : memref<1000000x64xf32, #tpu.memory_space<hbm>>) target(%dma_start3A_943 : memref<128x64xf32, #tpu.memory_space<vmem>>) offsets(%dma_start3A_944 : memref<128xi32, #tpu.memory_space<vmem>>) semaphore(%arg9 : memref<!tpu.dma_semaphore, #tpu.memory_space<semaphore_mem>>)
          %dma_start3A_948 = arith.constant 1 : i32
          %dma_start3A_949 = arith.constant 128 : i32
          %dma_start3A_950 = arith.constant 0 : i32
          %dma_start3A_951 = tpu.memref_slice %arg6[%dma_start3A_948, %dma_start3A_949, %dma_start3A_950] : memref<4x200x64xf32, #tpu.memory_space<vmem>> -> memref<1x72x64xf32, #tpu.memory_space<vmem>>
          %dma_start3A_952 = tpu.memref_squeeze %dma_start3A_951 : memref<1x72x64xf32, #tpu.memory_space<vmem>> -> memref<72x64xf32, #tpu.memory_space<vmem>>
          %dma_start3A_953 = tpu.memref_slice %arg5[%add3A_938] : memref<51200xi32, #tpu.memory_space<vmem>> -> memref<72xi32, #tpu.memory_space<vmem>>
          %dma_start3A_954 = arith.constant 0 : i32
          %dma_start3A_955 = arith.constant 0 : i32
          %dma_start3A_956 = tpu.memref_slice %arg3[%dma_start3A_954, %dma_start3A_955] : memref<1000000x64xf32, #tpu.memory_space<hbm>> -> memref<1000000x64xf32, #tpu.memory_space<hbm>>
          tpu.enqueue_indirect_dma source(%dma_start3A_956 : memref<1000000x64xf32, #tpu.memory_space<hbm>>) target(%dma_start3A_952 : memref<72x64xf32, #tpu.memory_space<vmem>>) offsets(%dma_start3A_953 : memref<72xi32, #tpu.memory_space<vmem>>) semaphore(%arg9 : memref<!tpu.dma_semaphore, #tpu.memory_space<semaphore_mem>>)
        } else {
        }
        %mul3A_510 = arith.constant 200 : i32
        %mul3A_511 = arith.muli %add3A_500, %mul3A_510 : i32
        %mul3A_512 = arith.constant 200 : i32
        %mul3A_513 = arith.muli %add3A_500, %mul3A_512 : i32
        %add3A_514 = arith.constant 128 : i32
        %add3A_515 = arith.addi %mul3A_513, %add3A_514 : i32
        %dma_wait3A_516 = arith.constant 2 : i32
        %dma_wait3A_517 = arith.constant 0 : i32
        %dma_wait3A_518 = arith.constant 0 : i32
        %dma_wait3A_519 = tpu.memref_slice %arg6[%dma_wait3A_516, %dma_wait3A_517, %dma_wait3A_518] : memref<4x200x64xf32, #tpu.memory_space<vmem>> -> memref<1x128x64xf32, #tpu.memory_space<vmem>>
        %dma_wait3A_520 = tpu.memref_squeeze %dma_wait3A_519 : memref<1x128x64xf32, #tpu.memory_space<vmem>> -> memref<128x64xf32, #tpu.memory_space<vmem>>
        %dma_wait3A_521 = tpu.memref_slice %arg5[%mul3A_511] : memref<51200xi32, #tpu.memory_space<vmem>> -> memref<128xi32, #tpu.memory_space<vmem>>
        %dma_wait3A_522 = arith.constant 0 : i32
        %dma_wait3A_523 = arith.constant 0 : i32
        %dma_wait3A_524 = tpu.memref_slice %arg3[%dma_wait3A_522, %dma_wait3A_523] : memref<1000000x64xf32, #tpu.memory_space<hbm>> -> memref<1000000x64xf32, #tpu.memory_space<hbm>>
        tpu.wait_indirect_dma semaphore(%arg10 : memref<!tpu.dma_semaphore, #tpu.memory_space<semaphore_mem>>) src(%dma_wait3A_524 : memref<1000000x64xf32, #tpu.memory_space<hbm>>) dst(%dma_wait3A_520 : memref<128x64xf32, #tpu.memory_space<vmem>>)
        %dma_wait3A_525 = arith.constant 2 : i32
        %dma_wait3A_526 = arith.constant 128 : i32
        %dma_wait3A_527 = arith.constant 0 : i32
        %dma_wait3A_528 = tpu.memref_slice %arg6[%dma_wait3A_525, %dma_wait3A_526, %dma_wait3A_527] : memref<4x200x64xf32, #tpu.memory_space<vmem>> -> memref<1x72x64xf32, #tpu.memory_space<vmem>>
        %dma_wait3A_529 = tpu.memref_squeeze %dma_wait3A_528 : memref<1x72x64xf32, #tpu.memory_space<vmem>> -> memref<72x64xf32, #tpu.memory_space<vmem>>
        %dma_wait3A_530 = tpu.memref_slice %arg5[%add3A_515] : memref<51200xi32, #tpu.memory_space<vmem>> -> memref<72xi32, #tpu.memory_space<vmem>>
        %dma_wait3A_531 = arith.constant 0 : i32
        %dma_wait3A_532 = arith.constant 0 : i32
        %dma_wait3A_533 = tpu.memref_slice %arg3[%dma_wait3A_531, %dma_wait3A_532] : memref<1000000x64xf32, #tpu.memory_space<hbm>> -> memref<1000000x64xf32, #tpu.memory_space<hbm>>
        tpu.wait_indirect_dma semaphore(%arg10 : memref<!tpu.dma_semaphore, #tpu.memory_space<semaphore_mem>>) src(%dma_wait3A_533 : memref<1000000x64xf32, #tpu.memory_space<hbm>>) dst(%dma_wait3A_529 : memref<72x64xf32, #tpu.memory_space<vmem>>)
        %broadcast_in_dim3A_534 = arith.constant 0.000000e+00 : f32
        %broadcast_in_dim3A_535 = vector.broadcast %broadcast_in_dim3A_534 : f32 to vector<16xf32>
        %scan3A_536 = arith.constant 0 : i32
        %scan3A_537 = arith.constant 25 : i32
        %scan3A_538 = arith.addi %scan3A_536, %scan3A_537 : i32
        %scan3A_539 = arith.constant 1 : i32
        %scan3A_540:4 = scf.for %scan3A_929 = %scan3A_536 to %scan3A_538 step %scan3A_539 iter_args(%scan3A_930 = %broadcast_in_dim3A_535, %scan3A_931 = %broadcast_in_dim3A_535, %scan3A_932 = %broadcast_in_dim3A_535, %scan3A_933 = %broadcast_in_dim3A_535) -> (vector<16xf32>, vector<16xf32>, vector<16xf32>, vector<16xf32>)  : i32 {
          %mul3A_934 = arith.constant 8 : i32
          %mul3A_935 = arith.muli %scan3A_929, %mul3A_934 : i32
          %add3A_936 = arith.constant 0 : i32
          %add3A_937 = arith.addi %mul3A_935, %add3A_936 : i32
          %get3A_938 = arith.constant 2 : i32
          %get3A_939 = arith.index_cast %get3A_938 : i32 to index
          %get3A_940 = arith.index_cast %add3A_937 : i32 to index
          %get3A_941 = arith.constant 0 : index
          %get3A_942 = tpu.vector_load %arg6[%get3A_939, %get3A_940, %get3A_941] {strides = array<i32>} : memref<4x200x64xf32, #tpu.memory_space<vmem>>, vector<16xf32>,
          %add3A_943 = arith.addf %scan3A_930, %get3A_942 : vector<16xf32>
          %get3A_944 = arith.constant 2 : i32
          %get3A_945 = arith.index_cast %get3A_944 : i32 to index
          %get3A_946 = arith.index_cast %add3A_937 : i32 to index
          %get3A_947 = arith.constant 16 : index
          %get3A_948 = tpu.vector_load %arg6[%get3A_945, %get3A_946, %get3A_947] {strides = array<i32>} : memref<4x200x64xf32, #tpu.memory_space<vmem>>, vector<16xf32>,
          %add3A_949 = arith.addf %scan3A_931, %get3A_948 : vector<16xf32>
          %get3A_950 = arith.constant 2 : i32
          %get3A_951 = arith.index_cast %get3A_950 : i32 to index
          %get3A_952 = arith.index_cast %add3A_937 : i32 to index
          %get3A_953 = arith.constant 32 : index
          %get3A_954 = tpu.vector_load %arg6[%get3A_951, %get3A_952, %get3A_953] {strides = array<i32>} : memref<4x200x64xf32, #tpu.memory_space<vmem>>, vector<16xf32>,
          %add3A_955 = arith.addf %scan3A_932, %get3A_954 : vector<16xf32>
          %get3A_956 = arith.constant 2 : i32
          %get3A_957 = arith.index_cast %get3A_956 : i32 to index
          %get3A_958 = arith.index_cast %add3A_937 : i32 to index
          %get3A_959 = arith.constant 48 : index
          %get3A_960 = tpu.vector_load %arg6[%get3A_957, %get3A_958, %get3A_959] {strides = array<i32>} : memref<4x200x64xf32, #tpu.memory_space<vmem>>, vector<16xf32>,
          %add3A_961 = arith.addf %scan3A_933, %get3A_960 : vector<16xf32>
          %mul3A_962 = arith.constant 8 : i32
          %mul3A_963 = arith.muli %scan3A_929, %mul3A_962 : i32
          %add3A_964 = arith.constant 1 : i32
          %add3A_965 = arith.addi %mul3A_963, %add3A_964 : i32
          %get3A_966 = arith.constant 2 : i32
          %get3A_967 = arith.index_cast %get3A_966 : i32 to index
          %get3A_968 = arith.index_cast %add3A_965 : i32 to index
          %get3A_969 = arith.constant 0 : index
          %get3A_970 = tpu.vector_load %arg6[%get3A_967, %get3A_968, %get3A_969] {strides = array<i32>} : memref<4x200x64xf32, #tpu.memory_space<vmem>>, vector<16xf32>,
          %add3A_971 = arith.addf %add3A_943, %get3A_970 : vector<16xf32>
          %get3A_972 = arith.constant 2 : i32
          %get3A_973 = arith.index_cast %get3A_972 : i32 to index
          %get3A_974 = arith.index_cast %add3A_965 : i32 to index
          %get3A_975 = arith.constant 16 : index
          %get3A_976 = tpu.vector_load %arg6[%get3A_973, %get3A_974, %get3A_975] {strides = array<i32>} : memref<4x200x64xf32, #tpu.memory_space<vmem>>, vector<16xf32>,
          %add3A_977 = arith.addf %add3A_949, %get3A_976 : vector<16xf32>
          %get3A_978 = arith.constant 2 : i32
          %get3A_979 = arith.index_cast %get3A_978 : i32 to index
          %get3A_980 = arith.index_cast %add3A_965 : i32 to index
          %get3A_981 = arith.constant 32 : index
          %get3A_982 = tpu.vector_load %arg6[%get3A_979, %get3A_980, %get3A_981] {strides = array<i32>} : memref<4x200x64xf32, #tpu.memory_space<vmem>>, vector<16xf32>,
          %add3A_983 = arith.addf %add3A_955, %get3A_982 : vector<16xf32>
          %get3A_984 = arith.constant 2 : i32
          %get3A_985 = arith.index_cast %get3A_984 : i32 to index
          %get3A_986 = arith.index_cast %add3A_965 : i32 to index
          %get3A_987 = arith.constant 48 : index
          %get3A_988 = tpu.vector_load %arg6[%get3A_985, %get3A_986, %get3A_987] {strides = array<i32>} : memref<4x200x64xf32, #tpu.memory_space<vmem>>, vector<16xf32>,
          %add3A_989 = arith.addf %add3A_961, %get3A_988 : vector<16xf32>
          %mul3A_990 = arith.constant 8 : i32
          %mul3A_991 = arith.muli %scan3A_929, %mul3A_990 : i32
          %add3A_992 = arith.constant 2 : i32
          %add3A_993 = arith.addi %mul3A_991, %add3A_992 : i32
          %get3A_994 = arith.constant 2 : i32
          %get3A_995 = arith.index_cast %get3A_994 : i32 to index
          %get3A_996 = arith.index_cast %add3A_993 : i32 to index
          %get3A_997 = arith.constant 0 : index
          %get3A_998 = tpu.vector_load %arg6[%get3A_995, %get3A_996, %get3A_997] {strides = array<i32>} : memref<4x200x64xf32, #tpu.memory_space<vmem>>, vector<16xf32>,
          %add3A_999 = arith.addf %add3A_971, %get3A_998 : vector<16xf32>
          %get3A_1000 = arith.constant 2 : i32
          %get3A_1001 = arith.index_cast %get3A_1000 : i32 to index
          %get3A_1002 = arith.index_cast %add3A_993 : i32 to index
          %get3A_1003 = arith.constant 16 : index
          %get3A_1004 = tpu.vector_load %arg6[%get3A_1001, %get3A_1002, %get3A_1003] {strides = array<i32>} : memref<4x200x64xf32, #tpu.memory_space<vmem>>, vector<16xf32>,
          %add3A_1005 = arith.addf %add3A_977, %get3A_1004 : vector<16xf32>
          %get3A_1006 = arith.constant 2 : i32
          %get3A_1007 = arith.index_cast %get3A_1006 : i32 to index
          %get3A_1008 = arith.index_cast %add3A_993 : i32 to index
          %get3A_1009 = arith.constant 32 : index
          %get3A_1010 = tpu.vector_load %arg6[%get3A_1007, %get3A_1008, %get3A_1009] {strides = array<i32>} : memref<4x200x64xf32, #tpu.memory_space<vmem>>, vector<16xf32>,
          %add3A_1011 = arith.addf %add3A_983, %get3A_1010 : vector<16xf32>
          %get3A_1012 = arith.constant 2 : i32
          %get3A_1013 = arith.index_cast %get3A_1012 : i32 to index
          %get3A_1014 = arith.index_cast %add3A_993 : i32 to index
          %get3A_1015 = arith.constant 48 : index
          %get3A_1016 = tpu.vector_load %arg6[%get3A_1013, %get3A_1014, %get3A_1015] {strides = array<i32>} : memref<4x200x64xf32, #tpu.memory_space<vmem>>, vector<16xf32>,
          %add3A_1017 = arith.addf %add3A_989, %get3A_1016 : vector<16xf32>
          %mul3A_1018 = arith.constant 8 : i32
          %mul3A_1019 = arith.muli %scan3A_929, %mul3A_1018 : i32
          %add3A_1020 = arith.constant 3 : i32
          %add3A_1021 = arith.addi %mul3A_1019, %add3A_1020 : i32
          %get3A_1022 = arith.constant 2 : i32
          %get3A_1023 = arith.index_cast %get3A_1022 : i32 to index
          %get3A_1024 = arith.index_cast %add3A_1021 : i32 to index
          %get3A_1025 = arith.constant 0 : index
          %get3A_1026 = tpu.vector_load %arg6[%get3A_1023, %get3A_1024, %get3A_1025] {strides = array<i32>} : memref<4x200x64xf32, #tpu.memory_space<vmem>>, vector<16xf32>,
          %add3A_1027 = arith.addf %add3A_999, %get3A_1026 : vector<16xf32>
          %get3A_1028 = arith.constant 2 : i32
          %get3A_1029 = arith.index_cast %get3A_1028 : i32 to index
          %get3A_1030 = arith.index_cast %add3A_1021 : i32 to index
          %get3A_1031 = arith.constant 16 : index
          %get3A_1032 = tpu.vector_load %arg6[%get3A_1029, %get3A_1030, %get3A_1031] {strides = array<i32>} : memref<4x200x64xf32, #tpu.memory_space<vmem>>, vector<16xf32>,
          %add3A_1033 = arith.addf %add3A_1005, %get3A_1032 : vector<16xf32>
          %get3A_1034 = arith.constant 2 : i32
          %get3A_1035 = arith.index_cast %get3A_1034 : i32 to index
          %get3A_1036 = arith.index_cast %add3A_1021 : i32 to index
          %get3A_1037 = arith.constant 32 : index
          %get3A_1038 = tpu.vector_load %arg6[%get3A_1035, %get3A_1036, %get3A_1037] {strides = array<i32>} : memref<4x200x64xf32, #tpu.memory_space<vmem>>, vector<16xf32>,
          %add3A_1039 = arith.addf %add3A_1011, %get3A_1038 : vector<16xf32>
          %get3A_1040 = arith.constant 2 : i32
          %get3A_1041 = arith.index_cast %get3A_1040 : i32 to index
          %get3A_1042 = arith.index_cast %add3A_1021 : i32 to index
          %get3A_1043 = arith.constant 48 : index
          %get3A_1044 = tpu.vector_load %arg6[%get3A_1041, %get3A_1042, %get3A_1043] {strides = array<i32>} : memref<4x200x64xf32, #tpu.memory_space<vmem>>, vector<16xf32>,
          %add3A_1045 = arith.addf %add3A_1017, %get3A_1044 : vector<16xf32>
          %mul3A_1046 = arith.constant 8 : i32
          %mul3A_1047 = arith.muli %scan3A_929, %mul3A_1046 : i32
          %add3A_1048 = arith.constant 4 : i32
          %add3A_1049 = arith.addi %mul3A_1047, %add3A_1048 : i32
          %get3A_1050 = arith.constant 2 : i32
          %get3A_1051 = arith.index_cast %get3A_1050 : i32 to index
          %get3A_1052 = arith.index_cast %add3A_1049 : i32 to index
          %get3A_1053 = arith.constant 0 : index
          %get3A_1054 = tpu.vector_load %arg6[%get3A_1051, %get3A_1052, %get3A_1053] {strides = array<i32>} : memref<4x200x64xf32, #tpu.memory_space<vmem>>, vector<16xf32>,
          %add3A_1055 = arith.addf %add3A_1027, %get3A_1054 : vector<16xf32>
          %get3A_1056 = arith.constant 2 : i32
          %get3A_1057 = arith.index_cast %get3A_1056 : i32 to index
          %get3A_1058 = arith.index_cast %add3A_1049 : i32 to index
          %get3A_1059 = arith.constant 16 : index
          %get3A_1060 = tpu.vector_load %arg6[%get3A_1057, %get3A_1058, %get3A_1059] {strides = array<i32>} : memref<4x200x64xf32, #tpu.memory_space<vmem>>, vector<16xf32>,
          %add3A_1061 = arith.addf %add3A_1033, %get3A_1060 : vector<16xf32>
          %get3A_1062 = arith.constant 2 : i32
          %get3A_1063 = arith.index_cast %get3A_1062 : i32 to index
          %get3A_1064 = arith.index_cast %add3A_1049 : i32 to index
          %get3A_1065 = arith.constant 32 : index
          %get3A_1066 = tpu.vector_load %arg6[%get3A_1063, %get3A_1064, %get3A_1065] {strides = array<i32>} : memref<4x200x64xf32, #tpu.memory_space<vmem>>, vector<16xf32>,
          %add3A_1067 = arith.addf %add3A_1039, %get3A_1066 : vector<16xf32>
          %get3A_1068 = arith.constant 2 : i32
          %get3A_1069 = arith.index_cast %get3A_1068 : i32 to index
          %get3A_1070 = arith.index_cast %add3A_1049 : i32 to index
          %get3A_1071 = arith.constant 48 : index
          %get3A_1072 = tpu.vector_load %arg6[%get3A_1069, %get3A_1070, %get3A_1071] {strides = array<i32>} : memref<4x200x64xf32, #tpu.memory_space<vmem>>, vector<16xf32>,
          %add3A_1073 = arith.addf %add3A_1045, %get3A_1072 : vector<16xf32>
          %mul3A_1074 = arith.constant 8 : i32
          %mul3A_1075 = arith.muli %scan3A_929, %mul3A_1074 : i32
          %add3A_1076 = arith.constant 5 : i32
          %add3A_1077 = arith.addi %mul3A_1075, %add3A_1076 : i32
          %get3A_1078 = arith.constant 2 : i32
          %get3A_1079 = arith.index_cast %get3A_1078 : i32 to index
          %get3A_1080 = arith.index_cast %add3A_1077 : i32 to index
          %get3A_1081 = arith.constant 0 : index
          %get3A_1082 = tpu.vector_load %arg6[%get3A_1079, %get3A_1080, %get3A_1081] {strides = array<i32>} : memref<4x200x64xf32, #tpu.memory_space<vmem>>, vector<16xf32>,
          %add3A_1083 = arith.addf %add3A_1055, %get3A_1082 : vector<16xf32>
          %get3A_1084 = arith.constant 2 : i32
          %get3A_1085 = arith.index_cast %get3A_1084 : i32 to index
          %get3A_1086 = arith.index_cast %add3A_1077 : i32 to index
          %get3A_1087 = arith.constant 16 : index
          %get3A_1088 = tpu.vector_load %arg6[%get3A_1085, %get3A_1086, %get3A_1087] {strides = array<i32>} : memref<4x200x64xf32, #tpu.memory_space<vmem>>, vector<16xf32>,
          %add3A_1089 = arith.addf %add3A_1061, %get3A_1088 : vector<16xf32>
          %get3A_1090 = arith.constant 2 : i32
          %get3A_1091 = arith.index_cast %get3A_1090 : i32 to index
          %get3A_1092 = arith.index_cast %add3A_1077 : i32 to index
          %get3A_1093 = arith.constant 32 : index
          %get3A_1094 = tpu.vector_load %arg6[%get3A_1091, %get3A_1092, %get3A_1093] {strides = array<i32>} : memref<4x200x64xf32, #tpu.memory_space<vmem>>, vector<16xf32>,
          %add3A_1095 = arith.addf %add3A_1067, %get3A_1094 : vector<16xf32>
          %get3A_1096 = arith.constant 2 : i32
          %get3A_1097 = arith.index_cast %get3A_1096 : i32 to index
          %get3A_1098 = arith.index_cast %add3A_1077 : i32 to index
          %get3A_1099 = arith.constant 48 : index
          %get3A_1100 = tpu.vector_load %arg6[%get3A_1097, %get3A_1098, %get3A_1099] {strides = array<i32>} : memref<4x200x64xf32, #tpu.memory_space<vmem>>, vector<16xf32>,
          %add3A_1101 = arith.addf %add3A_1073, %get3A_1100 : vector<16xf32>
          %mul3A_1102 = arith.constant 8 : i32
          %mul3A_1103 = arith.muli %scan3A_929, %mul3A_1102 : i32
          %add3A_1104 = arith.constant 6 : i32
          %add3A_1105 = arith.addi %mul3A_1103, %add3A_1104 : i32
          %get3A_1106 = arith.constant 2 : i32
          %get3A_1107 = arith.index_cast %get3A_1106 : i32 to index
          %get3A_1108 = arith.index_cast %add3A_1105 : i32 to index
          %get3A_1109 = arith.constant 0 : index
          %get3A_1110 = tpu.vector_load %arg6[%get3A_1107, %get3A_1108, %get3A_1109] {strides = array<i32>} : memref<4x200x64xf32, #tpu.memory_space<vmem>>, vector<16xf32>,
          %add3A_1111 = arith.addf %add3A_1083, %get3A_1110 : vector<16xf32>
          %get3A_1112 = arith.constant 2 : i32
          %get3A_1113 = arith.index_cast %get3A_1112 : i32 to index
          %get3A_1114 = arith.index_cast %add3A_1105 : i32 to index
          %get3A_1115 = arith.constant 16 : index
          %get3A_1116 = tpu.vector_load %arg6[%get3A_1113, %get3A_1114, %get3A_1115] {strides = array<i32>} : memref<4x200x64xf32, #tpu.memory_space<vmem>>, vector<16xf32>,
          %add3A_1117 = arith.addf %add3A_1089, %get3A_1116 : vector<16xf32>
          %get3A_1118 = arith.constant 2 : i32
          %get3A_1119 = arith.index_cast %get3A_1118 : i32 to index
          %get3A_1120 = arith.index_cast %add3A_1105 : i32 to index
          %get3A_1121 = arith.constant 32 : index
          %get3A_1122 = tpu.vector_load %arg6[%get3A_1119, %get3A_1120, %get3A_1121] {strides = array<i32>} : memref<4x200x64xf32, #tpu.memory_space<vmem>>, vector<16xf32>,
          %add3A_1123 = arith.addf %add3A_1095, %get3A_1122 : vector<16xf32>
          %get3A_1124 = arith.constant 2 : i32
          %get3A_1125 = arith.index_cast %get3A_1124 : i32 to index
          %get3A_1126 = arith.index_cast %add3A_1105 : i32 to index
          %get3A_1127 = arith.constant 48 : index
          %get3A_1128 = tpu.vector_load %arg6[%get3A_1125, %get3A_1126, %get3A_1127] {strides = array<i32>} : memref<4x200x64xf32, #tpu.memory_space<vmem>>, vector<16xf32>,
          %add3A_1129 = arith.addf %add3A_1101, %get3A_1128 : vector<16xf32>
          %mul3A_1130 = arith.constant 8 : i32
          %mul3A_1131 = arith.muli %scan3A_929, %mul3A_1130 : i32
          %add3A_1132 = arith.constant 7 : i32
          %add3A_1133 = arith.addi %mul3A_1131, %add3A_1132 : i32
          %get3A_1134 = arith.constant 2 : i32
          %get3A_1135 = arith.index_cast %get3A_1134 : i32 to index
          %get3A_1136 = arith.index_cast %add3A_1133 : i32 to index
          %get3A_1137 = arith.constant 0 : index
          %get3A_1138 = tpu.vector_load %arg6[%get3A_1135, %get3A_1136, %get3A_1137] {strides = array<i32>} : memref<4x200x64xf32, #tpu.memory_space<vmem>>, vector<16xf32>,
          %add3A_1139 = arith.addf %add3A_1111, %get3A_1138 : vector<16xf32>
          %get3A_1140 = arith.constant 2 : i32
          %get3A_1141 = arith.index_cast %get3A_1140 : i32 to index
          %get3A_1142 = arith.index_cast %add3A_1133 : i32 to index
          %get3A_1143 = arith.constant 16 : index
          %get3A_1144 = tpu.vector_load %arg6[%get3A_1141, %get3A_1142, %get3A_1143] {strides = array<i32>} : memref<4x200x64xf32, #tpu.memory_space<vmem>>, vector<16xf32>,
          %add3A_1145 = arith.addf %add3A_1117, %get3A_1144 : vector<16xf32>
          %get3A_1146 = arith.constant 2 : i32
          %get3A_1147 = arith.index_cast %get3A_1146 : i32 to index
          %get3A_1148 = arith.index_cast %add3A_1133 : i32 to index
          %get3A_1149 = arith.constant 32 : index
          %get3A_1150 = tpu.vector_load %arg6[%get3A_1147, %get3A_1148, %get3A_1149] {strides = array<i32>} : memref<4x200x64xf32, #tpu.memory_space<vmem>>, vector<16xf32>,
          %add3A_1151 = arith.addf %add3A_1123, %get3A_1150 : vector<16xf32>
          %get3A_1152 = arith.constant 2 : i32
          %get3A_1153 = arith.index_cast %get3A_1152 : i32 to index
          %get3A_1154 = arith.index_cast %add3A_1133 : i32 to index
          %get3A_1155 = arith.constant 48 : index
          %get3A_1156 = tpu.vector_load %arg6[%get3A_1153, %get3A_1154, %get3A_1155] {strides = array<i32>} : memref<4x200x64xf32, #tpu.memory_space<vmem>>, vector<16xf32>,
          %add3A_1157 = arith.addf %add3A_1129, %get3A_1156 : vector<16xf32>
          scf.yield %add3A_1139, %add3A_1145, %add3A_1151, %add3A_1157 : vector<16xf32>, vector<16xf32>, vector<16xf32>, vector<16xf32>
        }
        %scan3A_541 = arith.constant 25 : i32
        %broadcast_in_dim3A_542 = arith.constant 0 : i32
        %broadcast_in_dim3A_543 = vector.broadcast %broadcast_in_dim3A_542 : i32 to vector<16xi32>
        %mul3A_544 = arith.constant 200 : i32
        %mul3A_545 = arith.muli %add3A_500, %mul3A_544 : i32
        %add3A_546 = arith.constant 0 : i32
        %add3A_547 = arith.addi %mul3A_545, %add3A_546 : i32
        %get3A_548 = arith.index_cast %add3A_547 : i32 to index
        %get3A_549 = tpu.vector_load %arg5[%get3A_548] {strides = array<i32>} : memref<51200xi32, #tpu.memory_space<vmem>>, vector<16xi32>,
        %ne3A_550 = arith.constant 0 : i32
        %ne3A_551 = vector.broadcast %ne3A_550 : i32 to vector<16xi32>
        %ne3A_552 = arith.cmpi ne, %get3A_549, %ne3A_551 : vector<16xi32>
        %all_reduce_population_count3A_553 = tpu.all_reduce %ne3A_552 {dim = 0 : i64, kind = #tpu.reduction_kind<sum>} : vector<16xi1> -> vector<16xi32>
        %add3A_554 = arith.addi %broadcast_in_dim3A_543, %all_reduce_population_count3A_553 : vector<16xi32>
        %mul3A_555 = arith.constant 200 : i32
        %mul3A_556 = arith.muli %add3A_500, %mul3A_555 : i32
        %add3A_557 = arith.constant 16 : i32
        %add3A_558 = arith.addi %mul3A_556, %add3A_557 : i32
        %get3A_559 = arith.index_cast %add3A_558 : i32 to index
        %get3A_560 = tpu.vector_load %arg5[%get3A_559] {strides = array<i32>} : memref<51200xi32, #tpu.memory_space<vmem>>, vector<16xi32>,
        %ne3A_561 = arith.constant 0 : i32
        %ne3A_562 = vector.broadcast %ne3A_561 : i32 to vector<16xi32>
        %ne3A_563 = arith.cmpi ne, %get3A_560, %ne3A_562 : vector<16xi32>
        %all_reduce_population_count3A_564 = tpu.all_reduce %ne3A_563 {dim = 0 : i64, kind = #tpu.reduction_kind<sum>} : vector<16xi1> -> vector<16xi32>
        %add3A_565 = arith.addi %add3A_554, %all_reduce_population_count3A_564 : vector<16xi32>
        %mul3A_566 = arith.constant 200 : i32
        %mul3A_567 = arith.muli %add3A_500, %mul3A_566 : i32
        %add3A_568 = arith.constant 32 : i32
        %add3A_569 = arith.addi %mul3A_567, %add3A_568 : i32
        %get3A_570 = arith.index_cast %add3A_569 : i32 to index
        %get3A_571 = tpu.vector_load %arg5[%get3A_570] {strides = array<i32>} : memref<51200xi32, #tpu.memory_space<vmem>>, vector<16xi32>,
        %ne3A_572 = arith.constant 0 : i32
        %ne3A_573 = vector.broadcast %ne3A_572 : i32 to vector<16xi32>
        %ne3A_574 = arith.cmpi ne, %get3A_571, %ne3A_573 : vector<16xi32>
        %all_reduce_population_count3A_575 = tpu.all_reduce %ne3A_574 {dim = 0 : i64, kind = #tpu.reduction_kind<sum>} : vector<16xi1> -> vector<16xi32>
        %add3A_576 = arith.addi %add3A_565, %all_reduce_population_count3A_575 : vector<16xi32>
        %mul3A_577 = arith.constant 200 : i32
        %mul3A_578 = arith.muli %add3A_500, %mul3A_577 : i32
        %add3A_579 = arith.constant 48 : i32
        %add3A_580 = arith.addi %mul3A_578, %add3A_579 : i32
        %get3A_581 = arith.index_cast %add3A_580 : i32 to index
        %get3A_582 = tpu.vector_load %arg5[%get3A_581] {strides = array<i32>} : memref<51200xi32, #tpu.memory_space<vmem>>, vector<16xi32>,
        %ne3A_583 = arith.constant 0 : i32
        %ne3A_584 = vector.broadcast %ne3A_583 : i32 to vector<16xi32>
        %ne3A_585 = arith.cmpi ne, %get3A_582, %ne3A_584 : vector<16xi32>
        %all_reduce_population_count3A_586 = tpu.all_reduce %ne3A_585 {dim = 0 : i64, kind = #tpu.reduction_kind<sum>} : vector<16xi1> -> vector<16xi32>
        %add3A_587 = arith.addi %add3A_576, %all_reduce_population_count3A_586 : vector<16xi32>
        %mul3A_588 = arith.constant 200 : i32
        %mul3A_589 = arith.muli %add3A_500, %mul3A_588 : i32
        %add3A_590 = arith.constant 64 : i32
        %add3A_591 = arith.addi %mul3A_589, %add3A_590 : i32
        %get3A_592 = arith.index_cast %add3A_591 : i32 to index
        %get3A_593 = tpu.vector_load %arg5[%get3A_592] {strides = array<i32>} : memref<51200xi32, #tpu.memory_space<vmem>>, vector<16xi32>,
        %ne3A_594 = arith.constant 0 : i32
        %ne3A_595 = vector.broadcast %ne3A_594 : i32 to vector<16xi32>
        %ne3A_596 = arith.cmpi ne, %get3A_593, %ne3A_595 : vector<16xi32>
        %all_reduce_population_count3A_597 = tpu.all_reduce %ne3A_596 {dim = 0 : i64, kind = #tpu.reduction_kind<sum>} : vector<16xi1> -> vector<16xi32>
        %add3A_598 = arith.addi %add3A_587, %all_reduce_population_count3A_597 : vector<16xi32>
        %mul3A_599 = arith.constant 200 : i32
        %mul3A_600 = arith.muli %add3A_500, %mul3A_599 : i32
        %add3A_601 = arith.constant 80 : i32
        %add3A_602 = arith.addi %mul3A_600, %add3A_601 : i32
        %get3A_603 = arith.index_cast %add3A_602 : i32 to index
        %get3A_604 = tpu.vector_load %arg5[%get3A_603] {strides = array<i32>} : memref<51200xi32, #tpu.memory_space<vmem>>, vector<16xi32>,
        %ne3A_605 = arith.constant 0 : i32
        %ne3A_606 = vector.broadcast %ne3A_605 : i32 to vector<16xi32>
        %ne3A_607 = arith.cmpi ne, %get3A_604, %ne3A_606 : vector<16xi32>
        %all_reduce_population_count3A_608 = tpu.all_reduce %ne3A_607 {dim = 0 : i64, kind = #tpu.reduction_kind<sum>} : vector<16xi1> -> vector<16xi32>
        %add3A_609 = arith.addi %add3A_598, %all_reduce_population_count3A_608 : vector<16xi32>
        %mul3A_610 = arith.constant 200 : i32
        %mul3A_611 = arith.muli %add3A_500, %mul3A_610 : i32
        %add3A_612 = arith.constant 96 : i32
        %add3A_613 = arith.addi %mul3A_611, %add3A_612 : i32
        %get3A_614 = arith.index_cast %add3A_613 : i32 to index
        %get3A_615 = tpu.vector_load %arg5[%get3A_614] {strides = array<i32>} : memref<51200xi32, #tpu.memory_space<vmem>>, vector<16xi32>,
        %ne3A_616 = arith.constant 0 : i32
        %ne3A_617 = vector.broadcast %ne3A_616 : i32 to vector<16xi32>
        %ne3A_618 = arith.cmpi ne, %get3A_615, %ne3A_617 : vector<16xi32>
        %all_reduce_population_count3A_619 = tpu.all_reduce %ne3A_618 {dim = 0 : i64, kind = #tpu.reduction_kind<sum>} : vector<16xi1> -> vector<16xi32>
        %add3A_620 = arith.addi %add3A_609, %all_reduce_population_count3A_619 : vector<16xi32>
        %mul3A_621 = arith.constant 200 : i32
        %mul3A_622 = arith.muli %add3A_500, %mul3A_621 : i32
        %add3A_623 = arith.constant 112 : i32
        %add3A_624 = arith.addi %mul3A_622, %add3A_623 : i32
        %get3A_625 = arith.index_cast %add3A_624 : i32 to index
        %get3A_626 = tpu.vector_load %arg5[%get3A_625] {strides = array<i32>} : memref<51200xi32, #tpu.memory_space<vmem>>, vector<16xi32>,
        %ne3A_627 = arith.constant 0 : i32
        %ne3A_628 = vector.broadcast %ne3A_627 : i32 to vector<16xi32>
        %ne3A_629 = arith.cmpi ne, %get3A_626, %ne3A_628 : vector<16xi32>
        %all_reduce_population_count3A_630 = tpu.all_reduce %ne3A_629 {dim = 0 : i64, kind = #tpu.reduction_kind<sum>} : vector<16xi1> -> vector<16xi32>
        %add3A_631 = arith.addi %add3A_620, %all_reduce_population_count3A_630 : vector<16xi32>
        %mul3A_632 = arith.constant 200 : i32
        %mul3A_633 = arith.muli %add3A_500, %mul3A_632 : i32
        %add3A_634 = arith.constant 128 : i32
        %add3A_635 = arith.addi %mul3A_633, %add3A_634 : i32
        %get3A_636 = arith.index_cast %add3A_635 : i32 to index
        %get3A_637 = tpu.vector_load %arg5[%get3A_636] {strides = array<i32>} : memref<51200xi32, #tpu.memory_space<vmem>>, vector<16xi32>,
        %ne3A_638 = arith.constant 0 : i32
        %ne3A_639 = vector.broadcast %ne3A_638 : i32 to vector<16xi32>
        %ne3A_640 = arith.cmpi ne, %get3A_637, %ne3A_639 : vector<16xi32>
        %all_reduce_population_count3A_641 = tpu.all_reduce %ne3A_640 {dim = 0 : i64, kind = #tpu.reduction_kind<sum>} : vector<16xi1> -> vector<16xi32>
        %add3A_642 = arith.addi %add3A_631, %all_reduce_population_count3A_641 : vector<16xi32>
        %mul3A_643 = arith.constant 200 : i32
        %mul3A_644 = arith.muli %add3A_500, %mul3A_643 : i32
        %add3A_645 = arith.constant 144 : i32
        %add3A_646 = arith.addi %mul3A_644, %add3A_645 : i32
        %get3A_647 = arith.index_cast %add3A_646 : i32 to index
        %get3A_648 = tpu.vector_load %arg5[%get3A_647] {strides = array<i32>} : memref<51200xi32, #tpu.memory_space<vmem>>, vector<16xi32>,
        %ne3A_649 = arith.constant 0 : i32
        %ne3A_650 = vector.broadcast %ne3A_649 : i32 to vector<16xi32>
        %ne3A_651 = arith.cmpi ne, %get3A_648, %ne3A_650 : vector<16xi32>
        %all_reduce_population_count3A_652 = tpu.all_reduce %ne3A_651 {dim = 0 : i64, kind = #tpu.reduction_kind<sum>} : vector<16xi1> -> vector<16xi32>
        %add3A_653 = arith.addi %add3A_642, %all_reduce_population_count3A_652 : vector<16xi32>
        %mul3A_654 = arith.constant 200 : i32
        %mul3A_655 = arith.muli %add3A_500, %mul3A_654 : i32
        %add3A_656 = arith.constant 160 : i32
        %add3A_657 = arith.addi %mul3A_655, %add3A_656 : i32
        %get3A_658 = arith.index_cast %add3A_657 : i32 to index
        %get3A_659 = tpu.vector_load %arg5[%get3A_658] {strides = array<i32>} : memref<51200xi32, #tpu.memory_space<vmem>>, vector<16xi32>,
        %ne3A_660 = arith.constant 0 : i32
        %ne3A_661 = vector.broadcast %ne3A_660 : i32 to vector<16xi32>
        %ne3A_662 = arith.cmpi ne, %get3A_659, %ne3A_661 : vector<16xi32>
        %all_reduce_population_count3A_663 = tpu.all_reduce %ne3A_662 {dim = 0 : i64, kind = #tpu.reduction_kind<sum>} : vector<16xi1> -> vector<16xi32>
        %add3A_664 = arith.addi %add3A_653, %all_reduce_population_count3A_663 : vector<16xi32>
        %mul3A_665 = arith.constant 200 : i32
        %mul3A_666 = arith.muli %add3A_500, %mul3A_665 : i32
        %add3A_667 = arith.constant 176 : i32
        %add3A_668 = arith.addi %mul3A_666, %add3A_667 : i32
        %get3A_669 = arith.index_cast %add3A_668 : i32 to index
        %get3A_670 = tpu.vector_load %arg5[%get3A_669] {strides = array<i32>} : memref<51200xi32, #tpu.memory_space<vmem>>, vector<16xi32>,
        %ne3A_671 = arith.constant 0 : i32
        %ne3A_672 = vector.broadcast %ne3A_671 : i32 to vector<16xi32>
        %ne3A_673 = arith.cmpi ne, %get3A_670, %ne3A_672 : vector<16xi32>
        %all_reduce_population_count3A_674 = tpu.all_reduce %ne3A_673 {dim = 0 : i64, kind = #tpu.reduction_kind<sum>} : vector<16xi1> -> vector<16xi32>
        %add3A_675 = arith.addi %add3A_664, %all_reduce_population_count3A_674 : vector<16xi32>
        %mul3A_676 = arith.constant 200 : i32
        %mul3A_677 = arith.muli %add3A_500, %mul3A_676 : i32
        %add3A_678 = arith.constant 200 : i32
        %add3A_679 = arith.addi %mul3A_677, %add3A_678 : i32
        %sub3A_680 = arith.constant 16 : i32
        %sub3A_681 = arith.subi %add3A_679, %sub3A_680 : i32
        %get3A_682 = arith.index_cast %sub3A_681 : i32 to index
        %get3A_683 = tpu.vector_load %arg5[%get3A_682] {strides = array<i32>} : memref<51200xi32, #tpu.memory_space<vmem>>, vector<16xi32>,
        %iota3A_684 = tpu.iota {dimensions = array<i32: 0>} : vector<16xi32>
        %ge3A_685 = arith.constant 8 : i32
        %ge3A_686 = vector.broadcast %ge3A_685 : i32 to vector<16xi32>
        %ge3A_687 = arith.cmpi sge, %iota3A_684, %ge3A_686 : vector<16xi32>
        %ne3A_688 = arith.constant 0 : i32
        %ne3A_689 = vector.broadcast %ne3A_688 : i32 to vector<16xi32>
        %ne3A_690 = arith.cmpi ne, %get3A_683, %ne3A_689 : vector<16xi32>
        %and3A_691 = arith.andi %ne3A_690, %ge3A_687 : vector<16xi1>
        %all_reduce_population_count3A_692 = tpu.all_reduce %and3A_691 {dim = 0 : i64, kind = #tpu.reduction_kind<sum>} : vector<16xi1> -> vector<16xi32>
        %add3A_693 = arith.addi %add3A_675, %all_reduce_population_count3A_692 : vector<16xi32>
        %convert_element_type3A_694 = arith.sitofp %add3A_693 : vector<16xi32> to vector<16xf32>
        %max3A_695 = arith.constant 1.000000e+00 : f32
        %max3A_696 = vector.broadcast %max3A_695 : f32 to vector<16xf32>
        %max3A_697 = arith.maximumf %convert_element_type3A_694, %max3A_696 : vector<16xf32>
        %div3A_698 = arith.divf %scan3A_540#0, %max3A_697 : vector<16xf32>
        %swap3A_699 = arith.index_cast %add3A_500 : i32 to index
        %swap3A_700 = arith.constant 0 : index
        %swap3A_701 = tpu.vector_load %arg7[%swap3A_699, %swap3A_700] {strides = array<i32>} : memref<256x64xf32, #tpu.memory_space<vmem>>, vector<16xf32>,
        tpu.vector_store %arg7[%swap3A_699, %swap3A_700], %div3A_698 {strides = array<i32>} : memref<256x64xf32, #tpu.memory_space<vmem>>, vector<16xf32>,
        %div3A_702 = arith.divf %scan3A_540#1, %max3A_697 : vector<16xf32>
        %swap3A_703 = arith.index_cast %add3A_500 : i32 to index
        %swap3A_704 = arith.constant 16 : index
        %swap3A_705 = tpu.vector_load %arg7[%swap3A_703, %swap3A_704] {strides = array<i32>} : memref<256x64xf32, #tpu.memory_space<vmem>>, vector<16xf32>,
        tpu.vector_store %arg7[%swap3A_703, %swap3A_704], %div3A_702 {strides = array<i32>} : memref<256x64xf32, #tpu.memory_space<vmem>>, vector<16xf32>,
        %div3A_706 = arith.divf %scan3A_540#2, %max3A_697 : vector<16xf32>
        %swap3A_707 = arith.index_cast %add3A_500 : i32 to index
        %swap3A_708 = arith.constant 32 : index
        %swap3A_709 = tpu.vector_load %arg7[%swap3A_707, %swap3A_708] {strides = array<i32>} : memref<256x64xf32, #tpu.memory_space<vmem>>, vector<16xf32>,
        tpu.vector_store %arg7[%swap3A_707, %swap3A_708], %div3A_706 {strides = array<i32>} : memref<256x64xf32, #tpu.memory_space<vmem>>, vector<16xf32>,
        %div3A_710 = arith.divf %scan3A_540#3, %max3A_697 : vector<16xf32>
        %swap3A_711 = arith.index_cast %add3A_500 : i32 to index
        %swap3A_712 = arith.constant 48 : index
        %swap3A_713 = tpu.vector_load %arg7[%swap3A_711, %swap3A_712] {strides = array<i32>} : memref<256x64xf32, #tpu.memory_space<vmem>>, vector<16xf32>,
        tpu.vector_store %arg7[%swap3A_711, %swap3A_712], %div3A_710 {strides = array<i32>} : memref<256x64xf32, #tpu.memory_space<vmem>>, vector<16xf32>,
        %add3A_714 = arith.constant 3 : i32
        %add3A_715 = arith.addi %mul3A_83, %add3A_714 : i32
        %add3A_716 = arith.constant 4 : i32
        %add3A_717 = arith.addi %add3A_715, %add3A_716 : i32
        %sub3A_718 = arith.constant 1 : i32
        %sub3A_719 = arith.subi %add3A_717, %sub3A_718 : i32
        %lt3A_720 = arith.constant 256 : i32
        %lt3A_721 = arith.cmpi slt, %sub3A_719, %lt3A_720 : i32
        %convert_element_type3A_722 = arith.extui %lt3A_721 : i1 to i32
        %cond3A_723 = arith.constant 0 : i32
        %cond3A_724 = arith.cmpi ne, %convert_element_type3A_722, %cond3A_723 : i32
        scf.if %cond3A_724 {
          %add3A_929 = arith.constant 4 : i32
          %add3A_930 = arith.addi %add3A_715, %add3A_929 : i32
          %sub3A_931 = arith.constant 1 : i32
          %sub3A_932 = arith.subi %add3A_930, %sub3A_931 : i32
          %mul3A_933 = arith.constant 200 : i32
          %mul3A_934 = arith.muli %sub3A_932, %mul3A_933 : i32
          %mul3A_935 = arith.constant 200 : i32
          %mul3A_936 = arith.muli %sub3A_932, %mul3A_935 : i32
          %add3A_937 = arith.constant 128 : i32
          %add3A_938 = arith.addi %mul3A_936, %add3A_937 : i32
          %dma_start3A_939 = arith.constant 2 : i32
          %dma_start3A_940 = arith.constant 0 : i32
          %dma_start3A_941 = arith.constant 0 : i32
          %dma_start3A_942 = tpu.memref_slice %arg6[%dma_start3A_939, %dma_start3A_940, %dma_start3A_941] : memref<4x200x64xf32, #tpu.memory_space<vmem>> -> memref<1x128x64xf32, #tpu.memory_space<vmem>>
          %dma_start3A_943 = tpu.memref_squeeze %dma_start3A_942 : memref<1x128x64xf32, #tpu.memory_space<vmem>> -> memref<128x64xf32, #tpu.memory_space<vmem>>
          %dma_start3A_944 = tpu.memref_slice %arg5[%mul3A_934] : memref<51200xi32, #tpu.memory_space<vmem>> -> memref<128xi32, #tpu.memory_space<vmem>>
          %dma_start3A_945 = arith.constant 0 : i32
          %dma_start3A_946 = arith.constant 0 : i32
          %dma_start3A_947 = tpu.memref_slice %arg3[%dma_start3A_945, %dma_start3A_946] : memref<1000000x64xf32, #tpu.memory_space<hbm>> -> memref<1000000x64xf32, #tpu.memory_space<hbm>>
          tpu.enqueue_indirect_dma source(%dma_start3A_947 : memref<1000000x64xf32, #tpu.memory_space<hbm>>) target(%dma_start3A_943 : memref<128x64xf32, #tpu.memory_space<vmem>>) offsets(%dma_start3A_944 : memref<128xi32, #tpu.memory_space<vmem>>) semaphore(%arg10 : memref<!tpu.dma_semaphore, #tpu.memory_space<semaphore_mem>>)
          %dma_start3A_948 = arith.constant 2 : i32
          %dma_start3A_949 = arith.constant 128 : i32
          %dma_start3A_950 = arith.constant 0 : i32
          %dma_start3A_951 = tpu.memref_slice %arg6[%dma_start3A_948, %dma_start3A_949, %dma_start3A_950] : memref<4x200x64xf32, #tpu.memory_space<vmem>> -> memref<1x72x64xf32, #tpu.memory_space<vmem>>
          %dma_start3A_952 = tpu.memref_squeeze %dma_start3A_951 : memref<1x72x64xf32, #tpu.memory_space<vmem>> -> memref<72x64xf32, #tpu.memory_space<vmem>>
          %dma_start3A_953 = tpu.memref_slice %arg5[%add3A_938] : memref<51200xi32, #tpu.memory_space<vmem>> -> memref<72xi32, #tpu.memory_space<vmem>>
          %dma_start3A_954 = arith.constant 0 : i32
          %dma_start3A_955 = arith.constant 0 : i32
          %dma_start3A_956 = tpu.memref_slice %arg3[%dma_start3A_954, %dma_start3A_955] : memref<1000000x64xf32, #tpu.memory_space<hbm>> -> memref<1000000x64xf32, #tpu.memory_space<hbm>>
          tpu.enqueue_indirect_dma source(%dma_start3A_956 : memref<1000000x64xf32, #tpu.memory_space<hbm>>) target(%dma_start3A_952 : memref<72x64xf32, #tpu.memory_space<vmem>>) offsets(%dma_start3A_953 : memref<72xi32, #tpu.memory_space<vmem>>) semaphore(%arg10 : memref<!tpu.dma_semaphore, #tpu.memory_space<semaphore_mem>>)
        } else {
        }
        %mul3A_725 = arith.constant 200 : i32
        %mul3A_726 = arith.muli %add3A_715, %mul3A_725 : i32
        %mul3A_727 = arith.constant 200 : i32
        %mul3A_728 = arith.muli %add3A_715, %mul3A_727 : i32
        %add3A_729 = arith.constant 128 : i32
        %add3A_730 = arith.addi %mul3A_728, %add3A_729 : i32
        %dma_wait3A_731 = arith.constant 3 : i32
        %dma_wait3A_732 = arith.constant 0 : i32
        %dma_wait3A_733 = arith.constant 0 : i32
        %dma_wait3A_734 = tpu.memref_slice %arg6[%dma_wait3A_731, %dma_wait3A_732, %dma_wait3A_733] : memref<4x200x64xf32, #tpu.memory_space<vmem>> -> memref<1x128x64xf32, #tpu.memory_space<vmem>>
        %dma_wait3A_735 = tpu.memref_squeeze %dma_wait3A_734 : memref<1x128x64xf32, #tpu.memory_space<vmem>> -> memref<128x64xf32, #tpu.memory_space<vmem>>
        %dma_wait3A_736 = tpu.memref_slice %arg5[%mul3A_726] : memref<51200xi32, #tpu.memory_space<vmem>> -> memref<128xi32, #tpu.memory_space<vmem>>
        %dma_wait3A_737 = arith.constant 0 : i32
        %dma_wait3A_738 = arith.constant 0 : i32
        %dma_wait3A_739 = tpu.memref_slice %arg3[%dma_wait3A_737, %dma_wait3A_738] : memref<1000000x64xf32, #tpu.memory_space<hbm>> -> memref<1000000x64xf32, #tpu.memory_space<hbm>>
        tpu.wait_indirect_dma semaphore(%arg11 : memref<!tpu.dma_semaphore, #tpu.memory_space<semaphore_mem>>) src(%dma_wait3A_739 : memref<1000000x64xf32, #tpu.memory_space<hbm>>) dst(%dma_wait3A_735 : memref<128x64xf32, #tpu.memory_space<vmem>>)
        %dma_wait3A_740 = arith.constant 3 : i32
        %dma_wait3A_741 = arith.constant 128 : i32
        %dma_wait3A_742 = arith.constant 0 : i32
        %dma_wait3A_743 = tpu.memref_slice %arg6[%dma_wait3A_740, %dma_wait3A_741, %dma_wait3A_742] : memref<4x200x64xf32, #tpu.memory_space<vmem>> -> memref<1x72x64xf32, #tpu.memory_space<vmem>>
        %dma_wait3A_744 = tpu.memref_squeeze %dma_wait3A_743 : memref<1x72x64xf32, #tpu.memory_space<vmem>> -> memref<72x64xf32, #tpu.memory_space<vmem>>
        %dma_wait3A_745 = tpu.memref_slice %arg5[%add3A_730] : memref<51200xi32, #tpu.memory_space<vmem>> -> memref<72xi32, #tpu.memory_space<vmem>>
        %dma_wait3A_746 = arith.constant 0 : i32
        %dma_wait3A_747 = arith.constant 0 : i32
        %dma_wait3A_748 = tpu.memref_slice %arg3[%dma_wait3A_746, %dma_wait3A_747] : memref<1000000x64xf32, #tpu.memory_space<hbm>> -> memref<1000000x64xf32, #tpu.memory_space<hbm>>
        tpu.wait_indirect_dma semaphore(%arg11 : memref<!tpu.dma_semaphore, #tpu.memory_space<semaphore_mem>>) src(%dma_wait3A_748 : memref<1000000x64xf32, #tpu.memory_space<hbm>>) dst(%dma_wait3A_744 : memref<72x64xf32, #tpu.memory_space<vmem>>)
        %broadcast_in_dim3A_749 = arith.constant 0.000000e+00 : f32
        %broadcast_in_dim3A_750 = vector.broadcast %broadcast_in_dim3A_749 : f32 to vector<16xf32>
        %scan3A_751 = arith.constant 0 : i32
        %scan3A_752 = arith.constant 25 : i32
        %scan3A_753 = arith.addi %scan3A_751, %scan3A_752 : i32
        %scan3A_754 = arith.constant 1 : i32
        %scan3A_755:4 = scf.for %scan3A_929 = %scan3A_751 to %scan3A_753 step %scan3A_754 iter_args(%scan3A_930 = %broadcast_in_dim3A_750, %scan3A_931 = %broadcast_in_dim3A_750, %scan3A_932 = %broadcast_in_dim3A_750, %scan3A_933 = %broadcast_in_dim3A_750) -> (vector<16xf32>, vector<16xf32>, vector<16xf32>, vector<16xf32>)  : i32 {
          %mul3A_934 = arith.constant 8 : i32
          %mul3A_935 = arith.muli %scan3A_929, %mul3A_934 : i32
          %add3A_936 = arith.constant 0 : i32
          %add3A_937 = arith.addi %mul3A_935, %add3A_936 : i32
          %get3A_938 = arith.constant 3 : i32
          %get3A_939 = arith.index_cast %get3A_938 : i32 to index
          %get3A_940 = arith.index_cast %add3A_937 : i32 to index
          %get3A_941 = arith.constant 0 : index
          %get3A_942 = tpu.vector_load %arg6[%get3A_939, %get3A_940, %get3A_941] {strides = array<i32>} : memref<4x200x64xf32, #tpu.memory_space<vmem>>, vector<16xf32>,
          %add3A_943 = arith.addf %scan3A_930, %get3A_942 : vector<16xf32>
          %get3A_944 = arith.constant 3 : i32
          %get3A_945 = arith.index_cast %get3A_944 : i32 to index
          %get3A_946 = arith.index_cast %add3A_937 : i32 to index
          %get3A_947 = arith.constant 16 : index
          %get3A_948 = tpu.vector_load %arg6[%get3A_945, %get3A_946, %get3A_947] {strides = array<i32>} : memref<4x200x64xf32, #tpu.memory_space<vmem>>, vector<16xf32>,
          %add3A_949 = arith.addf %scan3A_931, %get3A_948 : vector<16xf32>
          %get3A_950 = arith.constant 3 : i32
          %get3A_951 = arith.index_cast %get3A_950 : i32 to index
          %get3A_952 = arith.index_cast %add3A_937 : i32 to index
          %get3A_953 = arith.constant 32 : index
          %get3A_954 = tpu.vector_load %arg6[%get3A_951, %get3A_952, %get3A_953] {strides = array<i32>} : memref<4x200x64xf32, #tpu.memory_space<vmem>>, vector<16xf32>,
          %add3A_955 = arith.addf %scan3A_932, %get3A_954 : vector<16xf32>
          %get3A_956 = arith.constant 3 : i32
          %get3A_957 = arith.index_cast %get3A_956 : i32 to index
          %get3A_958 = arith.index_cast %add3A_937 : i32 to index
          %get3A_959 = arith.constant 48 : index
          %get3A_960 = tpu.vector_load %arg6[%get3A_957, %get3A_958, %get3A_959] {strides = array<i32>} : memref<4x200x64xf32, #tpu.memory_space<vmem>>, vector<16xf32>,
          %add3A_961 = arith.addf %scan3A_933, %get3A_960 : vector<16xf32>
          %mul3A_962 = arith.constant 8 : i32
          %mul3A_963 = arith.muli %scan3A_929, %mul3A_962 : i32
          %add3A_964 = arith.constant 1 : i32
          %add3A_965 = arith.addi %mul3A_963, %add3A_964 : i32
          %get3A_966 = arith.constant 3 : i32
          %get3A_967 = arith.index_cast %get3A_966 : i32 to index
          %get3A_968 = arith.index_cast %add3A_965 : i32 to index
          %get3A_969 = arith.constant 0 : index
          %get3A_970 = tpu.vector_load %arg6[%get3A_967, %get3A_968, %get3A_969] {strides = array<i32>} : memref<4x200x64xf32, #tpu.memory_space<vmem>>, vector<16xf32>,
          %add3A_971 = arith.addf %add3A_943, %get3A_970 : vector<16xf32>
          %get3A_972 = arith.constant 3 : i32
          %get3A_973 = arith.index_cast %get3A_972 : i32 to index
          %get3A_974 = arith.index_cast %add3A_965 : i32 to index
          %get3A_975 = arith.constant 16 : index
          %get3A_976 = tpu.vector_load %arg6[%get3A_973, %get3A_974, %get3A_975] {strides = array<i32>} : memref<4x200x64xf32, #tpu.memory_space<vmem>>, vector<16xf32>,
          %add3A_977 = arith.addf %add3A_949, %get3A_976 : vector<16xf32>
          %get3A_978 = arith.constant 3 : i32
          %get3A_979 = arith.index_cast %get3A_978 : i32 to index
          %get3A_980 = arith.index_cast %add3A_965 : i32 to index
          %get3A_981 = arith.constant 32 : index
          %get3A_982 = tpu.vector_load %arg6[%get3A_979, %get3A_980, %get3A_981] {strides = array<i32>} : memref<4x200x64xf32, #tpu.memory_space<vmem>>, vector<16xf32>,
          %add3A_983 = arith.addf %add3A_955, %get3A_982 : vector<16xf32>
          %get3A_984 = arith.constant 3 : i32
          %get3A_985 = arith.index_cast %get3A_984 : i32 to index
          %get3A_986 = arith.index_cast %add3A_965 : i32 to index
          %get3A_987 = arith.constant 48 : index
          %get3A_988 = tpu.vector_load %arg6[%get3A_985, %get3A_986, %get3A_987] {strides = array<i32>} : memref<4x200x64xf32, #tpu.memory_space<vmem>>, vector<16xf32>,
          %add3A_989 = arith.addf %add3A_961, %get3A_988 : vector<16xf32>
          %mul3A_990 = arith.constant 8 : i32
          %mul3A_991 = arith.muli %scan3A_929, %mul3A_990 : i32
          %add3A_992 = arith.constant 2 : i32
          %add3A_993 = arith.addi %mul3A_991, %add3A_992 : i32
          %get3A_994 = arith.constant 3 : i32
          %get3A_995 = arith.index_cast %get3A_994 : i32 to index
          %get3A_996 = arith.index_cast %add3A_993 : i32 to index
          %get3A_997 = arith.constant 0 : index
          %get3A_998 = tpu.vector_load %arg6[%get3A_995, %get3A_996, %get3A_997] {strides = array<i32>} : memref<4x200x64xf32, #tpu.memory_space<vmem>>, vector<16xf32>,
          %add3A_999 = arith.addf %add3A_971, %get3A_998 : vector<16xf32>
          %get3A_1000 = arith.constant 3 : i32
          %get3A_1001 = arith.index_cast %get3A_1000 : i32 to index
          %get3A_1002 = arith.index_cast %add3A_993 : i32 to index
          %get3A_1003 = arith.constant 16 : index
          %get3A_1004 = tpu.vector_load %arg6[%get3A_1001, %get3A_1002, %get3A_1003] {strides = array<i32>} : memref<4x200x64xf32, #tpu.memory_space<vmem>>, vector<16xf32>,
          %add3A_1005 = arith.addf %add3A_977, %get3A_1004 : vector<16xf32>
          %get3A_1006 = arith.constant 3 : i32
          %get3A_1007 = arith.index_cast %get3A_1006 : i32 to index
          %get3A_1008 = arith.index_cast %add3A_993 : i32 to index
          %get3A_1009 = arith.constant 32 : index
          %get3A_1010 = tpu.vector_load %arg6[%get3A_1007, %get3A_1008, %get3A_1009] {strides = array<i32>} : memref<4x200x64xf32, #tpu.memory_space<vmem>>, vector<16xf32>,
          %add3A_1011 = arith.addf %add3A_983, %get3A_1010 : vector<16xf32>
          %get3A_1012 = arith.constant 3 : i32
          %get3A_1013 = arith.index_cast %get3A_1012 : i32 to index
          %get3A_1014 = arith.index_cast %add3A_993 : i32 to index
          %get3A_1015 = arith.constant 48 : index
          %get3A_1016 = tpu.vector_load %arg6[%get3A_1013, %get3A_1014, %get3A_1015] {strides = array<i32>} : memref<4x200x64xf32, #tpu.memory_space<vmem>>, vector<16xf32>,
          %add3A_1017 = arith.addf %add3A_989, %get3A_1016 : vector<16xf32>
          %mul3A_1018 = arith.constant 8 : i32
          %mul3A_1019 = arith.muli %scan3A_929, %mul3A_1018 : i32
          %add3A_1020 = arith.constant 3 : i32
          %add3A_1021 = arith.addi %mul3A_1019, %add3A_1020 : i32
          %get3A_1022 = arith.constant 3 : i32
          %get3A_1023 = arith.index_cast %get3A_1022 : i32 to index
          %get3A_1024 = arith.index_cast %add3A_1021 : i32 to index
          %get3A_1025 = arith.constant 0 : index
          %get3A_1026 = tpu.vector_load %arg6[%get3A_1023, %get3A_1024, %get3A_1025] {strides = array<i32>} : memref<4x200x64xf32, #tpu.memory_space<vmem>>, vector<16xf32>,
          %add3A_1027 = arith.addf %add3A_999, %get3A_1026 : vector<16xf32>
          %get3A_1028 = arith.constant 3 : i32
          %get3A_1029 = arith.index_cast %get3A_1028 : i32 to index
          %get3A_1030 = arith.index_cast %add3A_1021 : i32 to index
          %get3A_1031 = arith.constant 16 : index
          %get3A_1032 = tpu.vector_load %arg6[%get3A_1029, %get3A_1030, %get3A_1031] {strides = array<i32>} : memref<4x200x64xf32, #tpu.memory_space<vmem>>, vector<16xf32>,
          %add3A_1033 = arith.addf %add3A_1005, %get3A_1032 : vector<16xf32>
          %get3A_1034 = arith.constant 3 : i32
          %get3A_1035 = arith.index_cast %get3A_1034 : i32 to index
          %get3A_1036 = arith.index_cast %add3A_1021 : i32 to index
          %get3A_1037 = arith.constant 32 : index
          %get3A_1038 = tpu.vector_load %arg6[%get3A_1035, %get3A_1036, %get3A_1037] {strides = array<i32>} : memref<4x200x64xf32, #tpu.memory_space<vmem>>, vector<16xf32>,
          %add3A_1039 = arith.addf %add3A_1011, %get3A_1038 : vector<16xf32>
          %get3A_1040 = arith.constant 3 : i32
          %get3A_1041 = arith.index_cast %get3A_1040 : i32 to index
          %get3A_1042 = arith.index_cast %add3A_1021 : i32 to index
          %get3A_1043 = arith.constant 48 : index
          %get3A_1044 = tpu.vector_load %arg6[%get3A_1041, %get3A_1042, %get3A_1043] {strides = array<i32>} : memref<4x200x64xf32, #tpu.memory_space<vmem>>, vector<16xf32>,
          %add3A_1045 = arith.addf %add3A_1017, %get3A_1044 : vector<16xf32>
          %mul3A_1046 = arith.constant 8 : i32
          %mul3A_1047 = arith.muli %scan3A_929, %mul3A_1046 : i32
          %add3A_1048 = arith.constant 4 : i32
          %add3A_1049 = arith.addi %mul3A_1047, %add3A_1048 : i32
          %get3A_1050 = arith.constant 3 : i32
          %get3A_1051 = arith.index_cast %get3A_1050 : i32 to index
          %get3A_1052 = arith.index_cast %add3A_1049 : i32 to index
          %get3A_1053 = arith.constant 0 : index
          %get3A_1054 = tpu.vector_load %arg6[%get3A_1051, %get3A_1052, %get3A_1053] {strides = array<i32>} : memref<4x200x64xf32, #tpu.memory_space<vmem>>, vector<16xf32>,
          %add3A_1055 = arith.addf %add3A_1027, %get3A_1054 : vector<16xf32>
          %get3A_1056 = arith.constant 3 : i32
          %get3A_1057 = arith.index_cast %get3A_1056 : i32 to index
          %get3A_1058 = arith.index_cast %add3A_1049 : i32 to index
          %get3A_1059 = arith.constant 16 : index
          %get3A_1060 = tpu.vector_load %arg6[%get3A_1057, %get3A_1058, %get3A_1059] {strides = array<i32>} : memref<4x200x64xf32, #tpu.memory_space<vmem>>, vector<16xf32>,
          %add3A_1061 = arith.addf %add3A_1033, %get3A_1060 : vector<16xf32>
          %get3A_1062 = arith.constant 3 : i32
          %get3A_1063 = arith.index_cast %get3A_1062 : i32 to index
          %get3A_1064 = arith.index_cast %add3A_1049 : i32 to index
          %get3A_1065 = arith.constant 32 : index
          %get3A_1066 = tpu.vector_load %arg6[%get3A_1063, %get3A_1064, %get3A_1065] {strides = array<i32>} : memref<4x200x64xf32, #tpu.memory_space<vmem>>, vector<16xf32>,
          %add3A_1067 = arith.addf %add3A_1039, %get3A_1066 : vector<16xf32>
          %get3A_1068 = arith.constant 3 : i32
          %get3A_1069 = arith.index_cast %get3A_1068 : i32 to index
          %get3A_1070 = arith.index_cast %add3A_1049 : i32 to index
          %get3A_1071 = arith.constant 48 : index
          %get3A_1072 = tpu.vector_load %arg6[%get3A_1069, %get3A_1070, %get3A_1071] {strides = array<i32>} : memref<4x200x64xf32, #tpu.memory_space<vmem>>, vector<16xf32>,
          %add3A_1073 = arith.addf %add3A_1045, %get3A_1072 : vector<16xf32>
          %mul3A_1074 = arith.constant 8 : i32
          %mul3A_1075 = arith.muli %scan3A_929, %mul3A_1074 : i32
          %add3A_1076 = arith.constant 5 : i32
          %add3A_1077 = arith.addi %mul3A_1075, %add3A_1076 : i32
          %get3A_1078 = arith.constant 3 : i32
          %get3A_1079 = arith.index_cast %get3A_1078 : i32 to index
          %get3A_1080 = arith.index_cast %add3A_1077 : i32 to index
          %get3A_1081 = arith.constant 0 : index
          %get3A_1082 = tpu.vector_load %arg6[%get3A_1079, %get3A_1080, %get3A_1081] {strides = array<i32>} : memref<4x200x64xf32, #tpu.memory_space<vmem>>, vector<16xf32>,
          %add3A_1083 = arith.addf %add3A_1055, %get3A_1082 : vector<16xf32>
          %get3A_1084 = arith.constant 3 : i32
          %get3A_1085 = arith.index_cast %get3A_1084 : i32 to index
          %get3A_1086 = arith.index_cast %add3A_1077 : i32 to index
          %get3A_1087 = arith.constant 16 : index
          %get3A_1088 = tpu.vector_load %arg6[%get3A_1085, %get3A_1086, %get3A_1087] {strides = array<i32>} : memref<4x200x64xf32, #tpu.memory_space<vmem>>, vector<16xf32>,
          %add3A_1089 = arith.addf %add3A_1061, %get3A_1088 : vector<16xf32>
          %get3A_1090 = arith.constant 3 : i32
          %get3A_1091 = arith.index_cast %get3A_1090 : i32 to index
          %get3A_1092 = arith.index_cast %add3A_1077 : i32 to index
          %get3A_1093 = arith.constant 32 : index
          %get3A_1094 = tpu.vector_load %arg6[%get3A_1091, %get3A_1092, %get3A_1093] {strides = array<i32>} : memref<4x200x64xf32, #tpu.memory_space<vmem>>, vector<16xf32>,
          %add3A_1095 = arith.addf %add3A_1067, %get3A_1094 : vector<16xf32>
          %get3A_1096 = arith.constant 3 : i32
          %get3A_1097 = arith.index_cast %get3A_1096 : i32 to index
          %get3A_1098 = arith.index_cast %add3A_1077 : i32 to index
          %get3A_1099 = arith.constant 48 : index
          %get3A_1100 = tpu.vector_load %arg6[%get3A_1097, %get3A_1098, %get3A_1099] {strides = array<i32>} : memref<4x200x64xf32, #tpu.memory_space<vmem>>, vector<16xf32>,
          %add3A_1101 = arith.addf %add3A_1073, %get3A_1100 : vector<16xf32>
          %mul3A_1102 = arith.constant 8 : i32
          %mul3A_1103 = arith.muli %scan3A_929, %mul3A_1102 : i32
          %add3A_1104 = arith.constant 6 : i32
          %add3A_1105 = arith.addi %mul3A_1103, %add3A_1104 : i32
          %get3A_1106 = arith.constant 3 : i32
          %get3A_1107 = arith.index_cast %get3A_1106 : i32 to index
          %get3A_1108 = arith.index_cast %add3A_1105 : i32 to index
          %get3A_1109 = arith.constant 0 : index
          %get3A_1110 = tpu.vector_load %arg6[%get3A_1107, %get3A_1108, %get3A_1109] {strides = array<i32>} : memref<4x200x64xf32, #tpu.memory_space<vmem>>, vector<16xf32>,
          %add3A_1111 = arith.addf %add3A_1083, %get3A_1110 : vector<16xf32>
          %get3A_1112 = arith.constant 3 : i32
          %get3A_1113 = arith.index_cast %get3A_1112 : i32 to index
          %get3A_1114 = arith.index_cast %add3A_1105 : i32 to index
          %get3A_1115 = arith.constant 16 : index
          %get3A_1116 = tpu.vector_load %arg6[%get3A_1113, %get3A_1114, %get3A_1115] {strides = array<i32>} : memref<4x200x64xf32, #tpu.memory_space<vmem>>, vector<16xf32>,
          %add3A_1117 = arith.addf %add3A_1089, %get3A_1116 : vector<16xf32>
          %get3A_1118 = arith.constant 3 : i32
          %get3A_1119 = arith.index_cast %get3A_1118 : i32 to index
          %get3A_1120 = arith.index_cast %add3A_1105 : i32 to index
          %get3A_1121 = arith.constant 32 : index
          %get3A_1122 = tpu.vector_load %arg6[%get3A_1119, %get3A_1120, %get3A_1121] {strides = array<i32>} : memref<4x200x64xf32, #tpu.memory_space<vmem>>, vector<16xf32>,
          %add3A_1123 = arith.addf %add3A_1095, %get3A_1122 : vector<16xf32>
          %get3A_1124 = arith.constant 3 : i32
          %get3A_1125 = arith.index_cast %get3A_1124 : i32 to index
          %get3A_1126 = arith.index_cast %add3A_1105 : i32 to index
          %get3A_1127 = arith.constant 48 : index
          %get3A_1128 = tpu.vector_load %arg6[%get3A_1125, %get3A_1126, %get3A_1127] {strides = array<i32>} : memref<4x200x64xf32, #tpu.memory_space<vmem>>, vector<16xf32>,
          %add3A_1129 = arith.addf %add3A_1101, %get3A_1128 : vector<16xf32>
          %mul3A_1130 = arith.constant 8 : i32
          %mul3A_1131 = arith.muli %scan3A_929, %mul3A_1130 : i32
          %add3A_1132 = arith.constant 7 : i32
          %add3A_1133 = arith.addi %mul3A_1131, %add3A_1132 : i32
          %get3A_1134 = arith.constant 3 : i32
          %get3A_1135 = arith.index_cast %get3A_1134 : i32 to index
          %get3A_1136 = arith.index_cast %add3A_1133 : i32 to index
          %get3A_1137 = arith.constant 0 : index
          %get3A_1138 = tpu.vector_load %arg6[%get3A_1135, %get3A_1136, %get3A_1137] {strides = array<i32>} : memref<4x200x64xf32, #tpu.memory_space<vmem>>, vector<16xf32>,
          %add3A_1139 = arith.addf %add3A_1111, %get3A_1138 : vector<16xf32>
          %get3A_1140 = arith.constant 3 : i32
          %get3A_1141 = arith.index_cast %get3A_1140 : i32 to index
          %get3A_1142 = arith.index_cast %add3A_1133 : i32 to index
          %get3A_1143 = arith.constant 16 : index
          %get3A_1144 = tpu.vector_load %arg6[%get3A_1141, %get3A_1142, %get3A_1143] {strides = array<i32>} : memref<4x200x64xf32, #tpu.memory_space<vmem>>, vector<16xf32>,
          %add3A_1145 = arith.addf %add3A_1117, %get3A_1144 : vector<16xf32>
          %get3A_1146 = arith.constant 3 : i32
          %get3A_1147 = arith.index_cast %get3A_1146 : i32 to index
          %get3A_1148 = arith.index_cast %add3A_1133 : i32 to index
          %get3A_1149 = arith.constant 32 : index
          %get3A_1150 = tpu.vector_load %arg6[%get3A_1147, %get3A_1148, %get3A_1149] {strides = array<i32>} : memref<4x200x64xf32, #tpu.memory_space<vmem>>, vector<16xf32>,
          %add3A_1151 = arith.addf %add3A_1123, %get3A_1150 : vector<16xf32>
          %get3A_1152 = arith.constant 3 : i32
          %get3A_1153 = arith.index_cast %get3A_1152 : i32 to index
          %get3A_1154 = arith.index_cast %add3A_1133 : i32 to index
          %get3A_1155 = arith.constant 48 : index
          %get3A_1156 = tpu.vector_load %arg6[%get3A_1153, %get3A_1154, %get3A_1155] {strides = array<i32>} : memref<4x200x64xf32, #tpu.memory_space<vmem>>, vector<16xf32>,
          %add3A_1157 = arith.addf %add3A_1129, %get3A_1156 : vector<16xf32>
          scf.yield %add3A_1139, %add3A_1145, %add3A_1151, %add3A_1157 : vector<16xf32>, vector<16xf32>, vector<16xf32>, vector<16xf32>
        }
        %scan3A_756 = arith.constant 25 : i32
        %broadcast_in_dim3A_757 = arith.constant 0 : i32
        %broadcast_in_dim3A_758 = vector.broadcast %broadcast_in_dim3A_757 : i32 to vector<16xi32>
        %mul3A_759 = arith.constant 200 : i32
        %mul3A_760 = arith.muli %add3A_715, %mul3A_759 : i32
        %add3A_761 = arith.constant 0 : i32
        %add3A_762 = arith.addi %mul3A_760, %add3A_761 : i32
        %get3A_763 = arith.index_cast %add3A_762 : i32 to index
        %get3A_764 = tpu.vector_load %arg5[%get3A_763] {strides = array<i32>} : memref<51200xi32, #tpu.memory_space<vmem>>, vector<16xi32>,
        %ne3A_765 = arith.constant 0 : i32
        %ne3A_766 = vector.broadcast %ne3A_765 : i32 to vector<16xi32>
        %ne3A_767 = arith.cmpi ne, %get3A_764, %ne3A_766 : vector<16xi32>
        %all_reduce_population_count3A_768 = tpu.all_reduce %ne3A_767 {dim = 0 : i64, kind = #tpu.reduction_kind<sum>} : vector<16xi1> -> vector<16xi32>
        %add3A_769 = arith.addi %broadcast_in_dim3A_758, %all_reduce_population_count3A_768 : vector<16xi32>
        %mul3A_770 = arith.constant 200 : i32
        %mul3A_771 = arith.muli %add3A_715, %mul3A_770 : i32
        %add3A_772 = arith.constant 16 : i32
        %add3A_773 = arith.addi %mul3A_771, %add3A_772 : i32
        %get3A_774 = arith.index_cast %add3A_773 : i32 to index
        %get3A_775 = tpu.vector_load %arg5[%get3A_774] {strides = array<i32>} : memref<51200xi32, #tpu.memory_space<vmem>>, vector<16xi32>,
        %ne3A_776 = arith.constant 0 : i32
        %ne3A_777 = vector.broadcast %ne3A_776 : i32 to vector<16xi32>
        %ne3A_778 = arith.cmpi ne, %get3A_775, %ne3A_777 : vector<16xi32>
        %all_reduce_population_count3A_779 = tpu.all_reduce %ne3A_778 {dim = 0 : i64, kind = #tpu.reduction_kind<sum>} : vector<16xi1> -> vector<16xi32>
        %add3A_780 = arith.addi %add3A_769, %all_reduce_population_count3A_779 : vector<16xi32>
        %mul3A_781 = arith.constant 200 : i32
        %mul3A_782 = arith.muli %add3A_715, %mul3A_781 : i32
        %add3A_783 = arith.constant 32 : i32
        %add3A_784 = arith.addi %mul3A_782, %add3A_783 : i32
        %get3A_785 = arith.index_cast %add3A_784 : i32 to index
        %get3A_786 = tpu.vector_load %arg5[%get3A_785] {strides = array<i32>} : memref<51200xi32, #tpu.memory_space<vmem>>, vector<16xi32>,
        %ne3A_787 = arith.constant 0 : i32
        %ne3A_788 = vector.broadcast %ne3A_787 : i32 to vector<16xi32>
        %ne3A_789 = arith.cmpi ne, %get3A_786, %ne3A_788 : vector<16xi32>
        %all_reduce_population_count3A_790 = tpu.all_reduce %ne3A_789 {dim = 0 : i64, kind = #tpu.reduction_kind<sum>} : vector<16xi1> -> vector<16xi32>
        %add3A_791 = arith.addi %add3A_780, %all_reduce_population_count3A_790 : vector<16xi32>
        %mul3A_792 = arith.constant 200 : i32
        %mul3A_793 = arith.muli %add3A_715, %mul3A_792 : i32
        %add3A_794 = arith.constant 48 : i32
        %add3A_795 = arith.addi %mul3A_793, %add3A_794 : i32
        %get3A_796 = arith.index_cast %add3A_795 : i32 to index
        %get3A_797 = tpu.vector_load %arg5[%get3A_796] {strides = array<i32>} : memref<51200xi32, #tpu.memory_space<vmem>>, vector<16xi32>,
        %ne3A_798 = arith.constant 0 : i32
        %ne3A_799 = vector.broadcast %ne3A_798 : i32 to vector<16xi32>
        %ne3A_800 = arith.cmpi ne, %get3A_797, %ne3A_799 : vector<16xi32>
        %all_reduce_population_count3A_801 = tpu.all_reduce %ne3A_800 {dim = 0 : i64, kind = #tpu.reduction_kind<sum>} : vector<16xi1> -> vector<16xi32>
        %add3A_802 = arith.addi %add3A_791, %all_reduce_population_count3A_801 : vector<16xi32>
        %mul3A_803 = arith.constant 200 : i32
        %mul3A_804 = arith.muli %add3A_715, %mul3A_803 : i32
        %add3A_805 = arith.constant 64 : i32
        %add3A_806 = arith.addi %mul3A_804, %add3A_805 : i32
        %get3A_807 = arith.index_cast %add3A_806 : i32 to index
        %get3A_808 = tpu.vector_load %arg5[%get3A_807] {strides = array<i32>} : memref<51200xi32, #tpu.memory_space<vmem>>, vector<16xi32>,
        %ne3A_809 = arith.constant 0 : i32
        %ne3A_810 = vector.broadcast %ne3A_809 : i32 to vector<16xi32>
        %ne3A_811 = arith.cmpi ne, %get3A_808, %ne3A_810 : vector<16xi32>
        %all_reduce_population_count3A_812 = tpu.all_reduce %ne3A_811 {dim = 0 : i64, kind = #tpu.reduction_kind<sum>} : vector<16xi1> -> vector<16xi32>
        %add3A_813 = arith.addi %add3A_802, %all_reduce_population_count3A_812 : vector<16xi32>
        %mul3A_814 = arith.constant 200 : i32
        %mul3A_815 = arith.muli %add3A_715, %mul3A_814 : i32
        %add3A_816 = arith.constant 80 : i32
        %add3A_817 = arith.addi %mul3A_815, %add3A_816 : i32
        %get3A_818 = arith.index_cast %add3A_817 : i32 to index
        %get3A_819 = tpu.vector_load %arg5[%get3A_818] {strides = array<i32>} : memref<51200xi32, #tpu.memory_space<vmem>>, vector<16xi32>,
        %ne3A_820 = arith.constant 0 : i32
        %ne3A_821 = vector.broadcast %ne3A_820 : i32 to vector<16xi32>
        %ne3A_822 = arith.cmpi ne, %get3A_819, %ne3A_821 : vector<16xi32>
        %all_reduce_population_count3A_823 = tpu.all_reduce %ne3A_822 {dim = 0 : i64, kind = #tpu.reduction_kind<sum>} : vector<16xi1> -> vector<16xi32>
        %add3A_824 = arith.addi %add3A_813, %all_reduce_population_count3A_823 : vector<16xi32>
        %mul3A_825 = arith.constant 200 : i32
        %mul3A_826 = arith.muli %add3A_715, %mul3A_825 : i32
        %add3A_827 = arith.constant 96 : i32
        %add3A_828 = arith.addi %mul3A_826, %add3A_827 : i32
        %get3A_829 = arith.index_cast %add3A_828 : i32 to index
        %get3A_830 = tpu.vector_load %arg5[%get3A_829] {strides = array<i32>} : memref<51200xi32, #tpu.memory_space<vmem>>, vector<16xi32>,
        %ne3A_831 = arith.constant 0 : i32
        %ne3A_832 = vector.broadcast %ne3A_831 : i32 to vector<16xi32>
        %ne3A_833 = arith.cmpi ne, %get3A_830, %ne3A_832 : vector<16xi32>
        %all_reduce_population_count3A_834 = tpu.all_reduce %ne3A_833 {dim = 0 : i64, kind = #tpu.reduction_kind<sum>} : vector<16xi1> -> vector<16xi32>
        %add3A_835 = arith.addi %add3A_824, %all_reduce_population_count3A_834 : vector<16xi32>
        %mul3A_836 = arith.constant 200 : i32
        %mul3A_837 = arith.muli %add3A_715, %mul3A_836 : i32
        %add3A_838 = arith.constant 112 : i32
        %add3A_839 = arith.addi %mul3A_837, %add3A_838 : i32
        %get3A_840 = arith.index_cast %add3A_839 : i32 to index
        %get3A_841 = tpu.vector_load %arg5[%get3A_840] {strides = array<i32>} : memref<51200xi32, #tpu.memory_space<vmem>>, vector<16xi32>,
        %ne3A_842 = arith.constant 0 : i32
        %ne3A_843 = vector.broadcast %ne3A_842 : i32 to vector<16xi32>
        %ne3A_844 = arith.cmpi ne, %get3A_841, %ne3A_843 : vector<16xi32>
        %all_reduce_population_count3A_845 = tpu.all_reduce %ne3A_844 {dim = 0 : i64, kind = #tpu.reduction_kind<sum>} : vector<16xi1> -> vector<16xi32>
        %add3A_846 = arith.addi %add3A_835, %all_reduce_population_count3A_845 : vector<16xi32>
        %mul3A_847 = arith.constant 200 : i32
        %mul3A_848 = arith.muli %add3A_715, %mul3A_847 : i32
        %add3A_849 = arith.constant 128 : i32
        %add3A_850 = arith.addi %mul3A_848, %add3A_849 : i32
        %get3A_851 = arith.index_cast %add3A_850 : i32 to index
        %get3A_852 = tpu.vector_load %arg5[%get3A_851] {strides = array<i32>} : memref<51200xi32, #tpu.memory_space<vmem>>, vector<16xi32>,
        %ne3A_853 = arith.constant 0 : i32
        %ne3A_854 = vector.broadcast %ne3A_853 : i32 to vector<16xi32>
        %ne3A_855 = arith.cmpi ne, %get3A_852, %ne3A_854 : vector<16xi32>
        %all_reduce_population_count3A_856 = tpu.all_reduce %ne3A_855 {dim = 0 : i64, kind = #tpu.reduction_kind<sum>} : vector<16xi1> -> vector<16xi32>
        %add3A_857 = arith.addi %add3A_846, %all_reduce_population_count3A_856 : vector<16xi32>
        %mul3A_858 = arith.constant 200 : i32
        %mul3A_859 = arith.muli %add3A_715, %mul3A_858 : i32
        %add3A_860 = arith.constant 144 : i32
        %add3A_861 = arith.addi %mul3A_859, %add3A_860 : i32
        %get3A_862 = arith.index_cast %add3A_861 : i32 to index
        %get3A_863 = tpu.vector_load %arg5[%get3A_862] {strides = array<i32>} : memref<51200xi32, #tpu.memory_space<vmem>>, vector<16xi32>,
        %ne3A_864 = arith.constant 0 : i32
        %ne3A_865 = vector.broadcast %ne3A_864 : i32 to vector<16xi32>
        %ne3A_866 = arith.cmpi ne, %get3A_863, %ne3A_865 : vector<16xi32>
        %all_reduce_population_count3A_867 = tpu.all_reduce %ne3A_866 {dim = 0 : i64, kind = #tpu.reduction_kind<sum>} : vector<16xi1> -> vector<16xi32>
        %add3A_868 = arith.addi %add3A_857, %all_reduce_population_count3A_867 : vector<16xi32>
        %mul3A_869 = arith.constant 200 : i32
        %mul3A_870 = arith.muli %add3A_715, %mul3A_869 : i32
        %add3A_871 = arith.constant 160 : i32
        %add3A_872 = arith.addi %mul3A_870, %add3A_871 : i32
        %get3A_873 = arith.index_cast %add3A_872 : i32 to index
        %get3A_874 = tpu.vector_load %arg5[%get3A_873] {strides = array<i32>} : memref<51200xi32, #tpu.memory_space<vmem>>, vector<16xi32>,
        %ne3A_875 = arith.constant 0 : i32
        %ne3A_876 = vector.broadcast %ne3A_875 : i32 to vector<16xi32>
        %ne3A_877 = arith.cmpi ne, %get3A_874, %ne3A_876 : vector<16xi32>
        %all_reduce_population_count3A_878 = tpu.all_reduce %ne3A_877 {dim = 0 : i64, kind = #tpu.reduction_kind<sum>} : vector<16xi1> -> vector<16xi32>
        %add3A_879 = arith.addi %add3A_868, %all_reduce_population_count3A_878 : vector<16xi32>
        %mul3A_880 = arith.constant 200 : i32
        %mul3A_881 = arith.muli %add3A_715, %mul3A_880 : i32
        %add3A_882 = arith.constant 176 : i32
        %add3A_883 = arith.addi %mul3A_881, %add3A_882 : i32
        %get3A_884 = arith.index_cast %add3A_883 : i32 to index
        %get3A_885 = tpu.vector_load %arg5[%get3A_884] {strides = array<i32>} : memref<51200xi32, #tpu.memory_space<vmem>>, vector<16xi32>,
        %ne3A_886 = arith.constant 0 : i32
        %ne3A_887 = vector.broadcast %ne3A_886 : i32 to vector<16xi32>
        %ne3A_888 = arith.cmpi ne, %get3A_885, %ne3A_887 : vector<16xi32>
        %all_reduce_population_count3A_889 = tpu.all_reduce %ne3A_888 {dim = 0 : i64, kind = #tpu.reduction_kind<sum>} : vector<16xi1> -> vector<16xi32>
        %add3A_890 = arith.addi %add3A_879, %all_reduce_population_count3A_889 : vector<16xi32>
        %mul3A_891 = arith.constant 200 : i32
        %mul3A_892 = arith.muli %add3A_715, %mul3A_891 : i32
        %add3A_893 = arith.constant 200 : i32
        %add3A_894 = arith.addi %mul3A_892, %add3A_893 : i32
        %sub3A_895 = arith.constant 16 : i32
        %sub3A_896 = arith.subi %add3A_894, %sub3A_895 : i32
        %get3A_897 = arith.index_cast %sub3A_896 : i32 to index
        %get3A_898 = tpu.vector_load %arg5[%get3A_897] {strides = array<i32>} : memref<51200xi32, #tpu.memory_space<vmem>>, vector<16xi32>,
        %iota3A_899 = tpu.iota {dimensions = array<i32: 0>} : vector<16xi32>
        %ge3A_900 = arith.constant 8 : i32
        %ge3A_901 = vector.broadcast %ge3A_900 : i32 to vector<16xi32>
        %ge3A_902 = arith.cmpi sge, %iota3A_899, %ge3A_901 : vector<16xi32>
        %ne3A_903 = arith.constant 0 : i32
        %ne3A_904 = vector.broadcast %ne3A_903 : i32 to vector<16xi32>
        %ne3A_905 = arith.cmpi ne, %get3A_898, %ne3A_904 : vector<16xi32>
        %and3A_906 = arith.andi %ne3A_905, %ge3A_902 : vector<16xi1>
        %all_reduce_population_count3A_907 = tpu.all_reduce %and3A_906 {dim = 0 : i64, kind = #tpu.reduction_kind<sum>} : vector<16xi1> -> vector<16xi32>
        %add3A_908 = arith.addi %add3A_890, %all_reduce_population_count3A_907 : vector<16xi32>
        %convert_element_type3A_909 = arith.sitofp %add3A_908 : vector<16xi32> to vector<16xf32>
        %max3A_910 = arith.constant 1.000000e+00 : f32
        %max3A_911 = vector.broadcast %max3A_910 : f32 to vector<16xf32>
        %max3A_912 = arith.maximumf %convert_element_type3A_909, %max3A_911 : vector<16xf32>
        %div3A_913 = arith.divf %scan3A_755#0, %max3A_912 : vector<16xf32>
        %swap3A_914 = arith.index_cast %add3A_715 : i32 to index
        %swap3A_915 = arith.constant 0 : index
        %swap3A_916 = tpu.vector_load %arg7[%swap3A_914, %swap3A_915] {strides = array<i32>} : memref<256x64xf32, #tpu.memory_space<vmem>>, vector<16xf32>,
        tpu.vector_store %arg7[%swap3A_914, %swap3A_915], %div3A_913 {strides = array<i32>} : memref<256x64xf32, #tpu.memory_space<vmem>>, vector<16xf32>,
        %div3A_917 = arith.divf %scan3A_755#1, %max3A_912 : vector<16xf32>
        %swap3A_918 = arith.index_cast %add3A_715 : i32 to index
        %swap3A_919 = arith.constant 16 : index
        %swap3A_920 = tpu.vector_load %arg7[%swap3A_918, %swap3A_919] {strides = array<i32>} : memref<256x64xf32, #tpu.memory_space<vmem>>, vector<16xf32>,
        tpu.vector_store %arg7[%swap3A_918, %swap3A_919], %div3A_917 {strides = array<i32>} : memref<256x64xf32, #tpu.memory_space<vmem>>, vector<16xf32>,
        %div3A_921 = arith.divf %scan3A_755#2, %max3A_912 : vector<16xf32>
        %swap3A_922 = arith.index_cast %add3A_715 : i32 to index
        %swap3A_923 = arith.constant 32 : index
        %swap3A_924 = tpu.vector_load %arg7[%swap3A_922, %swap3A_923] {strides = array<i32>} : memref<256x64xf32, #tpu.memory_space<vmem>>, vector<16xf32>,
        tpu.vector_store %arg7[%swap3A_922, %swap3A_923], %div3A_921 {strides = array<i32>} : memref<256x64xf32, #tpu.memory_space<vmem>>, vector<16xf32>,
        %div3A_925 = arith.divf %scan3A_755#3, %max3A_912 : vector<16xf32>
        %swap3A_926 = arith.index_cast %add3A_715 : i32 to index
        %swap3A_927 = arith.constant 48 : index
        %swap3A_928 = tpu.vector_load %arg7[%swap3A_926, %swap3A_927] {strides = array<i32>} : memref<256x64xf32, #tpu.memory_space<vmem>>, vector<16xf32>,
        tpu.vector_store %arg7[%swap3A_926, %swap3A_927], %div3A_925 {strides = array<i32>} : memref<256x64xf32, #tpu.memory_space<vmem>>, vector<16xf32>,
      }
      %scan3A_77 = arith.constant 64 : i32
      %mul3A_78 = arith.constant 256 : i32
      %mul3A_79 = arith.muli %scan3A_8, %mul3A_78 : i32
      %add3A_80 = arith.addi %mul3A_2, %mul3A_79 : i32
      "tpu.region"() ({
        %run_scoped3A = tpu.sem_alloc : memref<!tpu.dma_semaphore, #tpu.memory_space<semaphore_mem>>
        %dma_start3A_81 = arith.constant 0 : i32
        %dma_start3A_82 = tpu.memref_slice %arg4[%add3A_80, %dma_start3A_81] : memref<16384x64xf32, #tpu.memory_space<hbm>> -> memref<256x64xf32, #tpu.memory_space<hbm>>
        %dma_start3A_83 = arith.constant 0 : i32
        %dma_start3A_84 = tpu.memref_slice %arg4[%add3A_80, %dma_start3A_83] : memref<16384x64xf32, #tpu.memory_space<hbm>> -> memref<256x64xf32, #tpu.memory_space<hbm>>
        tpu.enqueue_dma source(%arg7 : memref<256x64xf32, #tpu.memory_space<vmem>>) target(%dma_start3A_84 : memref<256x64xf32, #tpu.memory_space<hbm>>) target_semaphore(%run_scoped3A : memref<!tpu.dma_semaphore, #tpu.memory_space<semaphore_mem>>)
        %dma_wait3A = arith.constant 0 : i32
        %dma_wait3A_85 = tpu.memref_slice %arg4[%add3A_80, %dma_wait3A] : memref<16384x64xf32, #tpu.memory_space<hbm>> -> memref<256x64xf32, #tpu.memory_space<hbm>>
        %dma_wait3A_86 = arith.constant 0 : i32
        %dma_wait3A_87 = tpu.memref_slice %arg4[%add3A_80, %dma_wait3A_86] : memref<16384x64xf32, #tpu.memory_space<hbm>> -> memref<256x64xf32, #tpu.memory_space<hbm>>
        tpu.wait_dma2 semaphore(%run_scoped3A : memref<!tpu.dma_semaphore, #tpu.memory_space<semaphore_mem>>) src(%arg7 : memref<256x64xf32, #tpu.memory_space<vmem>>) dst(%dma_wait3A_87 : memref<256x64xf32, #tpu.memory_space<hbm>>)
        tpu.yield
      }) : () -> ()
    }
    %scan3A_7 = arith.constant 2 : i32
    return
  }
}

module attributes {stable_mosaic.version = 14 : i64} {
  func.func @_mlp_kernel(%arg0: i32, %arg1: memref<2048x64xf32, #tpu.memory_space<vmem>>, %arg2: memref<64x128xf32, #tpu.memory_space<vmem>>, %arg3: memref<1x128xf32, #tpu.memory_space<vmem>>, %arg4: memref<1x128xf32, #tpu.memory_space<vmem>>, %arg5: memref<1xf32, #tpu.memory_space<smem>>, %arg6: memref<2048xf32, #tpu.memory_space<vmem>>) attributes {dimension_semantics = [#tpu.dimension_semantics<arbitrary>], iteration_bounds = array<i64: 8>, scalar_prefetch = 0 : i64, scratch_operands = 0 : i64, tpu.core_type = #tpu.core_type<tc>, window_params = [{transform_indices = @transform_0, window_bounds = array<i64: 2048, 64>}, {pipeline_mode = #tpu.pipeline_mode<synchronous>, transform_indices = @transform_1, window_bounds = array<i64: 64, 128>}, {pipeline_mode = #tpu.pipeline_mode<synchronous>, transform_indices = @transform_2, window_bounds = array<i64: 1, 128>}, {pipeline_mode = #tpu.pipeline_mode<synchronous>, transform_indices = @transform_3, window_bounds = array<i64: 1, 128>}, {transform_indices = @transform_4, window_bounds = array<i64: 1>}, {transform_indices = @transform_5, window_bounds = array<i64: 2048>}]} {
    %get3A = arith.constant 0 : index
    %get3A_0 = arith.constant 0 : index
    %get3A_1 = vector.load %arg1[%get3A, %get3A_0] : memref<2048x64xf32, #tpu.memory_space<vmem>>, vector<2048x64xf32>
    %get3A_2 = arith.constant 0 : index
    %get3A_3 = arith.constant 0 : index
    %get3A_4 = vector.load %arg2[%get3A_2, %get3A_3] : memref<64x128xf32, #tpu.memory_space<vmem>>, vector<64x128xf32>
    %dot_general3A = arith.constant dense<0.000000e+00> : vector<2048x128xf32>
    %dot_general3A_5 = tpu.matmul %get3A_1, %get3A_4, %dot_general3A {dimension_numbers = #tpu.dot_dimension_numbers<[1], [0], [0], [1], [0, 0, 1, 1], [], []>, transpose_lhs_hint = false} : vector<2048x64xf32>, vector<64x128xf32>, vector<2048x128xf32> -> vector<2048x128xf32>
    %get3A_6 = arith.constant 0 : index
    %get3A_7 = arith.constant 0 : index
    %get3A_8 = vector.load %arg3[%get3A_6, %get3A_7] : memref<1x128xf32, #tpu.memory_space<vmem>>, vector<1x128xf32>
    %add3A = vector.broadcast %get3A_8 : vector<1x128xf32> to vector<2048x128xf32>
    %add3A_9 = arith.addf %dot_general3A_5, %add3A : vector<2048x128xf32>
    %max3A = arith.constant 0.000000e+00 : f32
    %max3A_10 = vector.broadcast %max3A : f32 to vector<2048x128xf32>
    %max3A_11 = arith.maximumf %add3A_9, %max3A_10 : vector<2048x128xf32>
    %get3A_12 = arith.constant 0 : index
    %get3A_13 = arith.constant 0 : index
    %get3A_14 = vector.load %arg4[%get3A_12, %get3A_13] : memref<1x128xf32, #tpu.memory_space<vmem>>, vector<1x128xf32>
    %mul3A = vector.broadcast %get3A_14 : vector<1x128xf32> to vector<2048x128xf32>
    %mul3A_15 = arith.mulf %max3A_11, %mul3A : vector<2048x128xf32>
    %reduce_sum3A = arith.constant dense<0.000000e+00> : vector<2048xf32>
    %reduce_sum3A_16 = vector.multi_reduction <add>, %mul3A_15, %reduce_sum3A [1] : vector<2048x128xf32> to vector<2048xf32>
    %get3A_17 = arith.constant 0 : index
    %get3A_18 = memref.load %arg5[%get3A_17] : memref<1xf32, #tpu.memory_space<smem>>
    %add3A_19 = vector.broadcast %get3A_18 : f32 to vector<2048xf32>
    %add3A_20 = arith.addf %reduce_sum3A_16, %add3A_19 : vector<2048xf32>
    %swap3A = arith.constant 0 : index
    %swap3A_21 = vector.load %arg6[%swap3A] : memref<2048xf32, #tpu.memory_space<vmem>>, vector<2048xf32>
    tpu.vector_store %arg6[%swap3A], %add3A_20 {strides = array<i32>} : memref<2048xf32, #tpu.memory_space<vmem>>, vector<2048xf32>,
    return
  }
  func.func @transform_0(%arg0: i32) -> (i32, i32) {
    %c0_i32 = arith.constant 0 : i32
    %c0_i32_0 = arith.constant 0 : i32
    return %arg0, %c0_i32 : i32, i32
  }
  func.func @transform_1(%arg0: i32) -> (i32, i32) {
    %c0_i32 = arith.constant 0 : i32
    %c0_i32_0 = arith.constant 0 : i32
    %c0_i32_1 = arith.constant 0 : i32
    return %c0_i32, %c0_i32_0 : i32, i32
  }
  func.func @transform_2(%arg0: i32) -> (i32, i32) {
    %c0_i32 = arith.constant 0 : i32
    %c0_i32_0 = arith.constant 0 : i32
    %c0_i32_1 = arith.constant 0 : i32
    return %c0_i32, %c0_i32_0 : i32, i32
  }
  func.func @transform_3(%arg0: i32) -> (i32, i32) {
    %c0_i32 = arith.constant 0 : i32
    %c0_i32_0 = arith.constant 0 : i32
    %c0_i32_1 = arith.constant 0 : i32
    return %c0_i32, %c0_i32_0 : i32, i32
  }
  func.func @transform_4(%arg0: i32) -> i32 {
    %c0_i32 = arith.constant 0 : i32
    %c0_i32_0 = arith.constant 0 : i32
    return %c0_i32 : i32
  }
  func.func @transform_5(%arg0: i32) -> i32 {
    %c0_i32 = arith.constant 0 : i32
    return %arg0 : i32
  }
}

</mosaic_0001>

<sc_bundles>
// kernel: kernel.4.cloned.1.call-start
scs
__scs_entry_jumppad:
0x0: {  	(pc) =	sbr.rel $0x88, $3  }
0x1: {  	(tag) =	ssettag $0x0;
	lr =	simm.s32 $0x1  }
0x2: {  	[smem:$0x3F9B] =	sst lr;
	_ =	strace $0xD0000000  }
0x3: {  	_ = 	snop  }
0x4: {  	_ = 	snop  }
0x5: {  	_ = 	snop  }
0x6: {  	_ = 	snop  }
0x7: {  	_ = 	snop  }
__scs_overlays_trampoline_lowered:
0x8: {  	[smem:$0x3FAA] =	sst s0  }
0x9: {  	[smem:$0x3FAB] =	sst s1  }
0xa: {  	[smem:$0x3FAC] =	sst s2  }
0xb: {  	[smem:$0x3FAD] =	sst s3  }
0xc: {  	[smem:$0x3FAE] =	sst s4  }
0xd: {  	[smem:$0x3FAF] =	sst s5  }
0xe: {  	[smem:$0x3FB0] =	sst s6  }
0xf: {  	[smem:$0x3FB1] =	sst s7  }
0x10: {  	[smem:$0x3FB2] =	sst s8  }
0x11: {  	[smem:$0x3FB3] =	sst s9;
	s0 =	simm.s32 @!p0 $0x0  }
0x12: {  	s1 =	sld [smem:$0x3F99];
	s0 =	simm.s32 @p0 $0x1  }
0x13: {  	[smem:$0x3FB4] =	sst s0;
	s0 =	simm.s32 @!p1 $0x0  }
0x14: {  	s2 =	sld [smem:$0x3F98];
	s0 =	simm.s32 @p1 $0x1  }
0x15: {  	[smem:$0x3FB5] =	sst s0;
	s0 =	simm.s32 @!p2 $0x0  }
0x16: {  	s3 =	sld [smem:$0x3FDB];
	s0 =	simm.s32 @p2 $0x1  }
0x17: {  	s4 =	simm.s32 $0x1BF5;
	[smem:$0x3FB7] =	sst s0  }
0x18: {  	s0 =	sld [smem:$0x3F9A];
	_ =	swait.ge [sflag:s4], $0x0  }
0x19: {  	s7 =	sld [smem:$0x3F9B]  }
0x1a: {  	s8 =	sadd.s32 $0xFFFFE003, lr  }
0x1b: {  	s9 =	sadd.s32 $0xFFFFFEF7, lr;
	s5 =	simm.s32 $0xFFFFFFFF;
	p2 =	slt.u32 s8, $0xFFFFF086  }
0x1c: {  	p1 =	slt.u32 s9, $0xF7A;
	s5 =	simm.s32 @!p2 $0x0  }
0x1d: {  	s5 =	simm.s32 @p1 $0x1;
	p0 =	seq.s32 s7, s2  }
0x1e: {  	s7 =	smul.u32 @!p0 $0xF7A, s2;
	p2 =	seq.s32 @!p0 s5, $0x0  }
0x1f: {  	s9 =	smul.u32 $0xF7A, s1;
	s8 =	simm.s32 @!p0 $0x1BF5;
	p2 =	por !p2, p0  }
0x20: {  	[sflag:s8] =	ssyncset.s32 @!p0 $0xFFFFF086;
	s6 =	sadd.s32 @!p0 s3, s7;
	s7 =	simm.s32 @!p0 $0x108  }
0x21: {  	s3 =	sadd.s32 s3, s9;
	s6 =	sadd.s32 @!p0 $0x88, s6;
	s7 =	simm.s32 @p2 $0x1082  }
0x22: {  	[simem:s7], [sflag:s8] =	dma.local @!p0 [hbm:s6], $0xF7A  }
0x23: {  	s9 =	sor.u32 $0xD0000000, s2;
	s6 =	simm.s32 $0x108;
	_ =	swait.ge @!p0 [sflag:s8], $0x0  }
0x24: {  	s3 =	sadd.s32 $0x88, s3;
	s6 =	simm.s32 @!p1 $0x1082;
	[sflag:s4] =	ssyncset.s32 $0xFFFFF086  }
0x25: {  	[simem:s6], [sflag:s4] =	dma.local [hbm:s3], $0xF7A  }
0x26: {  	[smem:$0x3F9B] =	sst s1;
	(tag) =	ssettag s2;
	_ =	strace s9  }
0x27: {  	s1 =	sld [smem:$0x3FAB]  }
0x28: {  	s2 =	sld [smem:$0x3FAC]  }
0x29: {  	s4 =	sld [smem:$0x3FAE]  }
0x2a: {  	p0 =	seq.s32 s5, $0x0;
	s5 =	sld [smem:$0x3FAF]  }
0x2b: {  	s6 =	sld [smem:$0x3FB0]  }
0x2c: {  	s7 =	sld [smem:$0x3FB1]  }
0x2d: {  	s3 =	simm.s32 $0x108;
	s8 =	sld [smem:$0x3FB2]  }
0x2e: {  	s3 =	simm.s32 @!p0 $0x1082;
	s9 =	sld [smem:$0x3FB3]  }
0x2f: {  	lr =	sadd.s32 s0, s3;
	s0 =	sld [smem:$0x3FAA]  }
0x30: {  	s3 =	sld [smem:$0x3FAD]  }
0x31: {  	[smem:$0x3FB6] =	sst s10  }
0x32: {  	s10 =	sld [smem:$0x3FB4];
	_ =	sdelay $0x3  }
0x33: {  	p0 =	seq.s32 s10, $0x1;
	s10 =	sld [smem:$0x3FB6];
	_ =	sdelay $0x3  }
0x34: {  	[smem:$0x3FB6] =	sst s10  }
0x35: {  	s10 =	sld [smem:$0x3FB5];
	_ =	sdelay $0x3  }
0x36: {  	p1 =	seq.s32 s10, $0x1;
	s10 =	sld [smem:$0x3FB6];
	_ =	sdelay $0x3  }
0x37: {  	[smem:$0x3FB6] =	sst s10  }
0x38: {  	s10 =	sld [smem:$0x3FB7]  }
0x39: {  	_ = 	snop;
	(pc) =	sbr.ind lr, $3  }
0x3a: {  	_ = 	snop  }
0x3b: {  	_ = 	snop  }
0x3c: {  	p2 =	seq.s32 s10, $0x1;
	s10 =	sld [smem:$0x3FB6]  }
0x3d: {  	_ =	shalt  }
0x3e: {  	_ =	shalt  }
0x3f: {  	_ =	shalt  }
0x40: {  	_ =	shalt  }
0x41: {  	_ =	shalt  }
0x42: {  	_ =	shalt  }
0x43: {  	_ =	shalt  }
0x44: {  	_ =	shalt  }
0x45: {  	_ =	shalt  }
0x46: {  	_ =	shalt  }
0x47: {  	_ =	shalt  }
0x48: {  	_ =	shalt  }
0x49: {  	_ =	shalt  }
0x4a: {  	_ =	shalt  }
0x4b: {  	_ =	shalt  }
0x4c: {  	_ =	shalt  }
0x4d: {  	_ =	shalt  }
0x4e: {  	_ =	shalt  }
0x4f: {  	_ =	shalt  }
0x50: {  	_ =	shalt  }
0x51: {  	_ =	shalt  }
0x52: {  	_ =	shalt  }
0x53: {  	_ =	shalt  }
0x54: {  	_ =	shalt  }
0x55: {  	_ =	shalt  }
0x56: {  	_ =	shalt  }
0x57: {  	_ =	shalt  }
0x58: {  	_ =	shalt  }
0x59: {  	_ =	shalt  }
0x5a: {  	_ =	shalt  }
0x5b: {  	_ =	shalt  }
0x5c: {  	_ =	shalt  }
0x5d: {  	_ =	shalt  }
0x5e: {  	_ =	shalt  }
0x5f: {  	_ =	shalt  }
0x60: {  	_ =	shalt  }
0x61: {  	_ =	shalt  }
0x62: {  	_ =	shalt  }
0x63: {  	_ =	shalt  }
0x64: {  	_ =	shalt  }
0x65: {  	_ =	shalt  }
0x66: {  	_ =	shalt  }
0x67: {  	_ =	shalt  }
0x68: {  	_ =	shalt  }
0x69: {  	_ =	shalt  }
0x6a: {  	_ =	shalt  }
0x6b: {  	_ =	shalt  }
0x6c: {  	_ =	shalt  }
0x6d: {  	_ =	shalt  }
0x6e: {  	_ =	shalt  }
0x6f: {  	_ =	shalt  }
0x70: {  	_ =	shalt  }
0x71: {  	_ =	shalt  }
0x72: {  	_ =	shalt  }
0x73: {  	_ =	shalt  }
0x74: {  	_ =	shalt  }
0x75: {  	_ =	shalt  }
0x76: {  	_ =	shalt  }
0x77: {  	_ =	shalt  }
0x78: {  	_ =	shalt  }
0x79: {  	_ =	shalt  }
0x7a: {  	_ =	shalt  }
0x7b: {  	_ =	shalt  }
0x7c: {  	_ =	shalt  }
0x7d: {  	_ =	shalt  }
0x7e: {  	_ =	shalt  }
0x7f: {  	_ =	shalt  }
0x80: {  	_ =	shalt  }
0x81: {  	_ =	shalt  }
0x82: {  	_ =	shalt  }
0x83: {  	_ =	shalt  }
0x84: {  	_ =	shalt  }
0x85: {  	_ =	shalt  }
0x86: {  	_ =	shalt  }
0x87: {  	_ =	shalt  }
.Lfunc_end0:
.L_simem_size_0:
called_computation_lowered:
.L_overlay_start_0:
0x88: {  	s2 =	sld [smem:$0x3FD9]  }
0x89: {  	s3 =	sld [smem:$0x3FFE];
	_ =	sdelay $0x1  }
0x8a: {  	s1 =	srdreg.scid  }
0x8b: {  	s0 =	sand.u32 $0x1, s1  }
0x8c: {  	s16 =	sshll.u32 s0, $0xA;
	s2 =	sadd.s32 s3, s2  }
0x8d: {  	s2 =	sadd.s32 s2, s16  }
0x8e: {  	[smem:$0x3FC2] =	sst s2  }
0x8f: {  	_ = 	snop  }
0x90: {  	(tm) =	ssettm $0x1  }
0x91: {  	s17 =	sld [smem:$0x3FFB];
	_ =	sdelay $0x3  }
0x92: {  	_ =	strace s17  }
0x93: {  	s2 =	sld [smem:$0x3FFC];
	_ =	sdelay $0x3  }
0x94: {  	_ =	strace s2  }
0x95: {  	s2 =	sld [smem:$0x3FFD];
	_ =	sdelay $0x3  }
0x96: {  	_ =	strace s2  }
0x97: {  	_ =	strace $0x8FFFFFFF  }
0x98: {  	s18 =	sld [smem:$0x3FDB];
	_ =	sdelay $0x1  }
0x99: {  	s19 =	simm.s32 $_scs_section_size  }
0x9a: {  	s4 =	simm.s32 $_size__tile_overlayer_lowered;
	s5 =	simm.s32 $_tile_overlayer_lowered  }
0x9b: {  	s22 =	simm.s32 $0x1BFF;
	s21 =	sshll.u32 s5, $0x1;
	s2 =	sadd.s32 s19, s18  }
0x9c: {  	s6 =	simm.s32 $0x0;
	s20 =	sshll.u32 s4, $0x1;
	s4 =	sadd.s32 s21, s2  }
0x9d: {  	[timem:s6], [sflag:s22] =	dma.local [hbm:s4], s20  }
0x9e: {  	_ =	swait.ge [sflag:s22], s20  }
0x9f: {  	s3 =	ssub.s32 $0x0, s20;
	[sflag:s22] =	ssyncset.done $0x0  }
0xa0: {  	[sflag:s22] =	ssyncadd.s32 s3;
	_ =	sdelay $0x1  }
0xa1: {  	s23 =	simm.s32 $0x1B8B  }
0xa2: {  	_ =	swait.ge [sflag:s23], $0x1  }
0xa3: {  	[sflag:s23] =	ssyncset.done $0x0  }
0xa4: {  	s25 =	simm.s32 $0x1B8E;
	s24 =	sld [smem:$0x3FFE];
	[sflag:s23] =	ssyncadd.s32 $0xFFFFFFFF  }
0xa5: {  	s26 =	simm.s32 $execute0_lowered;
	[smem:$0x3FD2] =	sst s25  }
0xa6: {  	s4 =	sshll.u32 s26, $0x1;
	_ =	strace $0x80000046;
	[dreg:$0x1] =	wrdreg $0xFFFFFFFF  }
0xa7: {  	s28 =	simm.s32 $_size_execute0_lowered;
	s2 =	sadd.s32 s2, s4;
	[dreg:$0x0] =	wrdreg $0x0  }
0xa8: {  	s4 =	sshll.u32 s28, $0x1;
	[dreg:$0x2] =	wrdreg s2  }
0xa9: {  	[dreg:$0x3] =	wrdreg s4  }
0xaa: {  	[dreg:$0x4] =	wrdreg $0xC0  }
0xab: {  	_ =	task [dreg:s6], $0x5FFFF  }
0xac: {  	[dreg:$0x1] =	wrdreg $0xFFFFFFFF  }
0xad: {  	[dreg:$0x0] =	wrdreg $0x60  }
0xae: {  	[dreg:$0x2] =	wrdreg s24  }
0xaf: {  	[dreg:$0x3] =	wrdreg $0x9  }
0xb0: {  	_ =	task.clear_ibuf [dreg:s6], $0x4FFFF;
	_ =	strace $0x90000046  }
0xb1: {  	s29 =	simm.s32 $0x9;
	_ =	strace $0x80000048  }
0xb2: {  	_ =	swait.ge [sflag:s29], $0x1  }
0xb3: {  	[sflag:s29] =	ssyncadd.s32 $0xFFFFFFFF  }
0xb4: {  	_ =	strace $0x90000048  }
0xb5: {  	_ =	sfence  }
0xb6: {  	s30 =	sld [smem:$0x0];
	_ =	sdelay $0x2  }
0xb7: {  	s31 =	sshll.u32 s1, $0xD;
	s1 =	sshrl.u32 s1, $0x2  }
0xb8: {  	s3 =	sand.u32 $0x4000, s31;
	s1 =	sadd.s32 s1, s30  }
0xb9: {  	s0 =	sor.u32 s3, s0;
	s1 =	sshll.u32 s1, $0x11  }
0xba: {  	s0 =	sor.u32 s1, s0  }
0xbb: {  	s0 =	sadd.s32 $0x8F2B, s0  }
0xbc: {  	[sflag:s0] =	ssyncadd.remote.s32 $0x1  }
0xbd: {  	_ =	sfence.sel $0xFFFF  }
0xbe: {  	[dreg:$0x0] =	wrdreg $0xFFFFFFFF;
	(pc) =	sbr.abs _section_cstart, $3  }
0xbf: {  	[dreg:$0x1] =	wrdreg $0xFFFFFFFF  }
0xc0: {  	_ =	task.clear_ibuf [dreg:s6], $0x2FFFF;
	_ =	strace $0x9FFFFFFF  }
0xc1: {  	(tm) =	ssettm $0x7FFFFFFF  }
tec
execute0_lowered:
.L_overlay_start_1:
0x0: {  	(tag) =	ssettag $0x1  }
0x1: {  	s0 =	rddreg [dreg:$0x0]  }
0x2: {  	s2 =	simm.s32 $0x0;
	s1 =	srdreg.scid;
	s6 =	stileid.u32  }
0x3: {  	s8 =	simm.s32 $0x5;
	s9 =	simm.s32 $0x80;
	s11 =	simm.s32 $0x48  }
0x4: {  	s13 =	simm.s32 $0xC8;
	s14 =	simm.s32 $0xFA00;
	s15 =	simm.s32 $0x148  }
0x5: {  	s16 =	simm.s32 $0x11A00;
	s17 =	simm.s32 $0x190;
	s18 =	simm.s32 $0x12C00  }
0x6: {  	s19 =	simm.s32 $0x210;
	s20 =	simm.s32 $0x14C00;
	s21 =	simm.s32 $0x15E00  }
0x7: {  	s22 =	simm.s32 $0x17E00;
	s23 =	simm.s32 $0x1;
	s24 =	simm.s32 $0x2  }
0x8: {  	s25 =	simm.s32 $0x3;
	s26 =	simm.s32 $0x4;
	s1 =	sand.u32 $0x1, s1  }
0x9: {  	s28 =	simm.s32 $0x19000;
	[smem:$0x7FF] =	sst s2;
	s30 =	ssub.s32 $0x2, s1  }
0xa: {  	s3 =	sadd.s32 $0xC00, s0;
	s4 =	sadd.s32 $0xF43000, s0;
	s5 =	sshrl.u32 s30, $0x1  }
0xb: {  	s6 =	sshll.u32 s6, $0xA;
	s1 =	sshll.u32 s1, $0x9;
	s2 =	ssub.s32 s30, s5  }
0xc: {  	_ =	strace $0x80000047;
	s6 =	sor.u32 s1, s6;
	s31 =	smax.u32 s2, $0x1  }
0xd: {  	vm0 =	vcmask $0x3F20;
	s1 =	simm.s32 $0x0;
	s5 =	sadd.s32 $0x64C00, s0;
	[dreg:$0x2] =	wrdreg s31  }
.LBB2_1:
0xe: {  	[dreg:$0x3] =	wrdreg s1;
	p1 =	por $0x1, $0x1;
	s0 =	simm.s32 $0x0  }
.LBB2_2:
0xf: {  	s30 =	sor.u32 s6, s0  }
0x10: {  	s0 =	smul.u32 $0x19, s30;
	_ =	sdelay $0x1  }
0x11: {  	s31 =	simm.s32 $0x0;
	s0 =	sadd.s32 s3, s0  }
0x12: {  	[tilespmem:s31], [sflag:$0x5] =	stream.linear.gather [hbm4b:s0+s31], $0xC800, $0x38;
	[tilespmem:$0x1D000] =	vst v63  }
0x13: {  	_ =	swait.ge [sflag:s8], $0xC800  }
0x14: {  	[sflag:s8] =	ssyncset.done $0x0  }
0x15: {  	s12 =	simm.s32 $0xC800;
	[sflag:s8] =	ssyncadd.s32 $0xFFFF3800  }
0x16: {  	[tilespmem:s12], [sflag:$0x1] =	stream.indirect.gather [hbm4b:s4+s9], $0x40, s31, s9, $0xb8;
	[tilespmem:$0x1D000] =	vst v63  }
0x17: {  	s29 =	simm.s32 $0xE800  }
0x18: {  	[tilespmem:s29], [sflag:$0x1] =	stream.indirect.gather [hbm4b:s4+s11], $0x40, s9, s11, $0xb8;
	[tilespmem:$0x1D000] =	vst v63  }
0x19: {  	_ = 	snop  }
0x1a: {  	[tilespmem:s14], [sflag:$0x2] =	stream.indirect.gather [hbm4b:s4+s9], $0x40, s13, s9, $0xb8;
	[tilespmem:$0x1D000] =	vst v63  }
0x1b: {  	_ = 	snop  }
0x1c: {  	[tilespmem:s16], [sflag:$0x2] =	stream.indirect.gather [hbm4b:s4+s11], $0x40, s15, s11, $0xb8;
	[tilespmem:$0x1D000] =	vst v63  }
0x1d: {  	_ = 	snop  }
0x1e: {  	[tilespmem:s18], [sflag:$0x3] =	stream.indirect.gather [hbm4b:s4+s9], $0x40, s17, s9, $0xb8;
	[tilespmem:$0x1D000] =	vst v63  }
0x1f: {  	p0 =	por p1, p1  }
0x20: {  	[tilespmem:s20], [sflag:$0x3] =	stream.indirect.gather [hbm4b:s4+s11], $0x40, s19, s11, $0xb8;
	[tilespmem:$0x1D000] =	vst v63  }
.LBB2_3:
0x21: {  	s0 =	sshllo.u32 s31, $0x2  }
0x22: {  	s1 =	smul.u32 $0x320, s0;
	_ =	sdelay $0x1  }
0x23: {  	s2 =	sshra.s32 s1, $0x2  }
0x24: {  	[tilespmem:s21], [sflag:$0x4] =	stream.indirect.gather [hbm4b:s4+s9], $0x40, s2, s9, $0xb8;
	[tilespmem:$0x1D000] =	vst v63  }
0x25: {  	s1 =	sadd.s32 $0x80, s2  }
0x26: {  	[tilespmem:s22], [sflag:$0x4] =	stream.indirect.gather [hbm4b:s4+s11], $0x40, s1, s11, $0xb8;
	[tilespmem:$0x1D000] =	vst v63  }
0x27: {  	_ =	swait.ge [sflag:s23], $0x2000  }
0x28: {  	[sflag:s23] =	ssyncset.done $0x0  }
0x29: {  	[sflag:s23] =	ssyncadd.s32 $0xFFFFE000  }
0x2a: {  	_ =	swait.ge [sflag:s23], $0x1200  }
0x2b: {  	[sflag:s23] =	ssyncset.done $0x0  }
0x2c: {  	s1 =	simm.s32 $0x0;
	[sflag:s23] =	ssyncadd.s32 $0xFFFFEE00  }
0x2d: {  	v0 =	vld [tilespmem:s1+$0xC9C0]  }
0x2e: {  	v1 =	vld [tilespmem:s1+$0xC9D0]  }
0x2f: {  	v2 =	vld [tilespmem:s1+$0xC980]  }
0x30: {  	v3 =	vld [tilespmem:s1+$0xC990]  }
0x31: {  	v4 =	vld [tilespmem:s1+$0xC940]  }
0x32: {  	v5 =	vld [tilespmem:s1+$0xC950]  }
0x33: {  	v6 =	vld [tilespmem:s1+$0xC900]  }
0x34: {  	v7 =	vld [tilespmem:s1+$0xC910]  }
0x35: {  	v9 =	vld [tilespmem:s1+$0xC8C0]  }
0x36: {  	v8 =	vld [tilespmem:s1+$0xC8D0]  }
0x37: {  	v11 =	vld [tilespmem:s1+$0xC880]  }
0x38: {  	v10 =	vld [tilespmem:s1+$0xC890]  }
0x39: {  	v17 =	vld [tilespmem:s1+$0xC840]  }
0x3a: {  	v16 =	vld [tilespmem:s1+$0xC850]  }
0x3b: {  	v20 =	vld [tilespmem:s1+$0xC800]  }
0x3c: {  	v14 =	vimm.f32 $0.0e+00;
	v19 =	vld [tilespmem:s1+$0xC810]  }
0x3d: {  	s29 =	sshll.u32 s31, $0x2;
	s7 =	simm.s32 $0x800;
	v15 =	vimm.f32 $0.0e+00;
	v13 =	vimm.f32 $0.0e+00;
	v12 =	vimm.f32 $0.0e+00;
	v18 =	vld [tilespmem:s1+$0xC820]  }
.LBB2_4:
0x3e: {  	p1 =	sne.s32 s7, $0xC000;
	v21 =	vld [tilespmem:s1+$0xC830]  }
0x3f: {  	v22 =	vld [tilespmem:s1+$0xC860]  }
0x40: {  	v23 =	vld [tilespmem:s1+$0xC870]  }
0x41: {  	v24 =	vld [tilespmem:s1+$0xC8A0]  }
0x42: {  	v14 =	vadd.f32 v20, v14;
	v15 =	vadd.f32 v19, v15;
	v19 =	vld [tilespmem:s1+$0xC8B0]  }
0x43: {  	v13 =	vadd.f32 v18, v13;
	v12 =	vadd.f32 v21, v12;
	v18 =	vld [tilespmem:s1+$0xC8E0]  }
0x44: {  	v14 =	vadd.f32 v17, v14;
	v15 =	vadd.f32 v16, v15;
	v16 =	vld [tilespmem:s1+$0xC8F0]  }
0x45: {  	v13 =	vadd.f32 v22, v13;
	v12 =	vadd.f32 v23, v12;
	v17 =	vld [tilespmem:s1+$0xC920]  }
0x46: {  	v11 =	vadd.f32 v11, v14;
	v10 =	vadd.f32 v10, v15;
	v14 =	vld [tilespmem:s1+$0xC930]  }
0x47: {  	v13 =	vadd.f32 v24, v13;
	v12 =	vadd.f32 v19, v12;
	v15 =	vld [tilespmem:s1+$0xC960]  }
0x48: {  	v9 =	vadd.f32 v9, v11;
	v8 =	vadd.f32 v8, v10;
	v10 =	vld [tilespmem:s1+$0xC970]  }
0x49: {  	v11 =	vadd.f32 v18, v13;
	v12 =	vadd.f32 v16, v12;
	v13 =	vld [tilespmem:s1+$0xC9A0]  }
0x4a: {  	v6 =	vadd.f32 v6, v9;
	v7 =	vadd.f32 v7, v8;
	v8 =	vld [tilespmem:s1+$0xC9B0]  }
0x4b: {  	v9 =	vadd.f32 v17, v11;
	v11 =	vadd.f32 v14, v12;
	v12 =	vld [tilespmem:s1+$0xC9E0]  }
0x4c: {  	v4 =	vadd.f32 v4, v6;
	v5 =	vadd.f32 v5, v7;
	v6 =	vld [tilespmem:s1+$0xC9F0];
	s1 =	sshra.s32 s7, $0x2  }
0x4d: {  	v9 =	vadd.f32 v15, v9;
	v7 =	vld [tilespmem:s1+$0xC9C0];
	v10 =	vadd.f32 v10, v11  }
0x4e: {  	v4 =	vadd.f32 v2, v4;
	v5 =	vadd.f32 v3, v5;
	v11 =	vld [tilespmem:s1+$0xC9D0]  }
0x4f: {  	v9 =	vadd.f32 v13, v9;
	v2 =	vld [tilespmem:s1+$0xC980];
	v8 =	vadd.f32 v8, v10  }
0x50: {  	v14 =	vadd.f32 v0, v4;
	v15 =	vadd.f32 v1, v5;
	v3 =	vld [tilespmem:s1+$0xC990]  }
0x51: {  	v13 =	vadd.f32 v12, v9;
	v4 =	vld [tilespmem:s1+$0xC940];
	v12 =	vadd.f32 v6, v8  }
0x52: {  	v5 =	vld [tilespmem:s1+$0xC950];
	v0 =	vmov v7  }
0x53: {  	v6 =	vld [tilespmem:s1+$0xC900];
	v1 =	vmov v11  }
0x54: {  	v7 =	vld [tilespmem:s1+$0xC910]  }
0x55: {  	v9 =	vld [tilespmem:s1+$0xC8C0]  }
0x56: {  	v8 =	vld [tilespmem:s1+$0xC8D0]  }
0x57: {  	v11 =	vld [tilespmem:s1+$0xC880]  }
0x58: {  	v10 =	vld [tilespmem:s1+$0xC890]  }
.Ltmp0:
0x59: {  	v17 =	vld [tilespmem:s1+$0xC840];
	(pc) =	sbr.rel @p1 .LBB2_4-.Ltmp0, $4  }
0x5a: {  	v16 =	vld [tilespmem:s1+$0xC850]  }
0x5b: {  	v20 =	vld [tilespmem:s1+$0xC800]  }
0x5c: {  	v19 =	vld [tilespmem:s1+$0xC810]  }
0x5d: {  	s7 =	sadd.s32 $0x800, s7;
	v18 =	vld [tilespmem:s1+$0xC820]  }
0x5e: {  	s7 =	smul.u32 $0xC80, s31;
	_ =	sdelay $0x1  }
0x5f: {  	s7 =	sshra.s32 s7, $0x2  }
0x60: {  	v21 =	vld [tilespmem:s7+$0x0]  }
0x61: {  	v22 =	vld [tilespmem:s7+$0x10]  }
0x62: {  	v23 =	vld [tilespmem:s7+$0x20]  }
0x63: {  	v24 =	vld [tilespmem:s7+$0x30]  }
0x64: {  	v25 =	vld [tilespmem:s7+$0x40]  }
0x65: {  	v26 =	vld [tilespmem:s7+$0x50]  }
0x66: {  	vm1 =	vne.s32 v21, $0x0;
	vm2 =	vne.s32 v22, $0x0;
	v21 =	vld [tilespmem:s7+$0x60]  }
0x67: {  	v22 =	vmpcnt.ones.xlane vm1;
	v27 =	vmpcnt.ones.xlane vm2;
	vm1 =	vne.s32 v23, $0x0;
	v23 =	vld [tilespmem:s7+$0x70]  }
0x68: {  	v52 =	vld [tilespmem:s7+$0x80];
	v28 =	vmpcnt.ones.xlane vm1;
	vm1 =	vne.s32 v24, $0x0  }
0x69: {  	v54 =	vld [tilespmem:s7+$0x90];
	v22 =	vadd.s32 v22, v27;
	v53 =	vmpcnt.ones.xlane vm1;
	vm1 =	vne.s32 v25, $0x0  }
0x6a: {  	v56 =	vld [tilespmem:s7+$0xA0];
	v22 =	vadd.s32 v28, v22;
	v55 =	vmpcnt.ones.xlane vm1;
	vm1 =	vne.s32 v26, $0x0  }
0x6b: {  	v22 =	vadd.s32 v53, v22;
	v57 =	vmpcnt.ones.xlane vm1;
	vm1 =	vne.s32 v21, $0x0;
	v21 =	vld [tilespmem:s7+$0xB0]  }
0x6c: {  	v22 =	vadd.s32 v55, v22;
	v58 =	vmpcnt.ones.xlane vm1;
	vm1 =	vne.s32 v23, $0x0;
	v23 =	vld [tilespmem:s7+$0xB8]  }
0x6d: {  	vm2 =	vne.s32 v52, $0x0;
	v22 =	vadd.s32 v57, v22;
	v59 =	vmpcnt.ones.xlane vm1  }
0x6e: {  	v60 =	vmpcnt.ones.xlane vm2;
	v22 =	vadd.s32 v58, v22  }
0x6f: {  	v15 =	vadd.f32 v19, v15;
	vm1 =	vne.s32 v54, $0x0;
	v22 =	vadd.s32 v59, v22  }
0x70: {  	v61 =	vmpcnt.ones.xlane vm1;
	vm1 =	vne.s32 v56, $0x0;
	v22 =	vadd.s32 v60, v22  }
0x71: {  	v62 =	vld [tilespmem:s1+$0xC830];
	vm2 =	vne.s32 v21, $0x0;
	v21 =	vmpcnt.ones.xlane vm1;
	vm1 =	vne.s32 v23, $0x0  }
0x72: {  	v63 =	vld [tilespmem:s1+$0xC860];
	v23 =	vmpcnt.ones.xlane vm2;
	v22 =	vadd.s32 v61, v22;
	vm1 =	vmand vm1, vm0  }
0x73: {  	v14 =	vadd.f32 v20, v14;
	v20 =	vadd.s32 v21, v22;
	v21 =	vld [tilespmem:s1+$0xC870];
	v22 =	vmpcnt.ones.xlane vm1  }
0x74: {  	v15 =	vadd.f32 v16, v15;
	v19 =	vadd.s32 v23, v20;
	v20 =	vld [tilespmem:s1+$0xC8A0]  }
0x75: {  	v13 =	vadd.f32 v18, v13;
	v18 =	vld [tilespmem:s1+$0xC8B0];
	v14 =	vadd.f32 v17, v14;
	v17 =	vadd.s32 v22, v19  }
0x76: {  	v12 =	vadd.f32 v62, v12;
	v10 =	vadd.f32 v10, v15;
	v19 =	vld [tilespmem:s1+$0xC8E0];
	v16 =	vcvt.s32.f32 v17  }
0x77: {  	v13 =	vadd.f32 v63, v13;
	v11 =	vadd.f32 v11, v14;
	v17 =	vld [tilespmem:s1+$0xC8F0]  }
0x78: {  	v14 =	vld [tilespmem:s1+$0xC920];
	v8 =	vadd.f32 v8, v10;
	v12 =	vadd.f32 v21, v12;
	v15 =	vmax.f32 v16, $1.000000000e+00  }
0x79: {  	v9 =	vadd.f32 v9, v11;
	v16 =	vld [tilespmem:s1+$0xC930];
	v13 =	vadd.f32 v20, v13;
	(erf) = vrcp.f32 v15  }
0x7a: {  	v7 =	vadd.f32 v7, v8;
	v11 =	vadd.f32 v18, v12;
	v12 =	vld [tilespmem:s1+$0xC960]  }
0x7b: {  	v10 =	vld [tilespmem:s1+$0xC970];
	v6 =	vadd.f32 v6, v9;
	v13 =	vadd.f32 v19, v13  }
0x7c: {  	v5 =	vadd.f32 v5, v7;
	v9 =	vadd.f32 v17, v11;
	v11 =	vld [tilespmem:s1+$0xC9A0]  }
0x7d: {  	v8 =	vld [tilespmem:s1+$0xC9B0];
	v4 =	vadd.f32 v4, v6;
	v13 =	vadd.f32 v14, v13  }
0x7e: {  	v3 =	vadd.f32 v3, v5;
	v6 =	vadd.f32 v16, v9;
	v9 =	vld [tilespmem:s1+$0xC9E0]  }
0x7f: {  	v7 =	vld [tilespmem:s1+$0xC9F0];
	v2 =	vadd.f32 v2, v4;
	v12 =	vadd.f32 v12, v13  }
0x80: {  	v4 =	vadd.f32 v10, v6  }
0x81: {  	v0 =	vadd.f32 v0, v2;
	v5 =	vadd.f32 v11, v12  }
0x82: {  	v1 =	vadd.f32 v1, v3;
	v2 =	vadd.f32 v8, v4;
	v3 =	vpop (erf)  }
0x83: {  	s12 =	sshll.u32 s31, $0x8;
	v4 =	vadd.f32 v9, v5;
	v0 =	vmul.f32 v3, v0  }
0x84: {  	s1 =	sand.u32 $0x3FFFFF00, s12;
	v2 =	vadd.f32 v7, v2;
	v1 =	vmul.f32 v3, v1  }
0x85: {  	[tilespmem:s1+$0x19000] =	vst v0;
	v0 =	vmul.f32 v3, v4  }
0x86: {  	[tilespmem:s1+$0x19010] =	vst v1;
	v1 =	vmul.f32 v3, v2  }
0x87: {  	p1 =	seq.s32 s31, $0x3F;
	[tilespmem:s1+$0x19020] =	vst v0  }
0x88: {  	s10 =	simm.s32 @!p1 $0x80;
	s12 =	simm.s32 @!p1 $0xC800;
	[tilespmem:s1+$0x19030] =	vst v1;
	s1 =	sadd.s32 @!p1 $0x320, s7  }
0x89: {  	[tilespmem:s12], [sflag:$0x1] =	stream.indirect.gather @!p1 [hbm4b:s4+s10], $0x40, s1, s10, $0xb8;
	[tilespmem:$0x1D000] =	vst v63  }
0x8a: {  	s1 =	sadd.s32 @!p1 $0x3A0, s7;
	s10 =	simm.s32 @!p1 $0x48;
	s12 =	simm.s32 @!p1 $0xE800  }
0x8b: {  	[tilespmem:s12], [sflag:$0x1] =	stream.indirect.gather @!p1 [hbm4b:s4+s10], $0x40, s1, s10, $0xb8;
	[tilespmem:$0x1D000] =	vst v63  }
0x8c: {  	_ =	swait.ge [sflag:s24], $0x2000  }
0x8d: {  	[sflag:s24] =	ssyncset.done $0x0  }
0x8e: {  	[sflag:s24] =	ssyncadd.s32 $0xFFFFE000  }
0x8f: {  	_ =	swait.ge [sflag:s24], $0x1200  }
0x90: {  	[sflag:s24] =	ssyncset.done $0x0  }
0x91: {  	s1 =	simm.s32 $0x0;
	[sflag:s24] =	ssyncadd.s32 $0xFFFFEE00  }
0x92: {  	v0 =	vld [tilespmem:s1+$0xFBC0]  }
0x93: {  	v1 =	vld [tilespmem:s1+$0xFBD0]  }
0x94: {  	v2 =	vld [tilespmem:s1+$0xFB80]  }
0x95: {  	v3 =	vld [tilespmem:s1+$0xFB90]  }
0x96: {  	v4 =	vld [tilespmem:s1+$0xFB40]  }
0x97: {  	v5 =	vld [tilespmem:s1+$0xFB50]  }
0x98: {  	v6 =	vld [tilespmem:s1+$0xFB00]  }
0x99: {  	v7 =	vld [tilespmem:s1+$0xFB10]  }
0x9a: {  	v9 =	vld [tilespmem:s1+$0xFAC0]  }
0x9b: {  	v8 =	vld [tilespmem:s1+$0xFAD0]  }
0x9c: {  	v11 =	vld [tilespmem:s1+$0xFA80]  }
0x9d: {  	v10 =	vld [tilespmem:s1+$0xFA90]  }
0x9e: {  	v17 =	vld [tilespmem:s1+$0xFA40]  }
0x9f: {  	v16 =	vld [tilespmem:s1+$0xFA50]  }
0xa0: {  	v20 =	vld [tilespmem:s1+$0xFA00]  }
0xa1: {  	v15 =	vimm.f32 $0.0e+00;
	v19 =	vld [tilespmem:s1+$0xFA10]  }
0xa2: {  	v14 =	vimm.f32 $0.0e+00;
	v13 =	vimm.f32 $0.0e+00;
	v12 =	vimm.f32 $0.0e+00;
	s10 =	sor.u32 $0x1, s29;
	s12 =	simm.s32 $0x800;
	v18 =	vld [tilespmem:s1+$0xFA20]  }
.LBB2_6:
0xa3: {  	p2 =	sne.s32 s12, $0xC000;
	v21 =	vld [tilespmem:s1+$0xFA30]  }
0xa4: {  	v22 =	vld [tilespmem:s1+$0xFA60]  }
0xa5: {  	v23 =	vld [tilespmem:s1+$0xFA70]  }
0xa6: {  	v24 =	vld [tilespmem:s1+$0xFAA0]  }
0xa7: {  	v14 =	vadd.f32 v20, v14;
	v15 =	vadd.f32 v19, v15;
	v19 =	vld [tilespmem:s1+$0xFAB0]  }
0xa8: {  	v13 =	vadd.f32 v18, v13;
	v12 =	vadd.f32 v21, v12;
	v18 =	vld [tilespmem:s1+$0xFAE0]  }
0xa9: {  	v14 =	vadd.f32 v17, v14;
	v15 =	vadd.f32 v16, v15;
	v16 =	vld [tilespmem:s1+$0xFAF0]  }
0xaa: {  	v13 =	vadd.f32 v22, v13;
	v12 =	vadd.f32 v23, v12;
	v17 =	vld [tilespmem:s1+$0xFB20]  }
0xab: {  	v11 =	vadd.f32 v11, v14;
	v10 =	vadd.f32 v10, v15;
	v14 =	vld [tilespmem:s1+$0xFB30]  }
0xac: {  	v13 =	vadd.f32 v24, v13;
	v12 =	vadd.f32 v19, v12;
	v15 =	vld [tilespmem:s1+$0xFB60]  }
0xad: {  	v9 =	vadd.f32 v9, v11;
	v8 =	vadd.f32 v8, v10;
	v10 =	vld [tilespmem:s1+$0xFB70]  }
0xae: {  	v11 =	vadd.f32 v18, v13;
	v12 =	vadd.f32 v16, v12;
	v13 =	vld [tilespmem:s1+$0xFBA0]  }
0xaf: {  	v6 =	vadd.f32 v6, v9;
	v7 =	vadd.f32 v7, v8;
	v8 =	vld [tilespmem:s1+$0xFBB0]  }
0xb0: {  	v9 =	vadd.f32 v17, v11;
	v11 =	vadd.f32 v14, v12;
	v12 =	vld [tilespmem:s1+$0xFBE0]  }
0xb1: {  	v4 =	vadd.f32 v4, v6;
	v5 =	vadd.f32 v5, v7;
	v6 =	vld [tilespmem:s1+$0xFBF0];
	s1 =	sshra.s32 s12, $0x2  }
0xb2: {  	v9 =	vadd.f32 v15, v9;
	v7 =	vld [tilespmem:s1+$0xFBC0];
	v10 =	vadd.f32 v10, v11  }
0xb3: {  	v4 =	vadd.f32 v2, v4;
	v5 =	vadd.f32 v3, v5;
	v11 =	vld [tilespmem:s1+$0xFBD0]  }
0xb4: {  	v9 =	vadd.f32 v13, v9;
	v2 =	vld [tilespmem:s1+$0xFB80];
	v8 =	vadd.f32 v8, v10  }
0xb5: {  	v14 =	vadd.f32 v0, v4;
	v15 =	vadd.f32 v1, v5;
	v3 =	vld [tilespmem:s1+$0xFB90]  }
0xb6: {  	v13 =	vadd.f32 v12, v9;
	v4 =	vld [tilespmem:s1+$0xFB40];
	v12 =	vadd.f32 v6, v8  }
0xb7: {  	v5 =	vld [tilespmem:s1+$0xFB50];
	v0 =	vmov v7  }
0xb8: {  	v6 =	vld [tilespmem:s1+$0xFB00];
	v1 =	vmov v11  }
0xb9: {  	v7 =	vld [tilespmem:s1+$0xFB10]  }
0xba: {  	v9 =	vld [tilespmem:s1+$0xFAC0]  }
0xbb: {  	v8 =	vld [tilespmem:s1+$0xFAD0]  }
0xbc: {  	v11 =	vld [tilespmem:s1+$0xFA80]  }
0xbd: {  	v10 =	vld [tilespmem:s1+$0xFA90]  }
.Ltmp1:
0xbe: {  	v17 =	vld [tilespmem:s1+$0xFA40];
	(pc) =	sbr.rel @p2 .LBB2_6-.Ltmp1, $4  }
0xbf: {  	v16 =	vld [tilespmem:s1+$0xFA50]  }
0xc0: {  	v20 =	vld [tilespmem:s1+$0xFA00]  }
0xc1: {  	v19 =	vld [tilespmem:s1+$0xFA10]  }
0xc2: {  	s12 =	sadd.s32 $0x800, s12;
	v18 =	vld [tilespmem:s1+$0xFA20]  }
0xc3: {  	s12 =	smul.u32 $0x320, s10;
	_ =	sdelay $0x1  }
0xc4: {  	s12 =	sshra.s32 s12, $0x2  }
0xc5: {  	v21 =	vld [tilespmem:s12+$0x0]  }
0xc6: {  	v22 =	vld [tilespmem:s12+$0x10]  }
0xc7: {  	v23 =	vld [tilespmem:s12+$0x20]  }
0xc8: {  	v24 =	vld [tilespmem:s12+$0x30]  }
0xc9: {  	v25 =	vld [tilespmem:s12+$0x40]  }
0xca: {  	v26 =	vld [tilespmem:s12+$0x50]  }
0xcb: {  	vm1 =	vne.s32 v21, $0x0;
	vm2 =	vne.s32 v22, $0x0;
	v21 =	vld [tilespmem:s12+$0x60]  }
0xcc: {  	v22 =	vmpcnt.ones.xlane vm1;
	v27 =	vmpcnt.ones.xlane vm2;
	vm1 =	vne.s32 v23, $0x0;
	v23 =	vld [tilespmem:s12+$0x70]  }
0xcd: {  	v52 =	vld [tilespmem:s12+$0x80];
	v28 =	vmpcnt.ones.xlane vm1;
	vm1 =	vne.s32 v24, $0x0  }
0xce: {  	v54 =	vld [tilespmem:s12+$0x90];
	v22 =	vadd.s32 v22, v27;
	v53 =	vmpcnt.ones.xlane vm1;
	vm1 =	vne.s32 v25, $0x0  }
0xcf: {  	v56 =	vld [tilespmem:s12+$0xA0];
	v22 =	vadd.s32 v28, v22;
	v55 =	vmpcnt.ones.xlane vm1;
	vm1 =	vne.s32 v26, $0x0  }
0xd0: {  	v22 =	vadd.s32 v53, v22;
	v57 =	vmpcnt.ones.xlane vm1;
	vm1 =	vne.s32 v21, $0x0;
	v21 =	vld [tilespmem:s12+$0xB0]  }
0xd1: {  	v22 =	vadd.s32 v55, v22;
	v58 =	vmpcnt.ones.xlane vm1;
	vm1 =	vne.s32 v23, $0x0;
	v23 =	vld [tilespmem:s12+$0xB8]  }
0xd2: {  	vm2 =	vne.s32 v52, $0x0;
	v22 =	vadd.s32 v57, v22;
	v59 =	vmpcnt.ones.xlane vm1  }
0xd3: {  	v60 =	vmpcnt.ones.xlane vm2;
	v22 =	vadd.s32 v58, v22  }
0xd4: {  	v15 =	vadd.f32 v19, v15;
	vm1 =	vne.s32 v54, $0x0;
	v22 =	vadd.s32 v59, v22  }
0xd5: {  	v61 =	vmpcnt.ones.xlane vm1;
	vm1 =	vne.s32 v56, $0x0;
	v22 =	vadd.s32 v60, v22  }
0xd6: {  	v62 =	vld [tilespmem:s1+$0xFA30];
	vm2 =	vne.s32 v21, $0x0;
	v21 =	vmpcnt.ones.xlane vm1;
	vm1 =	vne.s32 v23, $0x0  }
0xd7: {  	v63 =	vld [tilespmem:s1+$0xFA60];
	v23 =	vmpcnt.ones.xlane vm2;
	v22 =	vadd.s32 v61, v22;
	vm1 =	vmand vm1, vm0  }
0xd8: {  	v14 =	vadd.f32 v20, v14;
	v20 =	vadd.s32 v21, v22;
	v21 =	vld [tilespmem:s1+$0xFA70];
	v22 =	vmpcnt.ones.xlane vm1  }
0xd9: {  	v15 =	vadd.f32 v16, v15;
	v19 =	vadd.s32 v23, v20;
	v20 =	vld [tilespmem:s1+$0xFAA0]  }
0xda: {  	v13 =	vadd.f32 v18, v13;
	v18 =	vld [tilespmem:s1+$0xFAB0];
	v14 =	vadd.f32 v17, v14;
	v17 =	vadd.s32 v22, v19  }
0xdb: {  	v12 =	vadd.f32 v62, v12;
	v10 =	vadd.f32 v10, v15;
	v19 =	vld [tilespmem:s1+$0xFAE0];
	v16 =	vcvt.s32.f32 v17  }
0xdc: {  	v13 =	vadd.f32 v63, v13;
	v11 =	vadd.f32 v11, v14;
	v17 =	vld [tilespmem:s1+$0xFAF0]  }
0xdd: {  	v14 =	vld [tilespmem:s1+$0xFB20];
	v8 =	vadd.f32 v8, v10;
	v12 =	vadd.f32 v21, v12;
	v15 =	vmax.f32 v16, $1.000000000e+00  }
0xde: {  	v9 =	vadd.f32 v9, v11;
	v16 =	vld [tilespmem:s1+$0xFB30];
	v13 =	vadd.f32 v20, v13;
	(erf) = vrcp.f32 v15  }
0xdf: {  	v7 =	vadd.f32 v7, v8;
	v11 =	vadd.f32 v18, v12;
	v12 =	vld [tilespmem:s1+$0xFB60]  }
0xe0: {  	v10 =	vld [tilespmem:s1+$0xFB70];
	v6 =	vadd.f32 v6, v9;
	v13 =	vadd.f32 v19, v13  }
0xe1: {  	v5 =	vadd.f32 v5, v7;
	v9 =	vadd.f32 v17, v11;
	v11 =	vld [tilespmem:s1+$0xFBA0]  }
0xe2: {  	v8 =	vld [tilespmem:s1+$0xFBB0];
	v4 =	vadd.f32 v4, v6;
	v13 =	vadd.f32 v14, v13  }
0xe3: {  	v3 =	vadd.f32 v3, v5;
	v6 =	vadd.f32 v16, v9;
	v9 =	vld [tilespmem:s1+$0xFBE0]  }
0xe4: {  	v7 =	vld [tilespmem:s1+$0xFBF0];
	v2 =	vadd.f32 v2, v4;
	v12 =	vadd.f32 v12, v13  }
0xe5: {  	v4 =	vadd.f32 v10, v6  }
0xe6: {  	v0 =	vadd.f32 v0, v2;
	v5 =	vadd.f32 v11, v12  }
0xe7: {  	v1 =	vadd.f32 v1, v3;
	v2 =	vadd.f32 v8, v4;
	v3 =	vpop (erf)  }
0xe8: {  	s12 =	sshll.u32 s10, $0x6;
	v4 =	vadd.f32 v9, v5;
	v0 =	vmul.f32 v3, v0  }
0xe9: {  	s1 =	sand.u32 $0x3FFFFFC0, s12;
	v2 =	vadd.f32 v7, v2;
	v1 =	vmul.f32 v3, v1  }
0xea: {  	[tilespmem:s1+$0x19000] =	vst v0;
	v0 =	vmul.f32 v3, v4  }
0xeb: {  	[tilespmem:s1+$0x19010] =	vst v1;
	v1 =	vmul.f32 v3, v2  }
0xec: {  	[tilespmem:s1+$0x19020] =	vst v0  }
0xed: {  	s10 =	simm.s32 @!p1 $0x80;
	s12 =	simm.s32 @!p1 $0xFA00;
	[tilespmem:s1+$0x19030] =	vst v1;
	s1 =	sadd.s32 @!p1 $0x3E8, s7  }
0xee: {  	[tilespmem:s12], [sflag:$0x2] =	stream.indirect.gather @!p1 [hbm4b:s4+s10], $0x40, s1, s10, $0xb8;
	[tilespmem:$0x1D000] =	vst v63  }
0xef: {  	s1 =	sadd.s32 @!p1 $0x468, s7;
	s10 =	simm.s32 @!p1 $0x48;
	s12 =	simm.s32 @!p1 $0x11A00  }
0xf0: {  	[tilespmem:s12], [sflag:$0x2] =	stream.indirect.gather @!p1 [hbm4b:s4+s10], $0x40, s1, s10, $0xb8;
	[tilespmem:$0x1D000] =	vst v63  }
0xf1: {  	_ =	swait.ge [sflag:s25], $0x2000  }
0xf2: {  	[sflag:s25] =	ssyncset.done $0x0  }
0xf3: {  	[sflag:s25] =	ssyncadd.s32 $0xFFFFE000  }
0xf4: {  	_ =	swait.ge [sflag:s25], $0x1200  }
0xf5: {  	[sflag:s25] =	ssyncset.done $0x0  }
0xf6: {  	s1 =	simm.s32 $0x0;
	[sflag:s25] =	ssyncadd.s32 $0xFFFFEE00  }
0xf7: {  	v0 =	vld [tilespmem:s1+$0x12DC0]  }
0xf8: {  	v1 =	vld [tilespmem:s1+$0x12DD0]  }
0xf9: {  	v2 =	vld [tilespmem:s1+$0x12D80]  }
0xfa: {  	v3 =	vld [tilespmem:s1+$0x12D90]  }
0xfb: {  	v4 =	vld [tilespmem:s1+$0x12D40]  }
0xfc: {  	v5 =	vld [tilespmem:s1+$0x12D50]  }
0xfd: {  	v6 =	vld [tilespmem:s1+$0x12D00]  }
0xfe: {  	v7 =	vld [tilespmem:s1+$0x12D10]  }
0xff: {  	v9 =	vld [tilespmem:s1+$0x12CC0]  }
0x100: {  	v8 =	vld [tilespmem:s1+$0x12CD0]  }
0x101: {  	v11 =	vld [tilespmem:s1+$0x12C80]  }
0x102: {  	v10 =	vld [tilespmem:s1+$0x12C90]  }
0x103: {  	v17 =	vld [tilespmem:s1+$0x12C40]  }
0x104: {  	v16 =	vld [tilespmem:s1+$0x12C50]  }
0x105: {  	v20 =	vld [tilespmem:s1+$0x12C00]  }
0x106: {  	v15 =	vimm.f32 $0.0e+00;
	v19 =	vld [tilespmem:s1+$0x12C10]  }
0x107: {  	v14 =	vimm.f32 $0.0e+00;
	v13 =	vimm.f32 $0.0e+00;
	v12 =	vimm.f32 $0.0e+00;
	s10 =	sor.u32 $0x2, s29;
	s12 =	simm.s32 $0x800;
	v18 =	vld [tilespmem:s1+$0x12C20]  }
.LBB2_8:
0x108: {  	p2 =	sne.s32 s12, $0xC000;
	v21 =	vld [tilespmem:s1+$0x12C30]  }
0x109: {  	v22 =	vld [tilespmem:s1+$0x12C60]  }
0x10a: {  	v23 =	vld [tilespmem:s1+$0x12C70]  }
0x10b: {  	v24 =	vld [tilespmem:s1+$0x12CA0]  }
0x10c: {  	v14 =	vadd.f32 v20, v14;
	v15 =	vadd.f32 v19, v15;
	v19 =	vld [tilespmem:s1+$0x12CB0]  }
0x10d: {  	v13 =	vadd.f32 v18, v13;
	v12 =	vadd.f32 v21, v12;
	v18 =	vld [tilespmem:s1+$0x12CE0]  }
0x10e: {  	v14 =	vadd.f32 v17, v14;
	v15 =	vadd.f32 v16, v15;
	v16 =	vld [tilespmem:s1+$0x12CF0]  }
0x10f: {  	v13 =	vadd.f32 v22, v13;
	v12 =	vadd.f32 v23, v12;
	v17 =	vld [tilespmem:s1+$0x12D20]  }
0x110: {  	v11 =	vadd.f32 v11, v14;
	v10 =	vadd.f32 v10, v15;
	v14 =	vld [tilespmem:s1+$0x12D30]  }
0x111: {  	v13 =	vadd.f32 v24, v13;
	v12 =	vadd.f32 v19, v12;
	v15 =	vld [tilespmem:s1+$0x12D60]  }
0x112: {  	v9 =	vadd.f32 v9, v11;
	v8 =	vadd.f32 v8, v10;
	v10 =	vld [tilespmem:s1+$0x12D70]  }
0x113: {  	v11 =	vadd.f32 v18, v13;
	v12 =	vadd.f32 v16, v12;
	v13 =	vld [tilespmem:s1+$0x12DA0]  }
0x114: {  	v6 =	vadd.f32 v6, v9;
	v7 =	vadd.f32 v7, v8;
	v8 =	vld [tilespmem:s1+$0x12DB0]  }
0x115: {  	v9 =	vadd.f32 v17, v11;
	v11 =	vadd.f32 v14, v12;
	v12 =	vld [tilespmem:s1+$0x12DE0]  }
0x116: {  	v4 =	vadd.f32 v4, v6;
	v5 =	vadd.f32 v5, v7;
	v6 =	vld [tilespmem:s1+$0x12DF0];
	s1 =	sshra.s32 s12, $0x2  }
0x117: {  	v9 =	vadd.f32 v15, v9;
	v7 =	vld [tilespmem:s1+$0x12DC0];
	v10 =	vadd.f32 v10, v11  }
0x118: {  	v4 =	vadd.f32 v2, v4;
	v5 =	vadd.f32 v3, v5;
	v11 =	vld [tilespmem:s1+$0x12DD0]  }
0x119: {  	v9 =	vadd.f32 v13, v9;
	v2 =	vld [tilespmem:s1+$0x12D80];
	v8 =	vadd.f32 v8, v10  }
0x11a: {  	v14 =	vadd.f32 v0, v4;
	v15 =	vadd.f32 v1, v5;
	v3 =	vld [tilespmem:s1+$0x12D90]  }
0x11b: {  	v13 =	vadd.f32 v12, v9;
	v4 =	vld [tilespmem:s1+$0x12D40];
	v12 =	vadd.f32 v6, v8  }
0x11c: {  	v5 =	vld [tilespmem:s1+$0x12D50];
	v0 =	vmov v7  }
0x11d: {  	v6 =	vld [tilespmem:s1+$0x12D00];
	v1 =	vmov v11  }
0x11e: {  	v7 =	vld [tilespmem:s1+$0x12D10]  }
0x11f: {  	v9 =	vld [tilespmem:s1+$0x12CC0]  }
0x120: {  	v8 =	vld [tilespmem:s1+$0x12CD0]  }
0x121: {  	v11 =	vld [tilespmem:s1+$0x12C80]  }
0x122: {  	v10 =	vld [tilespmem:s1+$0x12C90]  }
.Ltmp2:
0x123: {  	v17 =	vld [tilespmem:s1+$0x12C40];
	(pc) =	sbr.rel @p2 .LBB2_8-.Ltmp2, $4  }
0x124: {  	v16 =	vld [tilespmem:s1+$0x12C50]  }
0x125: {  	v20 =	vld [tilespmem:s1+$0x12C00]  }
0x126: {  	v19 =	vld [tilespmem:s1+$0x12C10]  }
0x127: {  	s12 =	sadd.s32 $0x800, s12;
	v18 =	vld [tilespmem:s1+$0x12C20]  }
0x128: {  	s12 =	smul.u32 $0x320, s10;
	_ =	sdelay $0x1  }
0x129: {  	s12 =	sshra.s32 s12, $0x2  }
0x12a: {  	v21 =	vld [tilespmem:s12+$0x0]  }
0x12b: {  	v22 =	vld [tilespmem:s12+$0x10]  }
0x12c: {  	v23 =	vld [tilespmem:s12+$0x20]  }
0x12d: {  	v24 =	vld [tilespmem:s12+$0x30]  }
0x12e: {  	v25 =	vld [tilespmem:s12+$0x40]  }
0x12f: {  	v26 =	vld [tilespmem:s12+$0x50]  }
0x130: {  	vm1 =	vne.s32 v21, $0x0;
	vm2 =	vne.s32 v22, $0x0;
	v21 =	vld [tilespmem:s12+$0x60]  }
0x131: {  	v22 =	vmpcnt.ones.xlane vm1;
	v27 =	vmpcnt.ones.xlane vm2;
	vm1 =	vne.s32 v23, $0x0;
	v23 =	vld [tilespmem:s12+$0x70]  }
0x132: {  	v52 =	vld [tilespmem:s12+$0x80];
	v28 =	vmpcnt.ones.xlane vm1;
	vm1 =	vne.s32 v24, $0x0  }
0x133: {  	v54 =	vld [tilespmem:s12+$0x90];
	v22 =	vadd.s32 v22, v27;
	v53 =	vmpcnt.ones.xlane vm1;
	vm1 =	vne.s32 v25, $0x0  }
0x134: {  	v56 =	vld [tilespmem:s12+$0xA0];
	v22 =	vadd.s32 v28, v22;
	v55 =	vmpcnt.ones.xlane vm1;
	vm1 =	vne.s32 v26, $0x0  }
0x135: {  	v22 =	vadd.s32 v53, v22;
	v57 =	vmpcnt.ones.xlane vm1;
	vm1 =	vne.s32 v21, $0x0;
	v21 =	vld [tilespmem:s12+$0xB0]  }
0x136: {  	v22 =	vadd.s32 v55, v22;
	v58 =	vmpcnt.ones.xlane vm1;
	vm1 =	vne.s32 v23, $0x0;
	v23 =	vld [tilespmem:s12+$0xB8]  }
0x137: {  	vm2 =	vne.s32 v52, $0x0;
	v22 =	vadd.s32 v57, v22;
	v59 =	vmpcnt.ones.xlane vm1  }
0x138: {  	v60 =	vmpcnt.ones.xlane vm2;
	v22 =	vadd.s32 v58, v22  }
0x139: {  	v15 =	vadd.f32 v19, v15;
	vm1 =	vne.s32 v54, $0x0;
	v22 =	vadd.s32 v59, v22  }
0x13a: {  	v61 =	vmpcnt.ones.xlane vm1;
	vm1 =	vne.s32 v56, $0x0;
	v22 =	vadd.s32 v60, v22  }
0x13b: {  	v62 =	vld [tilespmem:s1+$0x12C30];
	vm2 =	vne.s32 v21, $0x0;
	v21 =	vmpcnt.ones.xlane vm1;
	vm1 =	vne.s32 v23, $0x0  }
0x13c: {  	v63 =	vld [tilespmem:s1+$0x12C60];
	v23 =	vmpcnt.ones.xlane vm2;
	v22 =	vadd.s32 v61, v22;
	vm1 =	vmand vm1, vm0  }
0x13d: {  	v14 =	vadd.f32 v20, v14;
	v20 =	vadd.s32 v21, v22;
	v21 =	vld [tilespmem:s1+$0x12C70];
	v22 =	vmpcnt.ones.xlane vm1  }
0x13e: {  	v15 =	vadd.f32 v16, v15;
	v19 =	vadd.s32 v23, v20;
	v20 =	vld [tilespmem:s1+$0x12CA0]  }
0x13f: {  	v13 =	vadd.f32 v18, v13;
	v18 =	vld [tilespmem:s1+$0x12CB0];
	v14 =	vadd.f32 v17, v14;
	v17 =	vadd.s32 v22, v19  }
0x140: {  	v12 =	vadd.f32 v62, v12;
	v10 =	vadd.f32 v10, v15;
	v19 =	vld [tilespmem:s1+$0x12CE0];
	v16 =	vcvt.s32.f32 v17  }
0x141: {  	v13 =	vadd.f32 v63, v13;
	v11 =	vadd.f32 v11, v14;
	v17 =	vld [tilespmem:s1+$0x12CF0]  }
0x142: {  	v14 =	vld [tilespmem:s1+$0x12D20];
	v8 =	vadd.f32 v8, v10;
	v12 =	vadd.f32 v21, v12;
	v15 =	vmax.f32 v16, $1.000000000e+00  }
0x143: {  	v9 =	vadd.f32 v9, v11;
	v16 =	vld [tilespmem:s1+$0x12D30];
	v13 =	vadd.f32 v20, v13;
	(erf) = vrcp.f32 v15  }
0x144: {  	v7 =	vadd.f32 v7, v8;
	v11 =	vadd.f32 v18, v12;
	v12 =	vld [tilespmem:s1+$0x12D60]  }
0x145: {  	v10 =	vld [tilespmem:s1+$0x12D70];
	v6 =	vadd.f32 v6, v9;
	v13 =	vadd.f32 v19, v13  }
0x146: {  	v5 =	vadd.f32 v5, v7;
	v9 =	vadd.f32 v17, v11;
	v11 =	vld [tilespmem:s1+$0x12DA0]  }
0x147: {  	v8 =	vld [tilespmem:s1+$0x12DB0];
	v4 =	vadd.f32 v4, v6;
	v13 =	vadd.f32 v14, v13  }
0x148: {  	v3 =	vadd.f32 v3, v5;
	v6 =	vadd.f32 v16, v9;
	v9 =	vld [tilespmem:s1+$0x12DE0]  }
0x149: {  	v7 =	vld [tilespmem:s1+$0x12DF0];
	v2 =	vadd.f32 v2, v4;
	v12 =	vadd.f32 v12, v13  }
0x14a: {  	v4 =	vadd.f32 v10, v6  }
0x14b: {  	v0 =	vadd.f32 v0, v2;
	v5 =	vadd.f32 v11, v12  }
0x14c: {  	v1 =	vadd.f32 v1, v3;
	v2 =	vadd.f32 v8, v4;
	v3 =	vpop (erf)  }
0x14d: {  	s29 =	sshll.u32 s10, $0x6;
	v4 =	vadd.f32 v9, v5;
	v0 =	vmul.f32 v3, v0  }
0x14e: {  	s1 =	sand.u32 $0x3FFFFFC0, s29;
	v2 =	vadd.f32 v7, v2;
	v1 =	vmul.f32 v3, v1  }
0x14f: {  	[tilespmem:s1+$0x19000] =	vst v0;
	v0 =	vmul.f32 v3, v4  }
0x150: {  	[tilespmem:s1+$0x19010] =	vst v1;
	v1 =	vmul.f32 v3, v2  }
0x151: {  	[tilespmem:s1+$0x19020] =	vst v0  }
0x152: {  	s10 =	simm.s32 @!p1 $0x80;
	s12 =	simm.s32 @!p1 $0x12C00;
	[tilespmem:s1+$0x19030] =	vst v1;
	s1 =	sadd.s32 @!p1 $0x4B0, s7  }
0x153: {  	[tilespmem:s12], [sflag:$0x3] =	stream.indirect.gather @!p1 [hbm4b:s4+s10], $0x40, s1, s10, $0xb8;
	[tilespmem:$0x1D000] =	vst v63  }
0x154: {  	s1 =	sadd.s32 @!p1 $0x530, s7;
	s7 =	simm.s32 @!p1 $0x48;
	s10 =	simm.s32 @!p1 $0x14C00  }
0x155: {  	[tilespmem:s10], [sflag:$0x3] =	stream.indirect.gather @!p1 [hbm4b:s4+s7], $0x40, s1, s7, $0xb8;
	[tilespmem:$0x1D000] =	vst v63  }
0x156: {  	_ =	swait.ge [sflag:s26], $0x2000  }
0x157: {  	[sflag:s26] =	ssyncset.done $0x0  }
0x158: {  	[sflag:s26] =	ssyncadd.s32 $0xFFFFE000  }
0x159: {  	_ =	swait.ge [sflag:s26], $0x1200  }
0x15a: {  	[sflag:s26] =	ssyncset.done $0x0  }
0x15b: {  	s1 =	simm.s32 $0x0;
	[sflag:s26] =	ssyncadd.s32 $0xFFFFEE00  }
0x15c: {  	v0 =	vld [tilespmem:s1+$0x15FC0]  }
0x15d: {  	v1 =	vld [tilespmem:s1+$0x15FD0]  }
0x15e: {  	v2 =	vld [tilespmem:s1+$0x15F80]  }
0x15f: {  	v3 =	vld [tilespmem:s1+$0x15F90]  }
0x160: {  	v4 =	vld [tilespmem:s1+$0x15F40]  }
0x161: {  	v5 =	vld [tilespmem:s1+$0x15F50]  }
0x162: {  	v6 =	vld [tilespmem:s1+$0x15F00]  }
0x163: {  	v7 =	vld [tilespmem:s1+$0x15F10]  }
0x164: {  	v9 =	vld [tilespmem:s1+$0x15EC0]  }
0x165: {  	v8 =	vld [tilespmem:s1+$0x15ED0]  }
0x166: {  	v11 =	vld [tilespmem:s1+$0x15E80]  }
0x167: {  	v10 =	vld [tilespmem:s1+$0x15E90]  }
0x168: {  	v17 =	vld [tilespmem:s1+$0x15E40]  }
0x169: {  	v16 =	vld [tilespmem:s1+$0x15E50]  }
0x16a: {  	v20 =	vld [tilespmem:s1+$0x15E00]  }
0x16b: {  	v15 =	vimm.f32 $0.0e+00;
	v19 =	vld [tilespmem:s1+$0x15E10]  }
0x16c: {  	v14 =	vimm.f32 $0.0e+00;
	v13 =	vimm.f32 $0.0e+00;
	v12 =	vimm.f32 $0.0e+00;
	s7 =	simm.s32 $0x800;
	v18 =	vld [tilespmem:s1+$0x15E20]  }
.LBB2_10:
0x16d: {  	p1 =	sne.s32 s7, $0xC000;
	v21 =	vld [tilespmem:s1+$0x15E30]  }
0x16e: {  	v22 =	vld [tilespmem:s1+$0x15E60]  }
0x16f: {  	v23 =	vld [tilespmem:s1+$0x15E70]  }
0x170: {  	v24 =	vld [tilespmem:s1+$0x15EA0]  }
0x171: {  	v14 =	vadd.f32 v20, v14;
	v15 =	vadd.f32 v19, v15;
	v19 =	vld [tilespmem:s1+$0x15EB0]  }
0x172: {  	v13 =	vadd.f32 v18, v13;
	v12 =	vadd.f32 v21, v12;
	v18 =	vld [tilespmem:s1+$0x15EE0]  }
0x173: {  	v14 =	vadd.f32 v17, v14;
	v15 =	vadd.f32 v16, v15;
	v16 =	vld [tilespmem:s1+$0x15EF0]  }
0x174: {  	v13 =	vadd.f32 v22, v13;
	v12 =	vadd.f32 v23, v12;
	v17 =	vld [tilespmem:s1+$0x15F20]  }
0x175: {  	v11 =	vadd.f32 v11, v14;
	v10 =	vadd.f32 v10, v15;
	v14 =	vld [tilespmem:s1+$0x15F30]  }
0x176: {  	v13 =	vadd.f32 v24, v13;
	v12 =	vadd.f32 v19, v12;
	v15 =	vld [tilespmem:s1+$0x15F60]  }
0x177: {  	v9 =	vadd.f32 v9, v11;
	v8 =	vadd.f32 v8, v10;
	v10 =	vld [tilespmem:s1+$0x15F70]  }
0x178: {  	v11 =	vadd.f32 v18, v13;
	v12 =	vadd.f32 v16, v12;
	v13 =	vld [tilespmem:s1+$0x15FA0]  }
0x179: {  	v6 =	vadd.f32 v6, v9;
	v7 =	vadd.f32 v7, v8;
	v8 =	vld [tilespmem:s1+$0x15FB0]  }
0x17a: {  	v9 =	vadd.f32 v17, v11;
	v11 =	vadd.f32 v14, v12;
	v12 =	vld [tilespmem:s1+$0x15FE0]  }
0x17b: {  	v4 =	vadd.f32 v4, v6;
	v5 =	vadd.f32 v5, v7;
	v6 =	vld [tilespmem:s1+$0x15FF0];
	s1 =	sshra.s32 s7, $0x2  }
0x17c: {  	v9 =	vadd.f32 v15, v9;
	v7 =	vld [tilespmem:s1+$0x15FC0];
	v10 =	vadd.f32 v10, v11  }
0x17d: {  	v4 =	vadd.f32 v2, v4;
	v5 =	vadd.f32 v3, v5;
	v11 =	vld [tilespmem:s1+$0x15FD0]  }
0x17e: {  	v9 =	vadd.f32 v13, v9;
	v2 =	vld [tilespmem:s1+$0x15F80];
	v8 =	vadd.f32 v8, v10  }
0x17f: {  	v14 =	vadd.f32 v0, v4;
	v15 =	vadd.f32 v1, v5;
	v3 =	vld [tilespmem:s1+$0x15F90]  }
0x180: {  	v13 =	vadd.f32 v12, v9;
	v4 =	vld [tilespmem:s1+$0x15F40];
	v12 =	vadd.f32 v6, v8  }
0x181: {  	v5 =	vld [tilespmem:s1+$0x15F50];
	v0 =	vmov v7  }
0x182: {  	v6 =	vld [tilespmem:s1+$0x15F00];
	v1 =	vmov v11  }
0x183: {  	v7 =	vld [tilespmem:s1+$0x15F10]  }
0x184: {  	v9 =	vld [tilespmem:s1+$0x15EC0]  }
0x185: {  	v8 =	vld [tilespmem:s1+$0x15ED0]  }
0x186: {  	v11 =	vld [tilespmem:s1+$0x15E80]  }
0x187: {  	v10 =	vld [tilespmem:s1+$0x15E90]  }
.Ltmp3:
0x188: {  	v17 =	vld [tilespmem:s1+$0x15E40];
	(pc) =	sbr.rel @p1 .LBB2_10-.Ltmp3, $4  }
0x189: {  	v16 =	vld [tilespmem:s1+$0x15E50]  }
0x18a: {  	v20 =	vld [tilespmem:s1+$0x15E00]  }
0x18b: {  	v19 =	vld [tilespmem:s1+$0x15E10]  }
0x18c: {  	s7 =	sadd.s32 $0x800, s7;
	v18 =	vld [tilespmem:s1+$0x15E20]  }
0x18d: {  	v21 =	vld [tilespmem:s2+$0x0]  }
0x18e: {  	v22 =	vld [tilespmem:s2+$0x10]  }
0x18f: {  	v23 =	vld [tilespmem:s2+$0x20]  }
0x190: {  	v24 =	vld [tilespmem:s2+$0x30]  }
0x191: {  	v53 =	vld [tilespmem:s2+$0x80]  }
0x192: {  	v25 =	vld [tilespmem:s2+$0x40]  }
0x193: {  	v26 =	vld [tilespmem:s2+$0x50]  }
0x194: {  	v50 =	vld [tilespmem:s2+$0x60];
	vm1 =	vne.s32 v21, $0x0;
	vm2 =	vne.s32 v22, $0x0  }
0x195: {  	v52 =	vld [tilespmem:s2+$0x70];
	v51 =	vmpcnt.ones.xlane vm1;
	v27 =	vmpcnt.ones.xlane vm2;
	vm1 =	vne.s32 v23, $0x0  }
0x196: {  	v55 =	vld [tilespmem:s2+$0x90];
	vm2 =	vne.s32 v53, $0x0;
	v28 =	vmpcnt.ones.xlane vm1;
	vm1 =	vne.s32 v24, $0x0  }
0x197: {  	v59 =	vld [tilespmem:s2+$0xB0];
	v22 =	vadd.s32 v51, v27;
	v54 =	vmpcnt.ones.xlane vm1;
	vm1 =	vne.s32 v25, $0x0  }
0x198: {  	v57 =	vld [tilespmem:s2+$0xA0];
	v22 =	vadd.s32 v28, v22;
	v56 =	vmpcnt.ones.xlane vm1;
	vm1 =	vne.s32 v26, $0x0  }
0x199: {  	v61 =	vld [tilespmem:s2+$0xB8];
	v22 =	vadd.s32 v54, v22;
	v58 =	vmpcnt.ones.xlane vm1;
	vm1 =	vne.s32 v50, $0x0  }
0x19a: {  	v22 =	vadd.s32 v56, v22;
	v60 =	vmpcnt.ones.xlane vm1;
	vm1 =	vne.s32 v52, $0x0  }
0x19b: {  	v63 =	vmpcnt.ones.xlane vm2;
	v22 =	vadd.s32 v58, v22;
	v62 =	vmpcnt.ones.xlane vm1  }
0x19c: {  	vm2 =	vne.s32 v59, $0x0;
	vm1 =	vne.s32 v55, $0x0;
	v22 =	vadd.s32 v60, v22  }
0x19d: {  	v30 =	vmpcnt.ones.xlane vm1;
	vm1 =	vne.s32 v57, $0x0;
	v22 =	vadd.s32 v62, v22  }
0x19e: {  	v31 =	vld [tilespmem:s1+$0x15E30];
	v32 =	vmpcnt.ones.xlane vm1;
	vm1 =	vne.s32 v61, $0x0;
	v22 =	vadd.s32 v63, v22  }
0x19f: {  	v34 =	vld [tilespmem:s1+$0x15E60];
	v33 =	vmpcnt.ones.xlane vm2;
	vm1 =	vmand vm1, vm0;
	v22 =	vadd.s32 v30, v22  }
0x1a0: {  	v36 =	vld [tilespmem:s1+$0x15E70];
	v14 =	vadd.f32 v20, v14;
	v37 =	vmpcnt.ones.xlane vm1;
	v35 =	vadd.s32 v32, v22  }
0x1a1: {  	v39 =	vld [tilespmem:s1+$0x15EA0];
	v15 =	vadd.f32 v19, v15;
	v38 =	vadd.s32 v33, v35  }
0x1a2: {  	v40 =	vld [tilespmem:s1+$0x15EB0];
	v13 =	vadd.f32 v18, v13;
	v14 =	vadd.f32 v17, v14;
	v41 =	vadd.s32 v37, v38  }
0x1a3: {  	v42 =	vld [tilespmem:s1+$0x15EE0];
	v12 =	vadd.f32 v31, v12;
	v15 =	vadd.f32 v16, v15;
	v43 =	vcvt.s32.f32 v41  }
0x1a4: {  	v44 =	vld [tilespmem:s1+$0x15EF0];
	v13 =	vadd.f32 v34, v13;
	v11 =	vadd.f32 v11, v14  }
0x1a5: {  	v45 =	vld [tilespmem:s1+$0x15F20];
	v12 =	vadd.f32 v36, v12;
	v10 =	vadd.f32 v10, v15;
	v46 =	vmax.f32 v43, $1.000000000e+00  }
0x1a6: {  	v47 =	vld [tilespmem:s1+$0x15F30];
	v13 =	vadd.f32 v39, v13;
	v9 =	vadd.f32 v9, v11;
	(erf) = vrcp.f32 v46  }
0x1a7: {  	v49 =	vld [tilespmem:s1+$0x15F60];
	v48 =	vadd.f32 v40, v12;
	v8 =	vadd.f32 v8, v10  }
0x1a8: {  	v50 =	vld [tilespmem:s1+$0x15F70];
	v13 =	vadd.f32 v42, v13;
	v6 =	vadd.f32 v6, v9  }
0x1a9: {  	v51 =	vadd.f32 v44, v48;
	v52 =	vld [tilespmem:s1+$0x15FA0];
	v7 =	vadd.f32 v7, v8  }
0x1aa: {  	v53 =	vld [tilespmem:s1+$0x15FB0];
	v13 =	vadd.f32 v45, v13;
	v4 =	vadd.f32 v4, v6  }
0x1ab: {  	v55 =	vld [tilespmem:s1+$0x15FE0];
	v54 =	vadd.f32 v47, v51;
	v5 =	vadd.f32 v5, v7  }
0x1ac: {  	v56 =	vld [tilespmem:s1+$0x15FF0];
	v12 =	vadd.f32 v49, v13;
	v2 =	vadd.f32 v2, v4  }
0x1ad: {  	v57 =	vadd.f32 v50, v54;
	v3 =	vadd.f32 v3, v5  }
0x1ae: {  	v58 =	vadd.f32 v52, v12;
	v0 =	vadd.f32 v0, v2  }
0x1af: {  	s31 =	sadd.s32 $0x1, s31;
	v59 =	vadd.f32 v53, v57;
	v1 =	vadd.f32 v1, v3;
	v60 =	vpop (erf)  }
0x1b0: {  	s0 =	sshll.u32 s0, $0x6;
	p1 =	sne.s32 s31, $0x40;
	v61 =	vadd.f32 v55, v58;
	v0 =	vmul.f32 v60, v0  }
.Ltmp4:
0x1b1: {  	s0 =	sand.u32 $0x3FFFFFC0, s0;
	v2 =	vadd.f32 v56, v59;
	v1 =	vmul.f32 v60, v1;
	(pc) =	sbr.rel @p1 .LBB2_3-.Ltmp4, $4  }
0x1b2: {  	v62 =	vmul.f32 v60, v61;
	[tilespmem:s0+$0x19000] =	vst v0  }
0x1b3: {  	v63 =	vmul.f32 v60, v2;
	[tilespmem:s0+$0x19010] =	vst v1  }
0x1b4: {  	[tilespmem:s0+$0x19020] =	vst v62  }
0x1b5: {  	[tilespmem:s0+$0x19030] =	vst v63  }
0x1b6: {  	s0 =	sshll.u32 s30, $0x3  }
.Ltmp5:
0x1b7: {  	s1 =	simm.s32 $0x0;
	s0 =	sadd.s32 s5, s0;
	(pc) =	sbr.rel @p0 .LBB2_2-.Ltmp5, $4  }
0x1b8: {  	[hbm4b:s0+s1] =	stream.linear.scatter [tilespmem:s28], [sflag:$0x5], $0x4000, $0x38;
	[tilespmem:$0x1D000] =	vst v63  }
0x1b9: {  	_ =	swait.ge [sflag:s8], $0x4000  }
0x1ba: {  	[sflag:s8] =	ssyncset.done $0x0  }
0x1bb: {  	p1 =	por $0x0, $0x0;
	s0 =	simm.s32 $0x100;
	[sflag:s8] =	ssyncadd.s32 $0xFFFFC000  }
0x1bc: {  	s1 =	rddreg [dreg:$0x3]  }
0x1bd: {  	s0 =	rddreg [dreg:$0x2];
	s1 =	sadd.s32 $0x1, s1  }
0x1be: {  	p0 =	sne.s32 s1, s0  }
.Ltmp6:
0x1bf: {  	_ = 	snop;
	(pc) =	sbr.rel @p0 .LBB2_1-.Ltmp6, $1  }
0x1c0: {  	_ =	sdelay $0x3  }
0x1c1: {  	_ =	sfence.sel $0x180000  }
0x1c2: {  	[bflag:$0x0] =	sbarrier.arrive $0xFFFF  }
0x1c3: {  	_ =	strace $0x90000047  }
0x1c4: {  	s0 =	stileid.u32;
	[bflag:$0x2] =	sbarrier.arrive $0xFFFF  }
0x1c5: {  	p0 =	sne.s32 s0, $0x0;
	s0 =	rddreg [dreg:$0x1]  }
0x1c6: {  	s0 =	sadd.s32 @!p0 $0x100000, s0  }
0x1c7: {  	[sflag:s0] =	ssyncadd.tile.s32 @!p0 $0x1;
	_ =	shalt  }
.Lfunc_end2:
_tile_overlayer_lowered:
.L_overlay_start_2:
0x1c8: {  	(tag) =	ssettag $0x2  }
0x1c9: {  	s0 =	rddreg [dreg:$0x0];
	s2 =	stileid.u32  }
0x1ca: {  	s1 =	rddreg [dreg:$0x1];
	p0 =	sne.s32 s2, $0x0  }
0x1cb: {  	s3 =	rddreg [dreg:$0x2];
	[bflag:$0x3] =	sbarrier.arrive $0xFFFF;
	s2 =	simm.s32 @!p0 $0x1C05  }
0x1cc: {  	[timem:s3], [sflag:s2] =	dma.local @!p0 [hbm:s0], s1  }
0x1cd: {  	s0 =	simm.s32 @!p0 $0x5  }
0x1ce: {  	_ =	swait.ge @!p0 [sflag:s0], s1  }
0x1cf: {  	s1 =	ssub.s32 @!p0 $0x0, s1;
	[sflag:s0] =	ssyncset.done @!p0 $0x0  }
0x1d0: {  	[sflag:s0] =	ssyncadd.s32 @!p0 s1  }
0x1d1: {  	[bflag:$0x3] =	sbarrier.arrive $0xFFFF  }
0x1d2: {  	_ =	shalt  }

</sc_bundles>
